<compile_context>
chip_gen: v7x
topology: tpu7x:2x2x1
jax: 0.10.2.dev20260603
libtpu: 0.0.44.dev20260713+nightly
codegen_flags: <defaults>
</compile_context>

<pallas_src>
import functools

import jax
import jax.numpy as jnp
from jax import lax
from jax.experimental import pallas as pl
from jax.experimental.pallas import tpu as pltpu
from jax.experimental.pallas import tpu_sc as plsc

N = 10000
NP = 10240
E = 320000
EREAL = E + N
NCORE = 2
NSUB = 16
NW = NCORE * NSUB
CHUNK = 64
CPS = 162
EP = CHUNK * CPS * NW
JUNK = 10200
ROWS_PER_SUB = NP // NSUB

H1, C1 = 8, 8
D1 = H1 * C1
ACC1_W = 80
D2 = 16
ACC2_W = 32
TBL1_W = 128
TBL2_W = 128

_F32 = jnp.float32



def _tc1_body(x_ref, w_ref, a_ref, tbl_ref):
    xl = jnp.dot(x_ref[...], w_ref[...], preferred_element_type=_F32)
    asd = jnp.dot(xl, a_ref[...], preferred_element_type=_F32)
    z = jnp.zeros((xl.shape[0], TBL1_W - D1 - 16), _F32)
    tbl_ref[...] = jnp.concatenate([xl, asd, z], axis=1)


def _tc1(x_pad, W1, A1):
    blk = 512
    return pl.pallas_call(
        _tc1_body,
        grid=(NP // blk,),
        in_specs=[pl.BlockSpec((blk, 128), lambda i: (i, 0)),
                  pl.BlockSpec((128, D1), lambda i: (0, 0)),
                  pl.BlockSpec((D1, 16), lambda i: (0, 0))],
        out_specs=pl.BlockSpec((blk, TBL1_W), lambda i: (i, 0)),
        out_shape=jax.ShapeDtypeStruct((NP, TBL1_W), _F32),
    )(x_pad, W1, A1)


def _elu(v):
    return jnp.where(v > 0, v, jnp.exp(jnp.minimum(v, 0.0)) - 1.0)


def _tc2_body(p0_ref, p1_ref, r_ref, b1_ref, w2_ref, a2_ref, tbl_ref):
    p0 = p0_ref[...]
    p1 = p1_ref[...]
    num = p0[:, 0:D1] + p1[:, 0:D1]
    den = p0[:, D1:D1 + 8] + p1[:, D1:D1 + 8]
    denr = jnp.dot(den, r_ref[...], preferred_element_type=_F32)
    h = _elu(num / denr + b1_ref[...])
    xl2 = jnp.dot(h, w2_ref[...], preferred_element_type=_F32)
    asd = jnp.dot(xl2, a2_ref[...], preferred_element_type=_F32)
    z = jnp.zeros((xl2.shape[0], TBL2_W - D2 - 2), _F32)
    tbl_ref[...] = jnp.concatenate([xl2, asd, z], axis=1)


def _tc2(p0, p1, R, b1, W2, A2):
    blk = 512
    return pl.pallas_call(
        _tc2_body,
        grid=(NP // blk,),
        in_specs=[pl.BlockSpec((blk, ACC1_W), lambda i: (i, 0)),
                  pl.BlockSpec((blk, ACC1_W), lambda i: (i, 0)),
                  pl.BlockSpec((8, D1), lambda i: (0, 0)),
                  pl.BlockSpec((1, D1), lambda i: (0, 0)),
                  pl.BlockSpec((D1, D2), lambda i: (0, 0)),
                  pl.BlockSpec((D2, 2), lambda i: (0, 0))],
        out_specs=pl.BlockSpec((blk, TBL2_W), lambda i: (i, 0)),
        out_shape=jax.ShapeDtypeStruct((NP, TBL2_W), _F32),
    )(p0, p1, R, b1, W2, A2)


def _tc3_body(p0_ref, p1_ref, b2_ref, out_ref):
    p0 = p0_ref[...]
    p1 = p1_ref[...]
    num = p0[:, 0:D2] + p1[:, 0:D2]
    den = p0[:, D2:D2 + 1] + p1[:, D2:D2 + 1]
    denb = jnp.broadcast_to(den, num.shape)
    out_ref[...] = _elu(num / denb + b2_ref[...])


def _tc3(p0, p1, b2):
    blk = 512
    return pl.pallas_call(
        _tc3_body,
        grid=(NP // blk,),
        in_specs=[pl.BlockSpec((blk, ACC2_W), lambda i: (i, 0)),
                  pl.BlockSpec((blk, ACC2_W), lambda i: (i, 0)),
                  pl.BlockSpec((1, D2), lambda i: (0, 0))],
        out_specs=pl.BlockSpec((blk, D2), lambda i: (i, 0)),
        out_shape=jax.ShapeDtypeStruct((NP, D2), _F32),
    )(p0, p1, b2)



def _sc_edge_pass(src3d, dst3d, tbl, tbl_w, acc_w, n_feat, n_extra):
    mesh = plsc.VectorSubcoreMesh(core_axis_name="c", subcore_axis_name="s")

    @functools.partial(
        pl.kernel,
        out_type=jax.ShapeDtypeStruct((NCORE, NP, acc_w), _F32),
        mesh=mesh,
        compiler_params=pltpu.CompilerParams(needs_layout_passes=False),
        scratch_types=[
            pltpu.VMEM((CHUNK,), jnp.int32),
            pltpu.VMEM((CHUNK,), jnp.int32),
            pltpu.VMEM((CHUNK,), jnp.int32),
            pltpu.VMEM((CHUNK,), jnp.int32),
            pltpu.VMEM((CHUNK, tbl_w), _F32),
            pltpu.VMEM((CHUNK, tbl_w), _F32),
            pltpu.VMEM((CHUNK, tbl_w), _F32),
            pltpu.VMEM((CHUNK, tbl_w), _F32),
            pltpu.VMEM((CHUNK, acc_w), _F32),
            pltpu.VMEM_SHARED((NP, acc_w), _F32),
            pltpu.SemaphoreType.DMA,
            pltpu.SemaphoreType.DMA,
        ],
    )
    def k(src_hbm, dst_hbm, tbl_hbm, acc_out,
          src_0, src_1, dst_0, dst_1, rowsA_0, rowsA_1, rowsB_0, rowsB_1,
          msg_v, acc_sh, sem_i, sem_g):
        c = lax.axis_index("c")
        s = lax.axis_index("s")
        wid = c * NSUB + s
        SRC = (src_0, src_1)
        DST = (dst_0, dst_1)
        RA = (rowsA_0, rowsA_1)
        RB = (rowsB_0, rowsB_1)

        zeros16 = jnp.zeros((16,), _F32)

        def zrow(i, carry):
            for j in range(acc_w // 16):
                msg_v[i, pl.ds(j * 16, 16)] = zeros16
            if acc_w % 16:
                msg_v[i, pl.ds(acc_w - 16, 16)] = zeros16
            return carry
        lax.fori_loop(0, CHUNK, zrow, 0)
        for kk in range(ROWS_PER_SUB // CHUNK):
            pltpu.sync_copy(
                msg_v, acc_sh.at[pl.ds(s * ROWS_PER_SUB + kk * CHUNK, CHUNK)])
        plsc.subcore_barrier()

        lane = lax.iota(jnp.int32, 16)

        def fire_idx(q, p):
            pltpu.async_copy(src_hbm.at[wid, q], SRC[p], sem_i)
            pltpu.async_copy(dst_hbm.at[wid, q], DST[p], sem_i)

        def wait_idx(p):
            pltpu.make_async_copy(src_hbm.at[wid, 0], SRC[p], sem_i).wait()
            pltpu.make_async_copy(dst_hbm.at[wid, 0], DST[p], sem_i).wait()

        def fire_rows(p):
            pltpu.async_copy(tbl_hbm.at[SRC[p]], RA[p], sem_g)
            pltpu.async_copy(tbl_hbm.at[DST[p]], RB[p], sem_g)

        def wait_rows(p):
            pltpu.make_async_copy(tbl_hbm.at[SRC[p]], RA[p], sem_g).wait()
            pltpu.make_async_copy(tbl_hbm.at[DST[p]], RB[p], sem_g).wait()

        _dn = lax.GatherDimensionNumbers(
            offset_dims=(), collapsed_slice_dims=(0,), start_index_map=(0,))

        def vgather(v, idx):
            return lax.gather(v, idx[:, None], _dn, (1,),
                              mode=lax.GatherScatterMode.PROMISE_IN_BOUNDS)

        def compute(p):
            rows_v = RA[p]
            rows2_v = RB[p]

            if n_extra == H1:
                def edge_body(e, carry2):
                    sv = rows_v[e, pl.ds(D1, 16)]
                    dv = rows2_v[e, pl.ds(D1, 16)]
                    ald = vgather(dv, jnp.minimum(lane + 8, 15))
                    a = sv + ald
                    a = jnp.maximum(a, 0.2 * a)
                    ex = jnp.exp(a)
                    msg_v[e, pl.ds(D1, 16)] = jnp.where(lane < 8, ex, 0.0)
                    for t in range(4):
                        ext = vgather(ex, (lane >> 3) + 2 * t)
                        msg_v[e, pl.ds(16 * t, 16)] = (
                            rows_v[e, pl.ds(16 * t, 16)] * ext)
                    return carry2
            else:
                def edge_body(e, carry2):
                    sv = rows_v[e, pl.ds(D2, 16)]
                    dv = rows2_v[e, pl.ds(D2, 16)]
                    a = vgather(sv, lane * 0) + vgather(dv, lane * 0 + 1)
                    a = jnp.maximum(a, 0.2 * a)
                    ex = jnp.exp(a)
                    msg_v[e, pl.ds(0, 16)] = rows_v[e, pl.ds(0, 16)] * ex
                    msg_v[e, pl.ds(16, 16)] = jnp.where(lane < 1, ex, 0.0)
                    return carry2
            lax.fori_loop(0, CHUNK, edge_body, 0)

        fire_idx(0, 0)
        wait_idx(0)
        fire_rows(0)
        fire_idx(1, 1)

        def pair_body(i, carry):
            q = 2 * i
            wait_rows(0)
            compute(0)
            wait_idx(1)
            fire_rows(1)
            pltpu.sync_copy(msg_v, acc_sh.at[DST[0]], add=True)

            @pl.when(q + 2 < CPS)
            def _():
                fire_idx(q + 2, 0)

            wait_rows(1)
            compute(1)

            @pl.when(q + 2 < CPS)
            def _():
                wait_idx(0)
                fire_rows(0)
            pltpu.sync_copy(msg_v, acc_sh.at[DST[1]], add=True)

            @pl.when(q + 3 < CPS)
            def _():
                fire_idx(q + 3, 1)
            return carry
        lax.fori_loop(0, CPS // 2, pair_body, 0)

        plsc.subcore_barrier()
        rsl = pl.ds(s * ROWS_PER_SUB, ROWS_PER_SUB)
        pltpu.sync_copy(acc_sh.at[rsl], acc_out.at[c, rsl])

    return k(src3d, dst3d, tbl)



def kernel(x, edge_index, edge_attr, W1, att_src1, att_dst1, b1,
           W2, att_src2, att_dst2, b2):
    x = x.astype(_F32)
    x_pad = jnp.zeros((NP, 128), _F32).at[:N].set(x)

    blocks = [att_src1[0, h, :, None] for h in range(H1)]
    A_src1 = jax.scipy.linalg.block_diag(*blocks)
    blocks = [att_dst1[0, h, :, None] for h in range(H1)]
    A_dst1 = jax.scipy.linalg.block_diag(*blocks)
    A1 = jnp.concatenate([A_src1, A_dst1], axis=1).astype(_F32)
    A2 = jnp.stack([att_src2[0, 0], att_dst2[0, 0]], axis=1).astype(_F32)

    R = jnp.repeat(jnp.eye(H1, dtype=_F32), C1, axis=1)

    loop_idx = jnp.arange(N, dtype=jnp.int32)
    pad = N + jnp.arange(EP - EREAL, dtype=jnp.int32) % (NP - N)
    src = jnp.concatenate([edge_index[0].astype(jnp.int32), loop_idx, pad])
    dst = jnp.concatenate([edge_index[1].astype(jnp.int32), loop_idx, pad])
    src3d = src.reshape(NW, CPS, CHUNK)
    dst3d = dst.reshape(NW, CPS, CHUNK)

    tbl1 = _tc1(x_pad, W1.astype(_F32), A1)
    acc1 = _sc_edge_pass(src3d, dst3d, tbl1, TBL1_W, ACC1_W, D1, H1)
    tbl2 = _tc2(acc1[0], acc1[1], R, b1.reshape(1, D1).astype(_F32),
                W2.astype(_F32), A2)
    acc2 = _sc_edge_pass(src3d, dst3d, tbl2, TBL2_W, ACC2_W, D2, 1)
    out = _tc3(acc2[0], acc2[1], b2.reshape(1, D2).astype(_F32))
    return out[:N]

# --- scband reference (transcript-rebuilt; emitter-appended) ---
"""Pipeline reference for scband-gat-86887188399073 (READ-ONLY COPY).

The authoritative reference and input builder live on the scoring server;
editing this copy changes nothing except your own understanding.
"""

import jax, jax.numpy as jnp
import numpy as np

N = 10000
E = 320000
F_IN = 128
H1, C1 = 8, 8
NUM_CLASSES = 16


def setup_inputs(seed: int = 0) -> dict:
    key = jax.random.key(seed)
    ks = jax.random.split(key, 12)
    x = jax.random.normal(ks[0], (N, F_IN), dtype=jnp.float32)
    edge_index = jax.random.randint(ks[1], (2, E), 0, N, dtype=jnp.int32)
    edge_attr = jax.random.normal(ks[2], (E, 4), dtype=jnp.float32)
    # conv1 params: GATConv(F_IN, 8, heads=8), concat -> out dim 64
    W1 = jax.random.normal(ks[3], (F_IN, H1 * C1), dtype=jnp.float32) * 0.1
    att_src1 = jax.random.normal(ks[4], (1, H1, C1), dtype=jnp.float32) * 0.1
    att_dst1 = jax.random.normal(ks[5], (1, H1, C1), dtype=jnp.float32) * 0.1
    b1 = jnp.zeros((H1 * C1,), dtype=jnp.float32)
    # conv2 params: GATConv(64, NUM_CLASSES, heads=1)
    W2 = jax.random.normal(ks[6], (H1 * C1, NUM_CLASSES), dtype=jnp.float32) * 0.1
    att_src2 = jax.random.normal(ks[7], (1, 1, NUM_CLASSES), dtype=jnp.float32) * 0.1
    att_dst2 = jax.random.normal(ks[8], (1, 1, NUM_CLASSES), dtype=jnp.float32) * 0.1
    b2 = jnp.zeros((NUM_CLASSES,), dtype=jnp.float32)
    return {"x": x, "edge_index": edge_index, "edge_attr": edge_attr,
            "W1": W1, "att_src1": att_src1, "att_dst1": att_dst1, "b1": b1,
            "W2": W2, "att_src2": att_src2, "att_dst2": att_dst2, "b2": b2}


def gat_conv(x, edge_index, W, a_src, a_dst, b, heads, out_ch):
    n = x.shape[0]
    xl = (x @ W).reshape(n, heads, out_ch)
    # add self loops (PyG GATConv default add_self_loops=True)
    loop = jnp.arange(n, dtype=edge_index.dtype)
    src = jnp.concatenate([edge_index[0], loop])
    dst = jnp.concatenate([edge_index[1], loop])
    al_src = jnp.sum(xl * a_src, axis=-1)  # [N, H]
    al_dst = jnp.sum(xl * a_dst, axis=-1)  # [N, H]
    alpha = al_src[src] + al_dst[dst]      # [E', H]
    alpha = jax.nn.leaky_relu(alpha, negative_slope=0.2)
    # segment softmax over incoming edges of each dst node
    amax = jax.ops.segment_max(alpha, dst, num_segments=n)
    amax = jnp.where(jnp.isfinite(amax), amax, 0.0)
    ex = jnp.exp(alpha - amax[dst])
    denom = jax.ops.segment_sum(ex, dst, num_segments=n)
    coef = ex / (denom[dst] + 1e-16)
    msg = xl[src] * coef[:, :, None]
    out = jax.ops.segment_sum(msg, dst, num_segments=n)  # [N, H, C]
    return out.reshape(n, heads * out_ch) + b


def reference(x, edge_index, edge_attr, W1, att_src1, att_dst1, b1, W2, att_src2, att_dst2, b2):
    x = x.astype(jnp.float32)
    edge_attr = edge_attr.astype(jnp.float32)  # cast as in original forward (unused by GATConv)
    h = gat_conv(x, edge_index, W1, att_src1, att_dst1, b1, H1, C1)
    h = jax.nn.elu(h)
    out = gat_conv(h, edge_index, W2, att_src2, att_dst2, b2, 1, NUM_CLASSES)
    out = jax.nn.elu(out)
    return out

if __name__ == "__main__":
    import jax
    _d = setup_inputs()
    print(jax.jit(kernel)(*tuple(_d.values())))

</pallas_src>

<mosaic_0001>
#map = affine_map<(d0, d1) -> (0, 0, 0)>
#map1 = affine_map<(d0, d1) -> (0, 0)>
module attributes {stable_mosaic.version = 14 : i64} {
  func.func @k(%arg0: i32, %arg1: i32, %arg2: memref<32x162x64xi32, #tpu.memory_space<hbm>>, %arg3: memref<32x162x64xi32, #tpu.memory_space<hbm>>, %arg4: memref<10240x128xf32, #tpu.memory_space<hbm>>, %arg5: memref<2x10240x80xf32, #tpu.memory_space<hbm>>, %arg6: memref<64xi32, #tpu.memory_space<vmem>>, %arg7: memref<64xi32, #tpu.memory_space<vmem>>, %arg8: memref<64xi32, #tpu.memory_space<vmem>>, %arg9: memref<64xi32, #tpu.memory_space<vmem>>, %arg10: memref<64x128xf32, #tpu.memory_space<vmem>>, %arg11: memref<64x128xf32, #tpu.memory_space<vmem>>, %arg12: memref<64x128xf32, #tpu.memory_space<vmem>>, %arg13: memref<64x128xf32, #tpu.memory_space<vmem>>, %arg14: memref<64x80xf32, #tpu.memory_space<vmem>>, %arg15: memref<10240x80xf32, #tpu.memory_space<vmem_shared>>, %arg16: memref<!tpu.dma_semaphore, #tpu.memory_space<semaphore_mem>>, %arg17: memref<!tpu.dma_semaphore, #tpu.memory_space<semaphore_mem>>) attributes {dimension_semantics = [#tpu.dimension_semantics<core_parallel>, #tpu.dimension_semantics<subcore_parallel>], iteration_bounds = array<i64: 2, 16>, scalar_prefetch = 0 : i64, scratch_operands = 12 : i64, tpu.core_type = #tpu.core_type<sc_vector_subcore>, window_params = [{transform_indices = #map}, {transform_indices = #map}, {transform_indices = #map1}, {transform_indices = #map}]} {
    %mul3A = arith.constant 16 : i32
    %mul3A_0 = arith.muli %arg0, %mul3A : i32
    %add3A = arith.addi %mul3A_0, %arg1 : i32
    %broadcast_in_dim3A = arith.constant 0.000000e+00 : f32
    %broadcast_in_dim3A_1 = vector.broadcast %broadcast_in_dim3A : f32 to vector<16xf32>
    %scan3A = arith.constant 0 : i32
    %scan3A_2 = arith.constant 0 : i32
    %scan3A_3 = arith.constant 64 : i32
    %scan3A_4 = arith.addi %scan3A_2, %scan3A_3 : i32
    %scan3A_5 = arith.constant 1 : i32
    scf.for %scan3A_102 = %scan3A_2 to %scan3A_4 step %scan3A_5  : i32 {
      %swap3A = arith.index_cast %scan3A_102 : i32 to index
      %swap3A_103 = arith.constant 0 : index
      %swap3A_104 = tpu.vector_load %arg14[%swap3A, %swap3A_103] {strides = array<i32>} : memref<64x80xf32, #tpu.memory_space<vmem>>, vector<16xf32>,
      tpu.vector_store %arg14[%swap3A, %swap3A_103], %broadcast_in_dim3A_1 {strides = array<i32>} : memref<64x80xf32, #tpu.memory_space<vmem>>, vector<16xf32>,
      %swap3A_105 = arith.index_cast %scan3A_102 : i32 to index
      %swap3A_106 = arith.constant 16 : index
      %swap3A_107 = tpu.vector_load %arg14[%swap3A_105, %swap3A_106] {strides = array<i32>} : memref<64x80xf32, #tpu.memory_space<vmem>>, vector<16xf32>,
      tpu.vector_store %arg14[%swap3A_105, %swap3A_106], %broadcast_in_dim3A_1 {strides = array<i32>} : memref<64x80xf32, #tpu.memory_space<vmem>>, vector<16xf32>,
      %swap3A_108 = arith.index_cast %scan3A_102 : i32 to index
      %swap3A_109 = arith.constant 32 : index
      %swap3A_110 = tpu.vector_load %arg14[%swap3A_108, %swap3A_109] {strides = array<i32>} : memref<64x80xf32, #tpu.memory_space<vmem>>, vector<16xf32>,
      tpu.vector_store %arg14[%swap3A_108, %swap3A_109], %broadcast_in_dim3A_1 {strides = array<i32>} : memref<64x80xf32, #tpu.memory_space<vmem>>, vector<16xf32>,
      %swap3A_111 = arith.index_cast %scan3A_102 : i32 to index
      %swap3A_112 = arith.constant 48 : index
      %swap3A_113 = tpu.vector_load %arg14[%swap3A_111, %swap3A_112] {strides = array<i32>} : memref<64x80xf32, #tpu.memory_space<vmem>>, vector<16xf32>,
      tpu.vector_store %arg14[%swap3A_111, %swap3A_112], %broadcast_in_dim3A_1 {strides = array<i32>} : memref<64x80xf32, #tpu.memory_space<vmem>>, vector<16xf32>,
      %swap3A_114 = arith.index_cast %scan3A_102 : i32 to index
      %swap3A_115 = arith.constant 64 : index
      %swap3A_116 = tpu.vector_load %arg14[%swap3A_114, %swap3A_115] {strides = array<i32>} : memref<64x80xf32, #tpu.memory_space<vmem>>, vector<16xf32>,
      tpu.vector_store %arg14[%swap3A_114, %swap3A_115], %broadcast_in_dim3A_1 {strides = array<i32>} : memref<64x80xf32, #tpu.memory_space<vmem>>, vector<16xf32>,
    }
    %scan3A_6 = arith.constant 64 : i32
    %mul3A_7 = arith.constant 640 : i32
    %mul3A_8 = arith.muli %arg1, %mul3A_7 : i32
    %add3A_9 = arith.constant 0 : i32
    %add3A_10 = arith.addi %mul3A_8, %add3A_9 : i32
    "tpu.region"() ({
      %run_scoped3A = tpu.sem_alloc : memref<!tpu.dma_semaphore, #tpu.memory_space<semaphore_mem>>
      %dma_start3A_102 = arith.constant 0 : i32
      %dma_start3A_103 = tpu.memref_slice %arg15[%add3A_10, %dma_start3A_102] : memref<10240x80xf32, #tpu.memory_space<vmem_shared>> -> memref<64x80xf32, #tpu.memory_space<vmem_shared>>
      %dma_start3A_104 = arith.constant 0 : i32
      %dma_start3A_105 = tpu.memref_slice %arg15[%add3A_10, %dma_start3A_104] : memref<10240x80xf32, #tpu.memory_space<vmem_shared>> -> memref<64x80xf32, #tpu.memory_space<vmem_shared>>
      tpu.enqueue_dma source(%arg14 : memref<64x80xf32, #tpu.memory_space<vmem>>) target(%dma_start3A_105 : memref<64x80xf32, #tpu.memory_space<vmem_shared>>) target_semaphore(%run_scoped3A : memref<!tpu.dma_semaphore, #tpu.memory_space<semaphore_mem>>)
      %dma_wait3A_106 = arith.constant 0 : i32
      %dma_wait3A_107 = tpu.memref_slice %arg15[%add3A_10, %dma_wait3A_106] : memref<10240x80xf32, #tpu.memory_space<vmem_shared>> -> memref<64x80xf32, #tpu.memory_space<vmem_shared>>
      %dma_wait3A_108 = arith.constant 0 : i32
      %dma_wait3A_109 = tpu.memref_slice %arg15[%add3A_10, %dma_wait3A_108] : memref<10240x80xf32, #tpu.memory_space<vmem_shared>> -> memref<64x80xf32, #tpu.memory_space<vmem_shared>>
      tpu.wait_dma2 semaphore(%run_scoped3A : memref<!tpu.dma_semaphore, #tpu.memory_space<semaphore_mem>>) src(%arg14 : memref<64x80xf32, #tpu.memory_space<vmem>>) dst(%dma_wait3A_109 : memref<64x80xf32, #tpu.memory_space<vmem_shared>>)
      tpu.yield
    }) : () -> ()
    %mul3A_11 = arith.constant 640 : i32
    %mul3A_12 = arith.muli %arg1, %mul3A_11 : i32
    %add3A_13 = arith.constant 64 : i32
    %add3A_14 = arith.addi %mul3A_12, %add3A_13 : i32
    "tpu.region"() ({
      %run_scoped3A = tpu.sem_alloc : memref<!tpu.dma_semaphore, #tpu.memory_space<semaphore_mem>>
      %dma_start3A_102 = arith.constant 0 : i32
      %dma_start3A_103 = tpu.memref_slice %arg15[%add3A_14, %dma_start3A_102] : memref<10240x80xf32, #tpu.memory_space<vmem_shared>> -> memref<64x80xf32, #tpu.memory_space<vmem_shared>>
      %dma_start3A_104 = arith.constant 0 : i32
      %dma_start3A_105 = tpu.memref_slice %arg15[%add3A_14, %dma_start3A_104] : memref<10240x80xf32, #tpu.memory_space<vmem_shared>> -> memref<64x80xf32, #tpu.memory_space<vmem_shared>>
      tpu.enqueue_dma source(%arg14 : memref<64x80xf32, #tpu.memory_space<vmem>>) target(%dma_start3A_105 : memref<64x80xf32, #tpu.memory_space<vmem_shared>>) target_semaphore(%run_scoped3A : memref<!tpu.dma_semaphore, #tpu.memory_space<semaphore_mem>>)
      %dma_wait3A_106 = arith.constant 0 : i32
      %dma_wait3A_107 = tpu.memref_slice %arg15[%add3A_14, %dma_wait3A_106] : memref<10240x80xf32, #tpu.memory_space<vmem_shared>> -> memref<64x80xf32, #tpu.memory_space<vmem_shared>>
      %dma_wait3A_108 = arith.constant 0 : i32
      %dma_wait3A_109 = tpu.memref_slice %arg15[%add3A_14, %dma_wait3A_108] : memref<10240x80xf32, #tpu.memory_space<vmem_shared>> -> memref<64x80xf32, #tpu.memory_space<vmem_shared>>
      tpu.wait_dma2 semaphore(%run_scoped3A : memref<!tpu.dma_semaphore, #tpu.memory_space<semaphore_mem>>) src(%arg14 : memref<64x80xf32, #tpu.memory_space<vmem>>) dst(%dma_wait3A_109 : memref<64x80xf32, #tpu.memory_space<vmem_shared>>)
      tpu.yield
    }) : () -> ()
    %mul3A_15 = arith.constant 640 : i32
    %mul3A_16 = arith.muli %arg1, %mul3A_15 : i32
    %add3A_17 = arith.constant 128 : i32
    %add3A_18 = arith.addi %mul3A_16, %add3A_17 : i32
    "tpu.region"() ({
      %run_scoped3A = tpu.sem_alloc : memref<!tpu.dma_semaphore, #tpu.memory_space<semaphore_mem>>
      %dma_start3A_102 = arith.constant 0 : i32
      %dma_start3A_103 = tpu.memref_slice %arg15[%add3A_18, %dma_start3A_102] : memref<10240x80xf32, #tpu.memory_space<vmem_shared>> -> memref<64x80xf32, #tpu.memory_space<vmem_shared>>
      %dma_start3A_104 = arith.constant 0 : i32
      %dma_start3A_105 = tpu.memref_slice %arg15[%add3A_18, %dma_start3A_104] : memref<10240x80xf32, #tpu.memory_space<vmem_shared>> -> memref<64x80xf32, #tpu.memory_space<vmem_shared>>
      tpu.enqueue_dma source(%arg14 : memref<64x80xf32, #tpu.memory_space<vmem>>) target(%dma_start3A_105 : memref<64x80xf32, #tpu.memory_space<vmem_shared>>) target_semaphore(%run_scoped3A : memref<!tpu.dma_semaphore, #tpu.memory_space<semaphore_mem>>)
      %dma_wait3A_106 = arith.constant 0 : i32
      %dma_wait3A_107 = tpu.memref_slice %arg15[%add3A_18, %dma_wait3A_106] : memref<10240x80xf32, #tpu.memory_space<vmem_shared>> -> memref<64x80xf32, #tpu.memory_space<vmem_shared>>
      %dma_wait3A_108 = arith.constant 0 : i32
      %dma_wait3A_109 = tpu.memref_slice %arg15[%add3A_18, %dma_wait3A_108] : memref<10240x80xf32, #tpu.memory_space<vmem_shared>> -> memref<64x80xf32, #tpu.memory_space<vmem_shared>>
      tpu.wait_dma2 semaphore(%run_scoped3A : memref<!tpu.dma_semaphore, #tpu.memory_space<semaphore_mem>>) src(%arg14 : memref<64x80xf32, #tpu.memory_space<vmem>>) dst(%dma_wait3A_109 : memref<64x80xf32, #tpu.memory_space<vmem_shared>>)
      tpu.yield
    }) : () -> ()
    %mul3A_19 = arith.constant 640 : i32
    %mul3A_20 = arith.muli %arg1, %mul3A_19 : i32
    %add3A_21 = arith.constant 192 : i32
    %add3A_22 = arith.addi %mul3A_20, %add3A_21 : i32
    "tpu.region"() ({
      %run_scoped3A = tpu.sem_alloc : memref<!tpu.dma_semaphore, #tpu.memory_space<semaphore_mem>>
      %dma_start3A_102 = arith.constant 0 : i32
      %dma_start3A_103 = tpu.memref_slice %arg15[%add3A_22, %dma_start3A_102] : memref<10240x80xf32, #tpu.memory_space<vmem_shared>> -> memref<64x80xf32, #tpu.memory_space<vmem_shared>>
      %dma_start3A_104 = arith.constant 0 : i32
      %dma_start3A_105 = tpu.memref_slice %arg15[%add3A_22, %dma_start3A_104] : memref<10240x80xf32, #tpu.memory_space<vmem_shared>> -> memref<64x80xf32, #tpu.memory_space<vmem_shared>>
      tpu.enqueue_dma source(%arg14 : memref<64x80xf32, #tpu.memory_space<vmem>>) target(%dma_start3A_105 : memref<64x80xf32, #tpu.memory_space<vmem_shared>>) target_semaphore(%run_scoped3A : memref<!tpu.dma_semaphore, #tpu.memory_space<semaphore_mem>>)
      %dma_wait3A_106 = arith.constant 0 : i32
      %dma_wait3A_107 = tpu.memref_slice %arg15[%add3A_22, %dma_wait3A_106] : memref<10240x80xf32, #tpu.memory_space<vmem_shared>> -> memref<64x80xf32, #tpu.memory_space<vmem_shared>>
      %dma_wait3A_108 = arith.constant 0 : i32
      %dma_wait3A_109 = tpu.memref_slice %arg15[%add3A_22, %dma_wait3A_108] : memref<10240x80xf32, #tpu.memory_space<vmem_shared>> -> memref<64x80xf32, #tpu.memory_space<vmem_shared>>
      tpu.wait_dma2 semaphore(%run_scoped3A : memref<!tpu.dma_semaphore, #tpu.memory_space<semaphore_mem>>) src(%arg14 : memref<64x80xf32, #tpu.memory_space<vmem>>) dst(%dma_wait3A_109 : memref<64x80xf32, #tpu.memory_space<vmem_shared>>)
      tpu.yield
    }) : () -> ()
    %mul3A_23 = arith.constant 640 : i32
    %mul3A_24 = arith.muli %arg1, %mul3A_23 : i32
    %add3A_25 = arith.constant 256 : i32
    %add3A_26 = arith.addi %mul3A_24, %add3A_25 : i32
    "tpu.region"() ({
      %run_scoped3A = tpu.sem_alloc : memref<!tpu.dma_semaphore, #tpu.memory_space<semaphore_mem>>
      %dma_start3A_102 = arith.constant 0 : i32
      %dma_start3A_103 = tpu.memref_slice %arg15[%add3A_26, %dma_start3A_102] : memref<10240x80xf32, #tpu.memory_space<vmem_shared>> -> memref<64x80xf32, #tpu.memory_space<vmem_shared>>
      %dma_start3A_104 = arith.constant 0 : i32
      %dma_start3A_105 = tpu.memref_slice %arg15[%add3A_26, %dma_start3A_104] : memref<10240x80xf32, #tpu.memory_space<vmem_shared>> -> memref<64x80xf32, #tpu.memory_space<vmem_shared>>
      tpu.enqueue_dma source(%arg14 : memref<64x80xf32, #tpu.memory_space<vmem>>) target(%dma_start3A_105 : memref<64x80xf32, #tpu.memory_space<vmem_shared>>) target_semaphore(%run_scoped3A : memref<!tpu.dma_semaphore, #tpu.memory_space<semaphore_mem>>)
      %dma_wait3A_106 = arith.constant 0 : i32
      %dma_wait3A_107 = tpu.memref_slice %arg15[%add3A_26, %dma_wait3A_106] : memref<10240x80xf32, #tpu.memory_space<vmem_shared>> -> memref<64x80xf32, #tpu.memory_space<vmem_shared>>
      %dma_wait3A_108 = arith.constant 0 : i32
      %dma_wait3A_109 = tpu.memref_slice %arg15[%add3A_26, %dma_wait3A_108] : memref<10240x80xf32, #tpu.memory_space<vmem_shared>> -> memref<64x80xf32, #tpu.memory_space<vmem_shared>>
      tpu.wait_dma2 semaphore(%run_scoped3A : memref<!tpu.dma_semaphore, #tpu.memory_space<semaphore_mem>>) src(%arg14 : memref<64x80xf32, #tpu.memory_space<vmem>>) dst(%dma_wait3A_109 : memref<64x80xf32, #tpu.memory_space<vmem_shared>>)
      tpu.yield
    }) : () -> ()
    %mul3A_27 = arith.constant 640 : i32
    %mul3A_28 = arith.muli %arg1, %mul3A_27 : i32
    %add3A_29 = arith.constant 320 : i32
    %add3A_30 = arith.addi %mul3A_28, %add3A_29 : i32
    "tpu.region"() ({
      %run_scoped3A = tpu.sem_alloc : memref<!tpu.dma_semaphore, #tpu.memory_space<semaphore_mem>>
      %dma_start3A_102 = arith.constant 0 : i32
      %dma_start3A_103 = tpu.memref_slice %arg15[%add3A_30, %dma_start3A_102] : memref<10240x80xf32, #tpu.memory_space<vmem_shared>> -> memref<64x80xf32, #tpu.memory_space<vmem_shared>>
      %dma_start3A_104 = arith.constant 0 : i32
      %dma_start3A_105 = tpu.memref_slice %arg15[%add3A_30, %dma_start3A_104] : memref<10240x80xf32, #tpu.memory_space<vmem_shared>> -> memref<64x80xf32, #tpu.memory_space<vmem_shared>>
      tpu.enqueue_dma source(%arg14 : memref<64x80xf32, #tpu.memory_space<vmem>>) target(%dma_start3A_105 : memref<64x80xf32, #tpu.memory_space<vmem_shared>>) target_semaphore(%run_scoped3A : memref<!tpu.dma_semaphore, #tpu.memory_space<semaphore_mem>>)
      %dma_wait3A_106 = arith.constant 0 : i32
      %dma_wait3A_107 = tpu.memref_slice %arg15[%add3A_30, %dma_wait3A_106] : memref<10240x80xf32, #tpu.memory_space<vmem_shared>> -> memref<64x80xf32, #tpu.memory_space<vmem_shared>>
      %dma_wait3A_108 = arith.constant 0 : i32
      %dma_wait3A_109 = tpu.memref_slice %arg15[%add3A_30, %dma_wait3A_108] : memref<10240x80xf32, #tpu.memory_space<vmem_shared>> -> memref<64x80xf32, #tpu.memory_space<vmem_shared>>
      tpu.wait_dma2 semaphore(%run_scoped3A : memref<!tpu.dma_semaphore, #tpu.memory_space<semaphore_mem>>) src(%arg14 : memref<64x80xf32, #tpu.memory_space<vmem>>) dst(%dma_wait3A_109 : memref<64x80xf32, #tpu.memory_space<vmem_shared>>)
      tpu.yield
    }) : () -> ()
    %mul3A_31 = arith.constant 640 : i32
    %mul3A_32 = arith.muli %arg1, %mul3A_31 : i32
    %add3A_33 = arith.constant 384 : i32
    %add3A_34 = arith.addi %mul3A_32, %add3A_33 : i32
    "tpu.region"() ({
      %run_scoped3A = tpu.sem_alloc : memref<!tpu.dma_semaphore, #tpu.memory_space<semaphore_mem>>
      %dma_start3A_102 = arith.constant 0 : i32
      %dma_start3A_103 = tpu.memref_slice %arg15[%add3A_34, %dma_start3A_102] : memref<10240x80xf32, #tpu.memory_space<vmem_shared>> -> memref<64x80xf32, #tpu.memory_space<vmem_shared>>
      %dma_start3A_104 = arith.constant 0 : i32
      %dma_start3A_105 = tpu.memref_slice %arg15[%add3A_34, %dma_start3A_104] : memref<10240x80xf32, #tpu.memory_space<vmem_shared>> -> memref<64x80xf32, #tpu.memory_space<vmem_shared>>
      tpu.enqueue_dma source(%arg14 : memref<64x80xf32, #tpu.memory_space<vmem>>) target(%dma_start3A_105 : memref<64x80xf32, #tpu.memory_space<vmem_shared>>) target_semaphore(%run_scoped3A : memref<!tpu.dma_semaphore, #tpu.memory_space<semaphore_mem>>)
      %dma_wait3A_106 = arith.constant 0 : i32
      %dma_wait3A_107 = tpu.memref_slice %arg15[%add3A_34, %dma_wait3A_106] : memref<10240x80xf32, #tpu.memory_space<vmem_shared>> -> memref<64x80xf32, #tpu.memory_space<vmem_shared>>
      %dma_wait3A_108 = arith.constant 0 : i32
      %dma_wait3A_109 = tpu.memref_slice %arg15[%add3A_34, %dma_wait3A_108] : memref<10240x80xf32, #tpu.memory_space<vmem_shared>> -> memref<64x80xf32, #tpu.memory_space<vmem_shared>>
      tpu.wait_dma2 semaphore(%run_scoped3A : memref<!tpu.dma_semaphore, #tpu.memory_space<semaphore_mem>>) src(%arg14 : memref<64x80xf32, #tpu.memory_space<vmem>>) dst(%dma_wait3A_109 : memref<64x80xf32, #tpu.memory_space<vmem_shared>>)
      tpu.yield
    }) : () -> ()
    %mul3A_35 = arith.constant 640 : i32
    %mul3A_36 = arith.muli %arg1, %mul3A_35 : i32
    %add3A_37 = arith.constant 448 : i32
    %add3A_38 = arith.addi %mul3A_36, %add3A_37 : i32
    "tpu.region"() ({
      %run_scoped3A = tpu.sem_alloc : memref<!tpu.dma_semaphore, #tpu.memory_space<semaphore_mem>>
      %dma_start3A_102 = arith.constant 0 : i32
      %dma_start3A_103 = tpu.memref_slice %arg15[%add3A_38, %dma_start3A_102] : memref<10240x80xf32, #tpu.memory_space<vmem_shared>> -> memref<64x80xf32, #tpu.memory_space<vmem_shared>>
      %dma_start3A_104 = arith.constant 0 : i32
      %dma_start3A_105 = tpu.memref_slice %arg15[%add3A_38, %dma_start3A_104] : memref<10240x80xf32, #tpu.memory_space<vmem_shared>> -> memref<64x80xf32, #tpu.memory_space<vmem_shared>>
      tpu.enqueue_dma source(%arg14 : memref<64x80xf32, #tpu.memory_space<vmem>>) target(%dma_start3A_105 : memref<64x80xf32, #tpu.memory_space<vmem_shared>>) target_semaphore(%run_scoped3A : memref<!tpu.dma_semaphore, #tpu.memory_space<semaphore_mem>>)
      %dma_wait3A_106 = arith.constant 0 : i32
      %dma_wait3A_107 = tpu.memref_slice %arg15[%add3A_38, %dma_wait3A_106] : memref<10240x80xf32, #tpu.memory_space<vmem_shared>> -> memref<64x80xf32, #tpu.memory_space<vmem_shared>>
      %dma_wait3A_108 = arith.constant 0 : i32
      %dma_wait3A_109 = tpu.memref_slice %arg15[%add3A_38, %dma_wait3A_108] : memref<10240x80xf32, #tpu.memory_space<vmem_shared>> -> memref<64x80xf32, #tpu.memory_space<vmem_shared>>
      tpu.wait_dma2 semaphore(%run_scoped3A : memref<!tpu.dma_semaphore, #tpu.memory_space<semaphore_mem>>) src(%arg14 : memref<64x80xf32, #tpu.memory_space<vmem>>) dst(%dma_wait3A_109 : memref<64x80xf32, #tpu.memory_space<vmem_shared>>)
      tpu.yield
    }) : () -> ()
    %mul3A_39 = arith.constant 640 : i32
    %mul3A_40 = arith.muli %arg1, %mul3A_39 : i32
    %add3A_41 = arith.constant 512 : i32
    %add3A_42 = arith.addi %mul3A_40, %add3A_41 : i32
    "tpu.region"() ({
      %run_scoped3A = tpu.sem_alloc : memref<!tpu.dma_semaphore, #tpu.memory_space<semaphore_mem>>
      %dma_start3A_102 = arith.constant 0 : i32
      %dma_start3A_103 = tpu.memref_slice %arg15[%add3A_42, %dma_start3A_102] : memref<10240x80xf32, #tpu.memory_space<vmem_shared>> -> memref<64x80xf32, #tpu.memory_space<vmem_shared>>
      %dma_start3A_104 = arith.constant 0 : i32
      %dma_start3A_105 = tpu.memref_slice %arg15[%add3A_42, %dma_start3A_104] : memref<10240x80xf32, #tpu.memory_space<vmem_shared>> -> memref<64x80xf32, #tpu.memory_space<vmem_shared>>
      tpu.enqueue_dma source(%arg14 : memref<64x80xf32, #tpu.memory_space<vmem>>) target(%dma_start3A_105 : memref<64x80xf32, #tpu.memory_space<vmem_shared>>) target_semaphore(%run_scoped3A : memref<!tpu.dma_semaphore, #tpu.memory_space<semaphore_mem>>)
      %dma_wait3A_106 = arith.constant 0 : i32
      %dma_wait3A_107 = tpu.memref_slice %arg15[%add3A_42, %dma_wait3A_106] : memref<10240x80xf32, #tpu.memory_space<vmem_shared>> -> memref<64x80xf32, #tpu.memory_space<vmem_shared>>
      %dma_wait3A_108 = arith.constant 0 : i32
      %dma_wait3A_109 = tpu.memref_slice %arg15[%add3A_42, %dma_wait3A_108] : memref<10240x80xf32, #tpu.memory_space<vmem_shared>> -> memref<64x80xf32, #tpu.memory_space<vmem_shared>>
      tpu.wait_dma2 semaphore(%run_scoped3A : memref<!tpu.dma_semaphore, #tpu.memory_space<semaphore_mem>>) src(%arg14 : memref<64x80xf32, #tpu.memory_space<vmem>>) dst(%dma_wait3A_109 : memref<64x80xf32, #tpu.memory_space<vmem_shared>>)
      tpu.yield
    }) : () -> ()
    %mul3A_43 = arith.constant 640 : i32
    %mul3A_44 = arith.muli %arg1, %mul3A_43 : i32
    %add3A_45 = arith.constant 576 : i32
    %add3A_46 = arith.addi %mul3A_44, %add3A_45 : i32
    "tpu.region"() ({
      %run_scoped3A = tpu.sem_alloc : memref<!tpu.dma_semaphore, #tpu.memory_space<semaphore_mem>>
      %dma_start3A_102 = arith.constant 0 : i32
      %dma_start3A_103 = tpu.memref_slice %arg15[%add3A_46, %dma_start3A_102] : memref<10240x80xf32, #tpu.memory_space<vmem_shared>> -> memref<64x80xf32, #tpu.memory_space<vmem_shared>>
      %dma_start3A_104 = arith.constant 0 : i32
      %dma_start3A_105 = tpu.memref_slice %arg15[%add3A_46, %dma_start3A_104] : memref<10240x80xf32, #tpu.memory_space<vmem_shared>> -> memref<64x80xf32, #tpu.memory_space<vmem_shared>>
      tpu.enqueue_dma source(%arg14 : memref<64x80xf32, #tpu.memory_space<vmem>>) target(%dma_start3A_105 : memref<64x80xf32, #tpu.memory_space<vmem_shared>>) target_semaphore(%run_scoped3A : memref<!tpu.dma_semaphore, #tpu.memory_space<semaphore_mem>>)
      %dma_wait3A_106 = arith.constant 0 : i32
      %dma_wait3A_107 = tpu.memref_slice %arg15[%add3A_46, %dma_wait3A_106] : memref<10240x80xf32, #tpu.memory_space<vmem_shared>> -> memref<64x80xf32, #tpu.memory_space<vmem_shared>>
      %dma_wait3A_108 = arith.constant 0 : i32
      %dma_wait3A_109 = tpu.memref_slice %arg15[%add3A_46, %dma_wait3A_108] : memref<10240x80xf32, #tpu.memory_space<vmem_shared>> -> memref<64x80xf32, #tpu.memory_space<vmem_shared>>
      tpu.wait_dma2 semaphore(%run_scoped3A : memref<!tpu.dma_semaphore, #tpu.memory_space<semaphore_mem>>) src(%arg14 : memref<64x80xf32, #tpu.memory_space<vmem>>) dst(%dma_wait3A_109 : memref<64x80xf32, #tpu.memory_space<vmem_shared>>)
      tpu.yield
    }) : () -> ()
    %barrier3A = arith.constant 0 : index
    tpu.barrier barrier_id(%barrier3A)
    %iota3A = tpu.iota {dimensions = array<i32: 0>} : vector<16xi32>
    %dma_start3A = arith.constant 0 : i32
    %dma_start3A_47 = arith.constant 0 : i32
    %dma_start3A_48 = tpu.memref_slice %arg2[%add3A, %dma_start3A, %dma_start3A_47] : memref<32x162x64xi32, #tpu.memory_space<hbm>> -> memref<1x1x64xi32, #tpu.memory_space<hbm>>
    %dma_start3A_49 = tpu.memref_squeeze %dma_start3A_48 : memref<1x1x64xi32, #tpu.memory_space<hbm>> -> memref<64xi32, #tpu.memory_space<hbm>>
    %dma_start3A_50 = arith.constant 0 : i32
    %dma_start3A_51 = tpu.memref_slice %arg2[%add3A, %dma_start3A, %dma_start3A_50] : memref<32x162x64xi32, #tpu.memory_space<hbm>> -> memref<1x1x64xi32, #tpu.memory_space<hbm>>
    %dma_start3A_52 = tpu.memref_squeeze %dma_start3A_51 : memref<1x1x64xi32, #tpu.memory_space<hbm>> -> memref<64xi32, #tpu.memory_space<hbm>>
    tpu.enqueue_dma source(%dma_start3A_52 : memref<64xi32, #tpu.memory_space<hbm>>) target(%arg6 : memref<64xi32, #tpu.memory_space<vmem>>) target_semaphore(%arg16 : memref<!tpu.dma_semaphore, #tpu.memory_space<semaphore_mem>>)
    %dma_start3A_53 = arith.constant 0 : i32
    %dma_start3A_54 = arith.constant 0 : i32
    %dma_start3A_55 = tpu.memref_slice %arg3[%add3A, %dma_start3A_53, %dma_start3A_54] : memref<32x162x64xi32, #tpu.memory_space<hbm>> -> memref<1x1x64xi32, #tpu.memory_space<hbm>>
    %dma_start3A_56 = tpu.memref_squeeze %dma_start3A_55 : memref<1x1x64xi32, #tpu.memory_space<hbm>> -> memref<64xi32, #tpu.memory_space<hbm>>
    %dma_start3A_57 = arith.constant 0 : i32
    %dma_start3A_58 = tpu.memref_slice %arg3[%add3A, %dma_start3A_53, %dma_start3A_57] : memref<32x162x64xi32, #tpu.memory_space<hbm>> -> memref<1x1x64xi32, #tpu.memory_space<hbm>>
    %dma_start3A_59 = tpu.memref_squeeze %dma_start3A_58 : memref<1x1x64xi32, #tpu.memory_space<hbm>> -> memref<64xi32, #tpu.memory_space<hbm>>
    tpu.enqueue_dma source(%dma_start3A_59 : memref<64xi32, #tpu.memory_space<hbm>>) target(%arg8 : memref<64xi32, #tpu.memory_space<vmem>>) target_semaphore(%arg16 : memref<!tpu.dma_semaphore, #tpu.memory_space<semaphore_mem>>)
    %dma_wait3A = arith.constant 0 : i32
    %dma_wait3A_60 = arith.constant 0 : i32
    %dma_wait3A_61 = tpu.memref_slice %arg2[%add3A, %dma_wait3A, %dma_wait3A_60] : memref<32x162x64xi32, #tpu.memory_space<hbm>> -> memref<1x1x64xi32, #tpu.memory_space<hbm>>
    %dma_wait3A_62 = tpu.memref_squeeze %dma_wait3A_61 : memref<1x1x64xi32, #tpu.memory_space<hbm>> -> memref<64xi32, #tpu.memory_space<hbm>>
    %dma_wait3A_63 = arith.constant 0 : i32
    %dma_wait3A_64 = tpu.memref_slice %arg2[%add3A, %dma_wait3A, %dma_wait3A_63] : memref<32x162x64xi32, #tpu.memory_space<hbm>> -> memref<1x1x64xi32, #tpu.memory_space<hbm>>
    %dma_wait3A_65 = tpu.memref_squeeze %dma_wait3A_64 : memref<1x1x64xi32, #tpu.memory_space<hbm>> -> memref<64xi32, #tpu.memory_space<hbm>>
    tpu.wait_dma2 semaphore(%arg16 : memref<!tpu.dma_semaphore, #tpu.memory_space<semaphore_mem>>) src(%dma_wait3A_65 : memref<64xi32, #tpu.memory_space<hbm>>) dst(%arg6 : memref<64xi32, #tpu.memory_space<vmem>>)
    %dma_wait3A_66 = arith.constant 0 : i32
    %dma_wait3A_67 = arith.constant 0 : i32
    %dma_wait3A_68 = tpu.memref_slice %arg3[%add3A, %dma_wait3A_66, %dma_wait3A_67] : memref<32x162x64xi32, #tpu.memory_space<hbm>> -> memref<1x1x64xi32, #tpu.memory_space<hbm>>
    %dma_wait3A_69 = tpu.memref_squeeze %dma_wait3A_68 : memref<1x1x64xi32, #tpu.memory_space<hbm>> -> memref<64xi32, #tpu.memory_space<hbm>>
    %dma_wait3A_70 = arith.constant 0 : i32
    %dma_wait3A_71 = tpu.memref_slice %arg3[%add3A, %dma_wait3A_66, %dma_wait3A_70] : memref<32x162x64xi32, #tpu.memory_space<hbm>> -> memref<1x1x64xi32, #tpu.memory_space<hbm>>
    %dma_wait3A_72 = tpu.memref_squeeze %dma_wait3A_71 : memref<1x1x64xi32, #tpu.memory_space<hbm>> -> memref<64xi32, #tpu.memory_space<hbm>>
    tpu.wait_dma2 semaphore(%arg16 : memref<!tpu.dma_semaphore, #tpu.memory_space<semaphore_mem>>) src(%dma_wait3A_72 : memref<64xi32, #tpu.memory_space<hbm>>) dst(%arg8 : memref<64xi32, #tpu.memory_space<vmem>>)
    %dma_start3A_73 = arith.constant 0 : i32
    %dma_start3A_74 = arith.constant 0 : i32
    %dma_start3A_75 = tpu.memref_slice %arg4[%dma_start3A_73, %dma_start3A_74] : memref<10240x128xf32, #tpu.memory_space<hbm>> -> memref<10240x128xf32, #tpu.memory_space<hbm>>
    tpu.enqueue_indirect_dma source(%dma_start3A_75 : memref<10240x128xf32, #tpu.memory_space<hbm>>) target(%arg10 : memref<64x128xf32, #tpu.memory_space<vmem>>) offsets(%arg6 : memref<64xi32, #tpu.memory_space<vmem>>) semaphore(%arg17 : memref<!tpu.dma_semaphore, #tpu.memory_space<semaphore_mem>>)
    %dma_start3A_76 = arith.constant 0 : i32
    %dma_start3A_77 = arith.constant 0 : i32
    %dma_start3A_78 = tpu.memref_slice %arg4[%dma_start3A_76, %dma_start3A_77] : memref<10240x128xf32, #tpu.memory_space<hbm>> -> memref<10240x128xf32, #tpu.memory_space<hbm>>
    tpu.enqueue_indirect_dma source(%dma_start3A_78 : memref<10240x128xf32, #tpu.memory_space<hbm>>) target(%arg12 : memref<64x128xf32, #tpu.memory_space<vmem>>) offsets(%arg8 : memref<64xi32, #tpu.memory_space<vmem>>) semaphore(%arg17 : memref<!tpu.dma_semaphore, #tpu.memory_space<semaphore_mem>>)
    %dma_start3A_79 = arith.constant 1 : i32
    %dma_start3A_80 = arith.constant 0 : i32
    %dma_start3A_81 = tpu.memref_slice %arg2[%add3A, %dma_start3A_79, %dma_start3A_80] : memref<32x162x64xi32, #tpu.memory_space<hbm>> -> memref<1x1x64xi32, #tpu.memory_space<hbm>>
    %dma_start3A_82 = tpu.memref_squeeze %dma_start3A_81 : memref<1x1x64xi32, #tpu.memory_space<hbm>> -> memref<64xi32, #tpu.memory_space<hbm>>
    %dma_start3A_83 = arith.constant 0 : i32
    %dma_start3A_84 = tpu.memref_slice %arg2[%add3A, %dma_start3A_79, %dma_start3A_83] : memref<32x162x64xi32, #tpu.memory_space<hbm>> -> memref<1x1x64xi32, #tpu.memory_space<hbm>>
    %dma_start3A_85 = tpu.memref_squeeze %dma_start3A_84 : memref<1x1x64xi32, #tpu.memory_space<hbm>> -> memref<64xi32, #tpu.memory_space<hbm>>
    tpu.enqueue_dma source(%dma_start3A_85 : memref<64xi32, #tpu.memory_space<hbm>>) target(%arg7 : memref<64xi32, #tpu.memory_space<vmem>>) target_semaphore(%arg16 : memref<!tpu.dma_semaphore, #tpu.memory_space<semaphore_mem>>)
    %dma_start3A_86 = arith.constant 1 : i32
    %dma_start3A_87 = arith.constant 0 : i32
    %dma_start3A_88 = tpu.memref_slice %arg3[%add3A, %dma_start3A_86, %dma_start3A_87] : memref<32x162x64xi32, #tpu.memory_space<hbm>> -> memref<1x1x64xi32, #tpu.memory_space<hbm>>
    %dma_start3A_89 = tpu.memref_squeeze %dma_start3A_88 : memref<1x1x64xi32, #tpu.memory_space<hbm>> -> memref<64xi32, #tpu.memory_space<hbm>>
    %dma_start3A_90 = arith.constant 0 : i32
    %dma_start3A_91 = tpu.memref_slice %arg3[%add3A, %dma_start3A_86, %dma_start3A_90] : memref<32x162x64xi32, #tpu.memory_space<hbm>> -> memref<1x1x64xi32, #tpu.memory_space<hbm>>
    %dma_start3A_92 = tpu.memref_squeeze %dma_start3A_91 : memref<1x1x64xi32, #tpu.memory_space<hbm>> -> memref<64xi32, #tpu.memory_space<hbm>>
    tpu.enqueue_dma source(%dma_start3A_92 : memref<64xi32, #tpu.memory_space<hbm>>) target(%arg9 : memref<64xi32, #tpu.memory_space<vmem>>) target_semaphore(%arg16 : memref<!tpu.dma_semaphore, #tpu.memory_space<semaphore_mem>>)
    %scan3A_93 = arith.constant 0 : i32
    %scan3A_94 = arith.constant 0 : i32
    %scan3A_95 = arith.constant 81 : i32
    %scan3A_96 = arith.addi %scan3A_94, %scan3A_95 : i32
    %scan3A_97 = arith.constant 1 : i32
    scf.for %scan3A_102 = %scan3A_94 to %scan3A_96 step %scan3A_97  : i32 {
      %mul3A_103 = arith.constant 2 : i32
      %mul3A_104 = arith.muli %mul3A_103, %scan3A_102 : i32
      %dma_wait3A_105 = arith.constant 0 : i32
      %dma_wait3A_106 = arith.constant 0 : i32
      %dma_wait3A_107 = tpu.memref_slice %arg4[%dma_wait3A_105, %dma_wait3A_106] : memref<10240x128xf32, #tpu.memory_space<hbm>> -> memref<10240x128xf32, #tpu.memory_space<hbm>>
      tpu.wait_indirect_dma semaphore(%arg17 : memref<!tpu.dma_semaphore, #tpu.memory_space<semaphore_mem>>) src(%dma_wait3A_107 : memref<10240x128xf32, #tpu.memory_space<hbm>>) dst(%arg10 : memref<64x128xf32, #tpu.memory_space<vmem>>)
      %dma_wait3A_108 = arith.constant 0 : i32
      %dma_wait3A_109 = arith.constant 0 : i32
      %dma_wait3A_110 = tpu.memref_slice %arg4[%dma_wait3A_108, %dma_wait3A_109] : memref<10240x128xf32, #tpu.memory_space<hbm>> -> memref<10240x128xf32, #tpu.memory_space<hbm>>
      tpu.wait_indirect_dma semaphore(%arg17 : memref<!tpu.dma_semaphore, #tpu.memory_space<semaphore_mem>>) src(%dma_wait3A_110 : memref<10240x128xf32, #tpu.memory_space<hbm>>) dst(%arg12 : memref<64x128xf32, #tpu.memory_space<vmem>>)
      %scan3A_111 = arith.constant 0 : i32
      %scan3A_112 = arith.constant 0 : i32
      %scan3A_113 = arith.constant 64 : i32
      %scan3A_114 = arith.addi %scan3A_112, %scan3A_113 : i32
      %scan3A_115 = arith.constant 1 : i32
      scf.for %scan3A_167 = %scan3A_112 to %scan3A_114 step %scan3A_115  : i32 {
        %get3A = arith.index_cast %scan3A_167 : i32 to index
        %get3A_168 = arith.constant 64 : index
        %get3A_169 = tpu.vector_load %arg10[%get3A, %get3A_168] {strides = array<i32>} : memref<64x128xf32, #tpu.memory_space<vmem>>, vector<16xf32>,
        %get3A_170 = arith.index_cast %scan3A_167 : i32 to index
        %get3A_171 = arith.constant 64 : index
        %get3A_172 = tpu.vector_load %arg12[%get3A_170, %get3A_171] {strides = array<i32>} : memref<64x128xf32, #tpu.memory_space<vmem>>, vector<16xf32>,
        %add3A_173 = arith.constant 8 : i32
        %add3A_174 = vector.broadcast %add3A_173 : i32 to vector<16xi32>
        %add3A_175 = arith.addi %iota3A, %add3A_174 : vector<16xi32>
        %min3A = arith.constant 15 : i32
        %min3A_176 = vector.broadcast %min3A : i32 to vector<16xi32>
        %min3A_177 = arith.minsi %add3A_175, %min3A_176 : vector<16xi32>
        %broadcast_in_dim3A_178 = vector.shape_cast %min3A_177 : vector<16xi32> to vector<16x1xi32>
        %gather3A = vector.shape_cast %broadcast_in_dim3A_178 : vector<16x1xi32> to vector<16xi32>
        %gather3A_179 = tpu.dynamic_gather %get3A_172[%gather3A] in [0] : vector<16xf32>, vector<16xi32> -> vector<16xf32>
        %add3A_180 = arith.addf %get3A_169, %gather3A_179 : vector<16xf32>
        %mul3A_181 = arith.constant 2.000000e-01 : f32
        %mul3A_182 = vector.broadcast %mul3A_181 : f32 to vector<16xf32>
        %mul3A_183 = arith.mulf %mul3A_182, %add3A_180 : vector<16xf32>
        %max3A = arith.maximumf %add3A_180, %mul3A_183 : vector<16xf32>
        %exp3A = math.exp %max3A : vector<16xf32>
        %lt3A_184 = arith.constant 8 : i32
        %lt3A_185 = vector.broadcast %lt3A_184 : i32 to vector<16xi32>
        %lt3A_186 = arith.cmpi slt, %iota3A, %lt3A_185 : vector<16xi32>
        %jit3A = arith.constant 0.000000e+00 : f32
        %broadcast_in_dim3A_187 = vector.broadcast %jit3A : f32 to vector<16xf32>
        %select_n3A = arith.select %lt3A_186, %exp3A, %broadcast_in_dim3A_187 : vector<16xi1>, vector<16xf32>
        %swap3A = arith.index_cast %scan3A_167 : i32 to index
        %swap3A_188 = arith.constant 64 : index
        %swap3A_189 = tpu.vector_load %arg14[%swap3A, %swap3A_188] {strides = array<i32>} : memref<64x80xf32, #tpu.memory_space<vmem>>, vector<16xf32>,
        tpu.vector_store %arg14[%swap3A, %swap3A_188], %select_n3A {strides = array<i32>} : memref<64x80xf32, #tpu.memory_space<vmem>>, vector<16xf32>,
        %shift_right_arithmetic3A = arith.constant 3 : i32
        %shift_right_arithmetic3A_190 = vector.broadcast %shift_right_arithmetic3A : i32 to vector<16xi32>
        %shift_right_arithmetic3A_191 = arith.shrsi %iota3A, %shift_right_arithmetic3A_190 : vector<16xi32>
        %add3A_192 = arith.constant 0 : i32
        %add3A_193 = vector.broadcast %add3A_192 : i32 to vector<16xi32>
        %add3A_194 = arith.addi %shift_right_arithmetic3A_191, %add3A_193 : vector<16xi32>
        %broadcast_in_dim3A_195 = vector.shape_cast %add3A_194 : vector<16xi32> to vector<16x1xi32>
        %gather3A_196 = vector.shape_cast %broadcast_in_dim3A_195 : vector<16x1xi32> to vector<16xi32>
        %gather3A_197 = tpu.dynamic_gather %exp3A[%gather3A_196] in [0] : vector<16xf32>, vector<16xi32> -> vector<16xf32>
        %get3A_198 = arith.index_cast %scan3A_167 : i32 to index
        %get3A_199 = arith.constant 0 : index
        %get3A_200 = tpu.vector_load %arg10[%get3A_198, %get3A_199] {strides = array<i32>} : memref<64x128xf32, #tpu.memory_space<vmem>>, vector<16xf32>,
        %mul3A_201 = arith.mulf %get3A_200, %gather3A_197 : vector<16xf32>
        %swap3A_202 = arith.index_cast %scan3A_167 : i32 to index
        %swap3A_203 = arith.constant 0 : index
        %swap3A_204 = tpu.vector_load %arg14[%swap3A_202, %swap3A_203] {strides = array<i32>} : memref<64x80xf32, #tpu.memory_space<vmem>>, vector<16xf32>,
        tpu.vector_store %arg14[%swap3A_202, %swap3A_203], %mul3A_201 {strides = array<i32>} : memref<64x80xf32, #tpu.memory_space<vmem>>, vector<16xf32>,
        %shift_right_arithmetic3A_205 = arith.constant 3 : i32
        %shift_right_arithmetic3A_206 = vector.broadcast %shift_right_arithmetic3A_205 : i32 to vector<16xi32>
        %shift_right_arithmetic3A_207 = arith.shrsi %iota3A, %shift_right_arithmetic3A_206 : vector<16xi32>
        %add3A_208 = arith.constant 2 : i32
        %add3A_209 = vector.broadcast %add3A_208 : i32 to vector<16xi32>
        %add3A_210 = arith.addi %shift_right_arithmetic3A_207, %add3A_209 : vector<16xi32>
        %broadcast_in_dim3A_211 = vector.shape_cast %add3A_210 : vector<16xi32> to vector<16x1xi32>
        %gather3A_212 = vector.shape_cast %broadcast_in_dim3A_211 : vector<16x1xi32> to vector<16xi32>
        %gather3A_213 = tpu.dynamic_gather %exp3A[%gather3A_212] in [0] : vector<16xf32>, vector<16xi32> -> vector<16xf32>
        %get3A_214 = arith.index_cast %scan3A_167 : i32 to index
        %get3A_215 = arith.constant 16 : index
        %get3A_216 = tpu.vector_load %arg10[%get3A_214, %get3A_215] {strides = array<i32>} : memref<64x128xf32, #tpu.memory_space<vmem>>, vector<16xf32>,
        %mul3A_217 = arith.mulf %get3A_216, %gather3A_213 : vector<16xf32>
        %swap3A_218 = arith.index_cast %scan3A_167 : i32 to index
        %swap3A_219 = arith.constant 16 : index
        %swap3A_220 = tpu.vector_load %arg14[%swap3A_218, %swap3A_219] {strides = array<i32>} : memref<64x80xf32, #tpu.memory_space<vmem>>, vector<16xf32>,
        tpu.vector_store %arg14[%swap3A_218, %swap3A_219], %mul3A_217 {strides = array<i32>} : memref<64x80xf32, #tpu.memory_space<vmem>>, vector<16xf32>,
        %shift_right_arithmetic3A_221 = arith.constant 3 : i32
        %shift_right_arithmetic3A_222 = vector.broadcast %shift_right_arithmetic3A_221 : i32 to vector<16xi32>
        %shift_right_arithmetic3A_223 = arith.shrsi %iota3A, %shift_right_arithmetic3A_222 : vector<16xi32>
        %add3A_224 = arith.constant 4 : i32
        %add3A_225 = vector.broadcast %add3A_224 : i32 to vector<16xi32>
        %add3A_226 = arith.addi %shift_right_arithmetic3A_223, %add3A_225 : vector<16xi32>
        %broadcast_in_dim3A_227 = vector.shape_cast %add3A_226 : vector<16xi32> to vector<16x1xi32>
        %gather3A_228 = vector.shape_cast %broadcast_in_dim3A_227 : vector<16x1xi32> to vector<16xi32>
        %gather3A_229 = tpu.dynamic_gather %exp3A[%gather3A_228] in [0] : vector<16xf32>, vector<16xi32> -> vector<16xf32>
        %get3A_230 = arith.index_cast %scan3A_167 : i32 to index
        %get3A_231 = arith.constant 32 : index
        %get3A_232 = tpu.vector_load %arg10[%get3A_230, %get3A_231] {strides = array<i32>} : memref<64x128xf32, #tpu.memory_space<vmem>>, vector<16xf32>,
        %mul3A_233 = arith.mulf %get3A_232, %gather3A_229 : vector<16xf32>
        %swap3A_234 = arith.index_cast %scan3A_167 : i32 to index
        %swap3A_235 = arith.constant 32 : index
        %swap3A_236 = tpu.vector_load %arg14[%swap3A_234, %swap3A_235] {strides = array<i32>} : memref<64x80xf32, #tpu.memory_space<vmem>>, vector<16xf32>,
        tpu.vector_store %arg14[%swap3A_234, %swap3A_235], %mul3A_233 {strides = array<i32>} : memref<64x80xf32, #tpu.memory_space<vmem>>, vector<16xf32>,
        %shift_right_arithmetic3A_237 = arith.constant 3 : i32
        %shift_right_arithmetic3A_238 = vector.broadcast %shift_right_arithmetic3A_237 : i32 to vector<16xi32>
        %shift_right_arithmetic3A_239 = arith.shrsi %iota3A, %shift_right_arithmetic3A_238 : vector<16xi32>
        %add3A_240 = arith.constant 6 : i32
        %add3A_241 = vector.broadcast %add3A_240 : i32 to vector<16xi32>
        %add3A_242 = arith.addi %shift_right_arithmetic3A_239, %add3A_241 : vector<16xi32>
        %broadcast_in_dim3A_243 = vector.shape_cast %add3A_242 : vector<16xi32> to vector<16x1xi32>
        %gather3A_244 = vector.shape_cast %broadcast_in_dim3A_243 : vector<16x1xi32> to vector<16xi32>
        %gather3A_245 = tpu.dynamic_gather %exp3A[%gather3A_244] in [0] : vector<16xf32>, vector<16xi32> -> vector<16xf32>
        %get3A_246 = arith.index_cast %scan3A_167 : i32 to index
        %get3A_247 = arith.constant 48 : index
        %get3A_248 = tpu.vector_load %arg10[%get3A_246, %get3A_247] {strides = array<i32>} : memref<64x128xf32, #tpu.memory_space<vmem>>, vector<16xf32>,
        %mul3A_249 = arith.mulf %get3A_248, %gather3A_245 : vector<16xf32>
        %swap3A_250 = arith.index_cast %scan3A_167 : i32 to index
        %swap3A_251 = arith.constant 48 : index
        %swap3A_252 = tpu.vector_load %arg14[%swap3A_250, %swap3A_251] {strides = array<i32>} : memref<64x80xf32, #tpu.memory_space<vmem>>, vector<16xf32>,
        tpu.vector_store %arg14[%swap3A_250, %swap3A_251], %mul3A_249 {strides = array<i32>} : memref<64x80xf32, #tpu.memory_space<vmem>>, vector<16xf32>,
      }
      %scan3A_116 = arith.constant 64 : i32
      %dma_wait3A_117 = arith.constant 0 : i32
      %dma_wait3A_118 = arith.constant 0 : i32
      %dma_wait3A_119 = tpu.memref_slice %arg2[%add3A, %dma_wait3A_117, %dma_wait3A_118] : memref<32x162x64xi32, #tpu.memory_space<hbm>> -> memref<1x1x64xi32, #tpu.memory_space<hbm>>
      %dma_wait3A_120 = tpu.memref_squeeze %dma_wait3A_119 : memref<1x1x64xi32, #tpu.memory_space<hbm>> -> memref<64xi32, #tpu.memory_space<hbm>>
      %dma_wait3A_121 = arith.constant 0 : i32
      %dma_wait3A_122 = tpu.memref_slice %arg2[%add3A, %dma_wait3A_117, %dma_wait3A_121] : memref<32x162x64xi32, #tpu.memory_space<hbm>> -> memref<1x1x64xi32, #tpu.memory_space<hbm>>
      %dma_wait3A_123 = tpu.memref_squeeze %dma_wait3A_122 : memref<1x1x64xi32, #tpu.memory_space<hbm>> -> memref<64xi32, #tpu.memory_space<hbm>>
      tpu.wait_dma2 semaphore(%arg16 : memref<!tpu.dma_semaphore, #tpu.memory_space<semaphore_mem>>) src(%dma_wait3A_123 : memref<64xi32, #tpu.memory_space<hbm>>) dst(%arg7 : memref<64xi32, #tpu.memory_space<vmem>>)
      %dma_wait3A_124 = arith.constant 0 : i32
      %dma_wait3A_125 = arith.constant 0 : i32
      %dma_wait3A_126 = tpu.memref_slice %arg3[%add3A, %dma_wait3A_124, %dma_wait3A_125] : memref<32x162x64xi32, #tpu.memory_space<hbm>> -> memref<1x1x64xi32, #tpu.memory_space<hbm>>
      %dma_wait3A_127 = tpu.memref_squeeze %dma_wait3A_126 : memref<1x1x64xi32, #tpu.memory_space<hbm>> -> memref<64xi32, #tpu.memory_space<hbm>>
      %dma_wait3A_128 = arith.constant 0 : i32
      %dma_wait3A_129 = tpu.memref_slice %arg3[%add3A, %dma_wait3A_124, %dma_wait3A_128] : memref<32x162x64xi32, #tpu.memory_space<hbm>> -> memref<1x1x64xi32, #tpu.memory_space<hbm>>
      %dma_wait3A_130 = tpu.memref_squeeze %dma_wait3A_129 : memref<1x1x64xi32, #tpu.memory_space<hbm>> -> memref<64xi32, #tpu.memory_space<hbm>>
      tpu.wait_dma2 semaphore(%arg16 : memref<!tpu.dma_semaphore, #tpu.memory_space<semaphore_mem>>) src(%dma_wait3A_130 : memref<64xi32, #tpu.memory_space<hbm>>) dst(%arg9 : memref<64xi32, #tpu.memory_space<vmem>>)
      %dma_start3A_131 = arith.constant 0 : i32
      %dma_start3A_132 = arith.constant 0 : i32
      %dma_start3A_133 = tpu.memref_slice %arg4[%dma_start3A_131, %dma_start3A_132] : memref<10240x128xf32, #tpu.memory_space<hbm>> -> memref<10240x128xf32, #tpu.memory_space<hbm>>
      tpu.enqueue_indirect_dma source(%dma_start3A_133 : memref<10240x128xf32, #tpu.memory_space<hbm>>) target(%arg11 : memref<64x128xf32, #tpu.memory_space<vmem>>) offsets(%arg7 : memref<64xi32, #tpu.memory_space<vmem>>) semaphore(%arg17 : memref<!tpu.dma_semaphore, #tpu.memory_space<semaphore_mem>>)
      %dma_start3A_134 = arith.constant 0 : i32
      %dma_start3A_135 = arith.constant 0 : i32
      %dma_start3A_136 = tpu.memref_slice %arg4[%dma_start3A_134, %dma_start3A_135] : memref<10240x128xf32, #tpu.memory_space<hbm>> -> memref<10240x128xf32, #tpu.memory_space<hbm>>
      tpu.enqueue_indirect_dma source(%dma_start3A_136 : memref<10240x128xf32, #tpu.memory_space<hbm>>) target(%arg13 : memref<64x128xf32, #tpu.memory_space<vmem>>) offsets(%arg9 : memref<64xi32, #tpu.memory_space<vmem>>) semaphore(%arg17 : memref<!tpu.dma_semaphore, #tpu.memory_space<semaphore_mem>>)
      "tpu.region"() ({
        %run_scoped3A = tpu.sem_alloc : memref<!tpu.dma_semaphore, #tpu.memory_space<semaphore_mem>>
        %dma_start3A_167 = arith.constant 0 : i32
        %dma_start3A_168 = arith.constant 0 : i32
        %dma_start3A_169 = tpu.memref_slice %arg15[%dma_start3A_167, %dma_start3A_168] : memref<10240x80xf32, #tpu.memory_space<vmem_shared>> -> memref<10240x80xf32, #tpu.memory_space<vmem_shared>>
        tpu.enqueue_indirect_dma source(%arg14 : memref<64x80xf32, #tpu.memory_space<vmem>>) target(%dma_start3A_169 : memref<10240x80xf32, #tpu.memory_space<vmem_shared>>) offsets(%arg8 : memref<64xi32, #tpu.memory_space<vmem>>) semaphore(%run_scoped3A : memref<!tpu.dma_semaphore, #tpu.memory_space<semaphore_mem>>) {add = true}
        %dma_wait3A_170 = arith.constant 0 : i32
        %dma_wait3A_171 = arith.constant 0 : i32
        %dma_wait3A_172 = tpu.memref_slice %arg15[%dma_wait3A_170, %dma_wait3A_171] : memref<10240x80xf32, #tpu.memory_space<vmem_shared>> -> memref<10240x80xf32, #tpu.memory_space<vmem_shared>>
        tpu.wait_indirect_dma semaphore(%run_scoped3A : memref<!tpu.dma_semaphore, #tpu.memory_space<semaphore_mem>>) src(%arg14 : memref<64x80xf32, #tpu.memory_space<vmem>>) dst(%dma_wait3A_172 : memref<10240x80xf32, #tpu.memory_space<vmem_shared>>)
        tpu.yield
      }) : () -> ()
      %add3A_137 = arith.constant 2 : i32
      %add3A_138 = arith.addi %mul3A_104, %add3A_137 : i32
      %lt3A = arith.constant 162 : i32
      %lt3A_139 = arith.cmpi slt, %add3A_138, %lt3A : i32
      %convert_element_type3A = arith.extui %lt3A_139 : i1 to i32
      %cond3A = arith.constant 0 : i32
      %cond3A_140 = arith.cmpi ne, %convert_element_type3A, %cond3A : i32
      scf.if %cond3A_140 {
        %add3A_167 = arith.constant 2 : i32
        %add3A_168 = arith.addi %mul3A_104, %add3A_167 : i32
        %dma_start3A_169 = arith.constant 0 : i32
        %dma_start3A_170 = tpu.memref_slice %arg2[%add3A, %add3A_168, %dma_start3A_169] : memref<32x162x64xi32, #tpu.memory_space<hbm>> -> memref<1x1x64xi32, #tpu.memory_space<hbm>>
        %dma_start3A_171 = tpu.memref_squeeze %dma_start3A_170 : memref<1x1x64xi32, #tpu.memory_space<hbm>> -> memref<64xi32, #tpu.memory_space<hbm>>
        %dma_start3A_172 = arith.constant 0 : i32
        %dma_start3A_173 = tpu.memref_slice %arg2[%add3A, %add3A_168, %dma_start3A_172] : memref<32x162x64xi32, #tpu.memory_space<hbm>> -> memref<1x1x64xi32, #tpu.memory_space<hbm>>
        %dma_start3A_174 = tpu.memref_squeeze %dma_start3A_173 : memref<1x1x64xi32, #tpu.memory_space<hbm>> -> memref<64xi32, #tpu.memory_space<hbm>>
        tpu.enqueue_dma source(%dma_start3A_174 : memref<64xi32, #tpu.memory_space<hbm>>) target(%arg6 : memref<64xi32, #tpu.memory_space<vmem>>) target_semaphore(%arg16 : memref<!tpu.dma_semaphore, #tpu.memory_space<semaphore_mem>>)
        %dma_start3A_175 = arith.constant 0 : i32
        %dma_start3A_176 = tpu.memref_slice %arg3[%add3A, %add3A_168, %dma_start3A_175] : memref<32x162x64xi32, #tpu.memory_space<hbm>> -> memref<1x1x64xi32, #tpu.memory_space<hbm>>
        %dma_start3A_177 = tpu.memref_squeeze %dma_start3A_176 : memref<1x1x64xi32, #tpu.memory_space<hbm>> -> memref<64xi32, #tpu.memory_space<hbm>>
        %dma_start3A_178 = arith.constant 0 : i32
        %dma_start3A_179 = tpu.memref_slice %arg3[%add3A, %add3A_168, %dma_start3A_178] : memref<32x162x64xi32, #tpu.memory_space<hbm>> -> memref<1x1x64xi32, #tpu.memory_space<hbm>>
        %dma_start3A_180 = tpu.memref_squeeze %dma_start3A_179 : memref<1x1x64xi32, #tpu.memory_space<hbm>> -> memref<64xi32, #tpu.memory_space<hbm>>
        tpu.enqueue_dma source(%dma_start3A_180 : memref<64xi32, #tpu.memory_space<hbm>>) target(%arg8 : memref<64xi32, #tpu.memory_space<vmem>>) target_semaphore(%arg16 : memref<!tpu.dma_semaphore, #tpu.memory_space<semaphore_mem>>)
      } else {
      }
      %dma_wait3A_141 = arith.constant 0 : i32
      %dma_wait3A_142 = arith.constant 0 : i32
      %dma_wait3A_143 = tpu.memref_slice %arg4[%dma_wait3A_141, %dma_wait3A_142] : memref<10240x128xf32, #tpu.memory_space<hbm>> -> memref<10240x128xf32, #tpu.memory_space<hbm>>
      tpu.wait_indirect_dma semaphore(%arg17 : memref<!tpu.dma_semaphore, #tpu.memory_space<semaphore_mem>>) src(%dma_wait3A_143 : memref<10240x128xf32, #tpu.memory_space<hbm>>) dst(%arg11 : memref<64x128xf32, #tpu.memory_space<vmem>>)
      %dma_wait3A_144 = arith.constant 0 : i32
      %dma_wait3A_145 = arith.constant 0 : i32
      %dma_wait3A_146 = tpu.memref_slice %arg4[%dma_wait3A_144, %dma_wait3A_145] : memref<10240x128xf32, #tpu.memory_space<hbm>> -> memref<10240x128xf32, #tpu.memory_space<hbm>>
      tpu.wait_indirect_dma semaphore(%arg17 : memref<!tpu.dma_semaphore, #tpu.memory_space<semaphore_mem>>) src(%dma_wait3A_146 : memref<10240x128xf32, #tpu.memory_space<hbm>>) dst(%arg13 : memref<64x128xf32, #tpu.memory_space<vmem>>)
      %scan3A_147 = arith.constant 0 : i32
      %scan3A_148 = arith.constant 0 : i32
      %scan3A_149 = arith.constant 64 : i32
      %scan3A_150 = arith.addi %scan3A_148, %scan3A_149 : i32
      %scan3A_151 = arith.constant 1 : i32
      scf.for %scan3A_167 = %scan3A_148 to %scan3A_150 step %scan3A_151  : i32 {
        %get3A = arith.index_cast %scan3A_167 : i32 to index
        %get3A_168 = arith.constant 64 : index
        %get3A_169 = tpu.vector_load %arg11[%get3A, %get3A_168] {strides = array<i32>} : memref<64x128xf32, #tpu.memory_space<vmem>>, vector<16xf32>,
        %get3A_170 = arith.index_cast %scan3A_167 : i32 to index
        %get3A_171 = arith.constant 64 : index
        %get3A_172 = tpu.vector_load %arg13[%get3A_170, %get3A_171] {strides = array<i32>} : memref<64x128xf32, #tpu.memory_space<vmem>>, vector<16xf32>,
        %add3A_173 = arith.constant 8 : i32
        %add3A_174 = vector.broadcast %add3A_173 : i32 to vector<16xi32>
        %add3A_175 = arith.addi %iota3A, %add3A_174 : vector<16xi32>
        %min3A = arith.constant 15 : i32
        %min3A_176 = vector.broadcast %min3A : i32 to vector<16xi32>
        %min3A_177 = arith.minsi %add3A_175, %min3A_176 : vector<16xi32>
        %broadcast_in_dim3A_178 = vector.shape_cast %min3A_177 : vector<16xi32> to vector<16x1xi32>
        %gather3A = vector.shape_cast %broadcast_in_dim3A_178 : vector<16x1xi32> to vector<16xi32>
        %gather3A_179 = tpu.dynamic_gather %get3A_172[%gather3A] in [0] : vector<16xf32>, vector<16xi32> -> vector<16xf32>
        %add3A_180 = arith.addf %get3A_169, %gather3A_179 : vector<16xf32>
        %mul3A_181 = arith.constant 2.000000e-01 : f32
        %mul3A_182 = vector.broadcast %mul3A_181 : f32 to vector<16xf32>
        %mul3A_183 = arith.mulf %mul3A_182, %add3A_180 : vector<16xf32>
        %max3A = arith.maximumf %add3A_180, %mul3A_183 : vector<16xf32>
        %exp3A = math.exp %max3A : vector<16xf32>
        %lt3A_184 = arith.constant 8 : i32
        %lt3A_185 = vector.broadcast %lt3A_184 : i32 to vector<16xi32>
        %lt3A_186 = arith.cmpi slt, %iota3A, %lt3A_185 : vector<16xi32>
        %jit3A = arith.constant 0.000000e+00 : f32
        %broadcast_in_dim3A_187 = vector.broadcast %jit3A : f32 to vector<16xf32>
        %select_n3A = arith.select %lt3A_186, %exp3A, %broadcast_in_dim3A_187 : vector<16xi1>, vector<16xf32>
        %swap3A = arith.index_cast %scan3A_167 : i32 to index
        %swap3A_188 = arith.constant 64 : index
        %swap3A_189 = tpu.vector_load %arg14[%swap3A, %swap3A_188] {strides = array<i32>} : memref<64x80xf32, #tpu.memory_space<vmem>>, vector<16xf32>,
        tpu.vector_store %arg14[%swap3A, %swap3A_188], %select_n3A {strides = array<i32>} : memref<64x80xf32, #tpu.memory_space<vmem>>, vector<16xf32>,
        %shift_right_arithmetic3A = arith.constant 3 : i32
        %shift_right_arithmetic3A_190 = vector.broadcast %shift_right_arithmetic3A : i32 to vector<16xi32>
        %shift_right_arithmetic3A_191 = arith.shrsi %iota3A, %shift_right_arithmetic3A_190 : vector<16xi32>
        %add3A_192 = arith.constant 0 : i32
        %add3A_193 = vector.broadcast %add3A_192 : i32 to vector<16xi32>
        %add3A_194 = arith.addi %shift_right_arithmetic3A_191, %add3A_193 : vector<16xi32>
        %broadcast_in_dim3A_195 = vector.shape_cast %add3A_194 : vector<16xi32> to vector<16x1xi32>
        %gather3A_196 = vector.shape_cast %broadcast_in_dim3A_195 : vector<16x1xi32> to vector<16xi32>
        %gather3A_197 = tpu.dynamic_gather %exp3A[%gather3A_196] in [0] : vector<16xf32>, vector<16xi32> -> vector<16xf32>
        %get3A_198 = arith.index_cast %scan3A_167 : i32 to index
        %get3A_199 = arith.constant 0 : index
        %get3A_200 = tpu.vector_load %arg11[%get3A_198, %get3A_199] {strides = array<i32>} : memref<64x128xf32, #tpu.memory_space<vmem>>, vector<16xf32>,
        %mul3A_201 = arith.mulf %get3A_200, %gather3A_197 : vector<16xf32>
        %swap3A_202 = arith.index_cast %scan3A_167 : i32 to index
        %swap3A_203 = arith.constant 0 : index
        %swap3A_204 = tpu.vector_load %arg14[%swap3A_202, %swap3A_203] {strides = array<i32>} : memref<64x80xf32, #tpu.memory_space<vmem>>, vector<16xf32>,
        tpu.vector_store %arg14[%swap3A_202, %swap3A_203], %mul3A_201 {strides = array<i32>} : memref<64x80xf32, #tpu.memory_space<vmem>>, vector<16xf32>,
        %shift_right_arithmetic3A_205 = arith.constant 3 : i32
        %shift_right_arithmetic3A_206 = vector.broadcast %shift_right_arithmetic3A_205 : i32 to vector<16xi32>
        %shift_right_arithmetic3A_207 = arith.shrsi %iota3A, %shift_right_arithmetic3A_206 : vector<16xi32>
        %add3A_208 = arith.constant 2 : i32
        %add3A_209 = vector.broadcast %add3A_208 : i32 to vector<16xi32>
        %add3A_210 = arith.addi %shift_right_arithmetic3A_207, %add3A_209 : vector<16xi32>
        %broadcast_in_dim3A_211 = vector.shape_cast %add3A_210 : vector<16xi32> to vector<16x1xi32>
        %gather3A_212 = vector.shape_cast %broadcast_in_dim3A_211 : vector<16x1xi32> to vector<16xi32>
        %gather3A_213 = tpu.dynamic_gather %exp3A[%gather3A_212] in [0] : vector<16xf32>, vector<16xi32> -> vector<16xf32>
        %get3A_214 = arith.index_cast %scan3A_167 : i32 to index
        %get3A_215 = arith.constant 16 : index
        %get3A_216 = tpu.vector_load %arg11[%get3A_214, %get3A_215] {strides = array<i32>} : memref<64x128xf32, #tpu.memory_space<vmem>>, vector<16xf32>,
        %mul3A_217 = arith.mulf %get3A_216, %gather3A_213 : vector<16xf32>
        %swap3A_218 = arith.index_cast %scan3A_167 : i32 to index
        %swap3A_219 = arith.constant 16 : index
        %swap3A_220 = tpu.vector_load %arg14[%swap3A_218, %swap3A_219] {strides = array<i32>} : memref<64x80xf32, #tpu.memory_space<vmem>>, vector<16xf32>,
        tpu.vector_store %arg14[%swap3A_218, %swap3A_219], %mul3A_217 {strides = array<i32>} : memref<64x80xf32, #tpu.memory_space<vmem>>, vector<16xf32>,
        %shift_right_arithmetic3A_221 = arith.constant 3 : i32
        %shift_right_arithmetic3A_222 = vector.broadcast %shift_right_arithmetic3A_221 : i32 to vector<16xi32>
        %shift_right_arithmetic3A_223 = arith.shrsi %iota3A, %shift_right_arithmetic3A_222 : vector<16xi32>
        %add3A_224 = arith.constant 4 : i32
        %add3A_225 = vector.broadcast %add3A_224 : i32 to vector<16xi32>
        %add3A_226 = arith.addi %shift_right_arithmetic3A_223, %add3A_225 : vector<16xi32>
        %broadcast_in_dim3A_227 = vector.shape_cast %add3A_226 : vector<16xi32> to vector<16x1xi32>
        %gather3A_228 = vector.shape_cast %broadcast_in_dim3A_227 : vector<16x1xi32> to vector<16xi32>
        %gather3A_229 = tpu.dynamic_gather %exp3A[%gather3A_228] in [0] : vector<16xf32>, vector<16xi32> -> vector<16xf32>
        %get3A_230 = arith.index_cast %scan3A_167 : i32 to index
        %get3A_231 = arith.constant 32 : index
        %get3A_232 = tpu.vector_load %arg11[%get3A_230, %get3A_231] {strides = array<i32>} : memref<64x128xf32, #tpu.memory_space<vmem>>, vector<16xf32>,
        %mul3A_233 = arith.mulf %get3A_232, %gather3A_229 : vector<16xf32>
        %swap3A_234 = arith.index_cast %scan3A_167 : i32 to index
        %swap3A_235 = arith.constant 32 : index
        %swap3A_236 = tpu.vector_load %arg14[%swap3A_234, %swap3A_235] {strides = array<i32>} : memref<64x80xf32, #tpu.memory_space<vmem>>, vector<16xf32>,
        tpu.vector_store %arg14[%swap3A_234, %swap3A_235], %mul3A_233 {strides = array<i32>} : memref<64x80xf32, #tpu.memory_space<vmem>>, vector<16xf32>,
        %shift_right_arithmetic3A_237 = arith.constant 3 : i32
        %shift_right_arithmetic3A_238 = vector.broadcast %shift_right_arithmetic3A_237 : i32 to vector<16xi32>
        %shift_right_arithmetic3A_239 = arith.shrsi %iota3A, %shift_right_arithmetic3A_238 : vector<16xi32>
        %add3A_240 = arith.constant 6 : i32
        %add3A_241 = vector.broadcast %add3A_240 : i32 to vector<16xi32>
        %add3A_242 = arith.addi %shift_right_arithmetic3A_239, %add3A_241 : vector<16xi32>
        %broadcast_in_dim3A_243 = vector.shape_cast %add3A_242 : vector<16xi32> to vector<16x1xi32>
        %gather3A_244 = vector.shape_cast %broadcast_in_dim3A_243 : vector<16x1xi32> to vector<16xi32>
        %gather3A_245 = tpu.dynamic_gather %exp3A[%gather3A_244] in [0] : vector<16xf32>, vector<16xi32> -> vector<16xf32>
        %get3A_246 = arith.index_cast %scan3A_167 : i32 to index
        %get3A_247 = arith.constant 48 : index
        %get3A_248 = tpu.vector_load %arg11[%get3A_246, %get3A_247] {strides = array<i32>} : memref<64x128xf32, #tpu.memory_space<vmem>>, vector<16xf32>,
        %mul3A_249 = arith.mulf %get3A_248, %gather3A_245 : vector<16xf32>
        %swap3A_250 = arith.index_cast %scan3A_167 : i32 to index
        %swap3A_251 = arith.constant 48 : index
        %swap3A_252 = tpu.vector_load %arg14[%swap3A_250, %swap3A_251] {strides = array<i32>} : memref<64x80xf32, #tpu.memory_space<vmem>>, vector<16xf32>,
        tpu.vector_store %arg14[%swap3A_250, %swap3A_251], %mul3A_249 {strides = array<i32>} : memref<64x80xf32, #tpu.memory_space<vmem>>, vector<16xf32>,
      }
      %scan3A_152 = arith.constant 64 : i32
      %add3A_153 = arith.constant 2 : i32
      %add3A_154 = arith.addi %mul3A_104, %add3A_153 : i32
      %lt3A_155 = arith.constant 162 : i32
      %lt3A_156 = arith.cmpi slt, %add3A_154, %lt3A_155 : i32
      %convert_element_type3A_157 = arith.extui %lt3A_156 : i1 to i32
      %cond3A_158 = arith.constant 0 : i32
      %cond3A_159 = arith.cmpi ne, %convert_element_type3A_157, %cond3A_158 : i32
      scf.if %cond3A_159 {
        %dma_wait3A_167 = arith.constant 0 : i32
        %dma_wait3A_168 = arith.constant 0 : i32
        %dma_wait3A_169 = tpu.memref_slice %arg2[%add3A, %dma_wait3A_167, %dma_wait3A_168] : memref<32x162x64xi32, #tpu.memory_space<hbm>> -> memref<1x1x64xi32, #tpu.memory_space<hbm>>
        %dma_wait3A_170 = tpu.memref_squeeze %dma_wait3A_169 : memref<1x1x64xi32, #tpu.memory_space<hbm>> -> memref<64xi32, #tpu.memory_space<hbm>>
        %dma_wait3A_171 = arith.constant 0 : i32
        %dma_wait3A_172 = tpu.memref_slice %arg2[%add3A, %dma_wait3A_167, %dma_wait3A_171] : memref<32x162x64xi32, #tpu.memory_space<hbm>> -> memref<1x1x64xi32, #tpu.memory_space<hbm>>
        %dma_wait3A_173 = tpu.memref_squeeze %dma_wait3A_172 : memref<1x1x64xi32, #tpu.memory_space<hbm>> -> memref<64xi32, #tpu.memory_space<hbm>>
        tpu.wait_dma2 semaphore(%arg16 : memref<!tpu.dma_semaphore, #tpu.memory_space<semaphore_mem>>) src(%dma_wait3A_173 : memref<64xi32, #tpu.memory_space<hbm>>) dst(%arg6 : memref<64xi32, #tpu.memory_space<vmem>>)
        %dma_wait3A_174 = arith.constant 0 : i32
        %dma_wait3A_175 = arith.constant 0 : i32
        %dma_wait3A_176 = tpu.memref_slice %arg3[%add3A, %dma_wait3A_174, %dma_wait3A_175] : memref<32x162x64xi32, #tpu.memory_space<hbm>> -> memref<1x1x64xi32, #tpu.memory_space<hbm>>
        %dma_wait3A_177 = tpu.memref_squeeze %dma_wait3A_176 : memref<1x1x64xi32, #tpu.memory_space<hbm>> -> memref<64xi32, #tpu.memory_space<hbm>>
        %dma_wait3A_178 = arith.constant 0 : i32
        %dma_wait3A_179 = tpu.memref_slice %arg3[%add3A, %dma_wait3A_174, %dma_wait3A_178] : memref<32x162x64xi32, #tpu.memory_space<hbm>> -> memref<1x1x64xi32, #tpu.memory_space<hbm>>
        %dma_wait3A_180 = tpu.memref_squeeze %dma_wait3A_179 : memref<1x1x64xi32, #tpu.memory_space<hbm>> -> memref<64xi32, #tpu.memory_space<hbm>>
        tpu.wait_dma2 semaphore(%arg16 : memref<!tpu.dma_semaphore, #tpu.memory_space<semaphore_mem>>) src(%dma_wait3A_180 : memref<64xi32, #tpu.memory_space<hbm>>) dst(%arg8 : memref<64xi32, #tpu.memory_space<vmem>>)
        %dma_start3A_181 = arith.constant 0 : i32
        %dma_start3A_182 = arith.constant 0 : i32
        %dma_start3A_183 = tpu.memref_slice %arg4[%dma_start3A_181, %dma_start3A_182] : memref<10240x128xf32, #tpu.memory_space<hbm>> -> memref<10240x128xf32, #tpu.memory_space<hbm>>
        tpu.enqueue_indirect_dma source(%dma_start3A_183 : memref<10240x128xf32, #tpu.memory_space<hbm>>) target(%arg10 : memref<64x128xf32, #tpu.memory_space<vmem>>) offsets(%arg6 : memref<64xi32, #tpu.memory_space<vmem>>) semaphore(%arg17 : memref<!tpu.dma_semaphore, #tpu.memory_space<semaphore_mem>>)
        %dma_start3A_184 = arith.constant 0 : i32
        %dma_start3A_185 = arith.constant 0 : i32
        %dma_start3A_186 = tpu.memref_slice %arg4[%dma_start3A_184, %dma_start3A_185] : memref<10240x128xf32, #tpu.memory_space<hbm>> -> memref<10240x128xf32, #tpu.memory_space<hbm>>
        tpu.enqueue_indirect_dma source(%dma_start3A_186 : memref<10240x128xf32, #tpu.memory_space<hbm>>) target(%arg12 : memref<64x128xf32, #tpu.memory_space<vmem>>) offsets(%arg8 : memref<64xi32, #tpu.memory_space<vmem>>) semaphore(%arg17 : memref<!tpu.dma_semaphore, #tpu.memory_space<semaphore_mem>>)
      } else {
      }
      "tpu.region"() ({
        %run_scoped3A = tpu.sem_alloc : memref<!tpu.dma_semaphore, #tpu.memory_space<semaphore_mem>>
        %dma_start3A_167 = arith.constant 0 : i32
        %dma_start3A_168 = arith.constant 0 : i32
        %dma_start3A_169 = tpu.memref_slice %arg15[%dma_start3A_167, %dma_start3A_168] : memref<10240x80xf32, #tpu.memory_space<vmem_shared>> -> memref<10240x80xf32, #tpu.memory_space<vmem_shared>>
        tpu.enqueue_indirect_dma source(%arg14 : memref<64x80xf32, #tpu.memory_space<vmem>>) target(%dma_start3A_169 : memref<10240x80xf32, #tpu.memory_space<vmem_shared>>) offsets(%arg9 : memref<64xi32, #tpu.memory_space<vmem>>) semaphore(%run_scoped3A : memref<!tpu.dma_semaphore, #tpu.memory_space<semaphore_mem>>) {add = true}
        %dma_wait3A_170 = arith.constant 0 : i32
        %dma_wait3A_171 = arith.constant 0 : i32
        %dma_wait3A_172 = tpu.memref_slice %arg15[%dma_wait3A_170, %dma_wait3A_171] : memref<10240x80xf32, #tpu.memory_space<vmem_shared>> -> memref<10240x80xf32, #tpu.memory_space<vmem_shared>>
        tpu.wait_indirect_dma semaphore(%run_scoped3A : memref<!tpu.dma_semaphore, #tpu.memory_space<semaphore_mem>>) src(%arg14 : memref<64x80xf32, #tpu.memory_space<vmem>>) dst(%dma_wait3A_172 : memref<10240x80xf32, #tpu.memory_space<vmem_shared>>)
        tpu.yield
      }) : () -> ()
      %add3A_160 = arith.constant 3 : i32
      %add3A_161 = arith.addi %mul3A_104, %add3A_160 : i32
      %lt3A_162 = arith.constant 162 : i32
      %lt3A_163 = arith.cmpi slt, %add3A_161, %lt3A_162 : i32
      %convert_element_type3A_164 = arith.extui %lt3A_163 : i1 to i32
      %cond3A_165 = arith.constant 0 : i32
      %cond3A_166 = arith.cmpi ne, %convert_element_type3A_164, %cond3A_165 : i32
      scf.if %cond3A_166 {
        %add3A_167 = arith.constant 3 : i32
        %add3A_168 = arith.addi %mul3A_104, %add3A_167 : i32
        %dma_start3A_169 = arith.constant 0 : i32
        %dma_start3A_170 = tpu.memref_slice %arg2[%add3A, %add3A_168, %dma_start3A_169] : memref<32x162x64xi32, #tpu.memory_space<hbm>> -> memref<1x1x64xi32, #tpu.memory_space<hbm>>
        %dma_start3A_171 = tpu.memref_squeeze %dma_start3A_170 : memref<1x1x64xi32, #tpu.memory_space<hbm>> -> memref<64xi32, #tpu.memory_space<hbm>>
        %dma_start3A_172 = arith.constant 0 : i32
        %dma_start3A_173 = tpu.memref_slice %arg2[%add3A, %add3A_168, %dma_start3A_172] : memref<32x162x64xi32, #tpu.memory_space<hbm>> -> memref<1x1x64xi32, #tpu.memory_space<hbm>>
        %dma_start3A_174 = tpu.memref_squeeze %dma_start3A_173 : memref<1x1x64xi32, #tpu.memory_space<hbm>> -> memref<64xi32, #tpu.memory_space<hbm>>
        tpu.enqueue_dma source(%dma_start3A_174 : memref<64xi32, #tpu.memory_space<hbm>>) target(%arg7 : memref<64xi32, #tpu.memory_space<vmem>>) target_semaphore(%arg16 : memref<!tpu.dma_semaphore, #tpu.memory_space<semaphore_mem>>)
        %dma_start3A_175 = arith.constant 0 : i32
        %dma_start3A_176 = tpu.memref_slice %arg3[%add3A, %add3A_168, %dma_start3A_175] : memref<32x162x64xi32, #tpu.memory_space<hbm>> -> memref<1x1x64xi32, #tpu.memory_space<hbm>>
        %dma_start3A_177 = tpu.memref_squeeze %dma_start3A_176 : memref<1x1x64xi32, #tpu.memory_space<hbm>> -> memref<64xi32, #tpu.memory_space<hbm>>
        %dma_start3A_178 = arith.constant 0 : i32
        %dma_start3A_179 = tpu.memref_slice %arg3[%add3A, %add3A_168, %dma_start3A_178] : memref<32x162x64xi32, #tpu.memory_space<hbm>> -> memref<1x1x64xi32, #tpu.memory_space<hbm>>
        %dma_start3A_180 = tpu.memref_squeeze %dma_start3A_179 : memref<1x1x64xi32, #tpu.memory_space<hbm>> -> memref<64xi32, #tpu.memory_space<hbm>>
        tpu.enqueue_dma source(%dma_start3A_180 : memref<64xi32, #tpu.memory_space<hbm>>) target(%arg9 : memref<64xi32, #tpu.memory_space<vmem>>) target_semaphore(%arg16 : memref<!tpu.dma_semaphore, #tpu.memory_space<semaphore_mem>>)
      } else {
      }
    }
    %scan3A_98 = arith.constant 81 : i32
    %barrier3A_99 = arith.constant 0 : index
    tpu.barrier barrier_id(%barrier3A_99)
    %mul3A_100 = arith.constant 640 : i32
    %mul3A_101 = arith.muli %arg1, %mul3A_100 : i32
    "tpu.region"() ({
      %run_scoped3A = tpu.sem_alloc : memref<!tpu.dma_semaphore, #tpu.memory_space<semaphore_mem>>
      %dma_start3A_102 = arith.constant 0 : i32
      %dma_start3A_103 = tpu.memref_slice %arg5[%arg0, %mul3A_101, %dma_start3A_102] : memref<2x10240x80xf32, #tpu.memory_space<hbm>> -> memref<1x640x80xf32, #tpu.memory_space<hbm>>
      %dma_start3A_104 = tpu.memref_squeeze %dma_start3A_103 : memref<1x640x80xf32, #tpu.memory_space<hbm>> -> memref<640x80xf32, #tpu.memory_space<hbm>>
      %dma_start3A_105 = arith.constant 0 : i32
      %dma_start3A_106 = tpu.memref_slice %arg15[%mul3A_101, %dma_start3A_105] : memref<10240x80xf32, #tpu.memory_space<vmem_shared>> -> memref<640x80xf32, #tpu.memory_space<vmem_shared>>
      tpu.enqueue_dma source(%dma_start3A_106 : memref<640x80xf32, #tpu.memory_space<vmem_shared>>) target(%dma_start3A_104 : memref<640x80xf32, #tpu.memory_space<hbm>>) target_semaphore(%run_scoped3A : memref<!tpu.dma_semaphore, #tpu.memory_space<semaphore_mem>>)
      %dma_wait3A_107 = arith.constant 0 : i32
      %dma_wait3A_108 = tpu.memref_slice %arg5[%arg0, %mul3A_101, %dma_wait3A_107] : memref<2x10240x80xf32, #tpu.memory_space<hbm>> -> memref<1x640x80xf32, #tpu.memory_space<hbm>>
      %dma_wait3A_109 = tpu.memref_squeeze %dma_wait3A_108 : memref<1x640x80xf32, #tpu.memory_space<hbm>> -> memref<640x80xf32, #tpu.memory_space<hbm>>
      %dma_wait3A_110 = arith.constant 0 : i32
      %dma_wait3A_111 = tpu.memref_slice %arg15[%mul3A_101, %dma_wait3A_110] : memref<10240x80xf32, #tpu.memory_space<vmem_shared>> -> memref<640x80xf32, #tpu.memory_space<vmem_shared>>
      tpu.wait_dma2 semaphore(%run_scoped3A : memref<!tpu.dma_semaphore, #tpu.memory_space<semaphore_mem>>) src(%dma_wait3A_111 : memref<640x80xf32, #tpu.memory_space<vmem_shared>>) dst(%dma_wait3A_109 : memref<640x80xf32, #tpu.memory_space<hbm>>)
      tpu.yield
    }) : () -> ()
    return
  }
}

#map = affine_map<(d0, d1) -> (0, 0, 0)>
#map1 = affine_map<(d0, d1) -> (0, 0)>
module attributes {stable_mosaic.version = 14 : i64} {
  func.func @k(%arg0: i32, %arg1: i32, %arg2: memref<32x162x64xi32, #tpu.memory_space<hbm>>, %arg3: memref<32x162x64xi32, #tpu.memory_space<hbm>>, %arg4: memref<10240x128xf32, #tpu.memory_space<hbm>>, %arg5: memref<2x10240x32xf32, #tpu.memory_space<hbm>>, %arg6: memref<64xi32, #tpu.memory_space<vmem>>, %arg7: memref<64xi32, #tpu.memory_space<vmem>>, %arg8: memref<64xi32, #tpu.memory_space<vmem>>, %arg9: memref<64xi32, #tpu.memory_space<vmem>>, %arg10: memref<64x128xf32, #tpu.memory_space<vmem>>, %arg11: memref<64x128xf32, #tpu.memory_space<vmem>>, %arg12: memref<64x128xf32, #tpu.memory_space<vmem>>, %arg13: memref<64x128xf32, #tpu.memory_space<vmem>>, %arg14: memref<64x32xf32, #tpu.memory_space<vmem>>, %arg15: memref<10240x32xf32, #tpu.memory_space<vmem_shared>>, %arg16: memref<!tpu.dma_semaphore, #tpu.memory_space<semaphore_mem>>, %arg17: memref<!tpu.dma_semaphore, #tpu.memory_space<semaphore_mem>>) attributes {dimension_semantics = [#tpu.dimension_semantics<core_parallel>, #tpu.dimension_semantics<subcore_parallel>], iteration_bounds = array<i64: 2, 16>, scalar_prefetch = 0 : i64, scratch_operands = 12 : i64, tpu.core_type = #tpu.core_type<sc_vector_subcore>, window_params = [{transform_indices = #map}, {transform_indices = #map}, {transform_indices = #map1}, {transform_indices = #map}]} {
    %mul3A = arith.constant 16 : i32
    %mul3A_0 = arith.muli %arg0, %mul3A : i32
    %add3A = arith.addi %mul3A_0, %arg1 : i32
    %broadcast_in_dim3A = arith.constant 0.000000e+00 : f32
    %broadcast_in_dim3A_1 = vector.broadcast %broadcast_in_dim3A : f32 to vector<16xf32>
    %scan3A = arith.constant 0 : i32
    %scan3A_2 = arith.constant 0 : i32
    %scan3A_3 = arith.constant 64 : i32
    %scan3A_4 = arith.addi %scan3A_2, %scan3A_3 : i32
    %scan3A_5 = arith.constant 1 : i32
    scf.for %scan3A_102 = %scan3A_2 to %scan3A_4 step %scan3A_5  : i32 {
      %swap3A = arith.index_cast %scan3A_102 : i32 to index
      %swap3A_103 = arith.constant 0 : index
      %swap3A_104 = tpu.vector_load %arg14[%swap3A, %swap3A_103] {strides = array<i32>} : memref<64x32xf32, #tpu.memory_space<vmem>>, vector<16xf32>,
      tpu.vector_store %arg14[%swap3A, %swap3A_103], %broadcast_in_dim3A_1 {strides = array<i32>} : memref<64x32xf32, #tpu.memory_space<vmem>>, vector<16xf32>,
      %swap3A_105 = arith.index_cast %scan3A_102 : i32 to index
      %swap3A_106 = arith.constant 16 : index
      %swap3A_107 = tpu.vector_load %arg14[%swap3A_105, %swap3A_106] {strides = array<i32>} : memref<64x32xf32, #tpu.memory_space<vmem>>, vector<16xf32>,
      tpu.vector_store %arg14[%swap3A_105, %swap3A_106], %broadcast_in_dim3A_1 {strides = array<i32>} : memref<64x32xf32, #tpu.memory_space<vmem>>, vector<16xf32>,
    }
    %scan3A_6 = arith.constant 64 : i32
    %mul3A_7 = arith.constant 640 : i32
    %mul3A_8 = arith.muli %arg1, %mul3A_7 : i32
    %add3A_9 = arith.constant 0 : i32
    %add3A_10 = arith.addi %mul3A_8, %add3A_9 : i32
    "tpu.region"() ({
      %run_scoped3A = tpu.sem_alloc : memref<!tpu.dma_semaphore, #tpu.memory_space<semaphore_mem>>
      %dma_start3A_102 = arith.constant 0 : i32
      %dma_start3A_103 = tpu.memref_slice %arg15[%add3A_10, %dma_start3A_102] : memref<10240x32xf32, #tpu.memory_space<vmem_shared>> -> memref<64x32xf32, #tpu.memory_space<vmem_shared>>
      %dma_start3A_104 = arith.constant 0 : i32
      %dma_start3A_105 = tpu.memref_slice %arg15[%add3A_10, %dma_start3A_104] : memref<10240x32xf32, #tpu.memory_space<vmem_shared>> -> memref<64x32xf32, #tpu.memory_space<vmem_shared>>
      tpu.enqueue_dma source(%arg14 : memref<64x32xf32, #tpu.memory_space<vmem>>) target(%dma_start3A_105 : memref<64x32xf32, #tpu.memory_space<vmem_shared>>) target_semaphore(%run_scoped3A : memref<!tpu.dma_semaphore, #tpu.memory_space<semaphore_mem>>)
      %dma_wait3A_106 = arith.constant 0 : i32
      %dma_wait3A_107 = tpu.memref_slice %arg15[%add3A_10, %dma_wait3A_106] : memref<10240x32xf32, #tpu.memory_space<vmem_shared>> -> memref<64x32xf32, #tpu.memory_space<vmem_shared>>
      %dma_wait3A_108 = arith.constant 0 : i32
      %dma_wait3A_109 = tpu.memref_slice %arg15[%add3A_10, %dma_wait3A_108] : memref<10240x32xf32, #tpu.memory_space<vmem_shared>> -> memref<64x32xf32, #tpu.memory_space<vmem_shared>>
      tpu.wait_dma2 semaphore(%run_scoped3A : memref<!tpu.dma_semaphore, #tpu.memory_space<semaphore_mem>>) src(%arg14 : memref<64x32xf32, #tpu.memory_space<vmem>>) dst(%dma_wait3A_109 : memref<64x32xf32, #tpu.memory_space<vmem_shared>>)
      tpu.yield
    }) : () -> ()
    %mul3A_11 = arith.constant 640 : i32
    %mul3A_12 = arith.muli %arg1, %mul3A_11 : i32
    %add3A_13 = arith.constant 64 : i32
    %add3A_14 = arith.addi %mul3A_12, %add3A_13 : i32
    "tpu.region"() ({
      %run_scoped3A = tpu.sem_alloc : memref<!tpu.dma_semaphore, #tpu.memory_space<semaphore_mem>>
      %dma_start3A_102 = arith.constant 0 : i32
      %dma_start3A_103 = tpu.memref_slice %arg15[%add3A_14, %dma_start3A_102] : memref<10240x32xf32, #tpu.memory_space<vmem_shared>> -> memref<64x32xf32, #tpu.memory_space<vmem_shared>>
      %dma_start3A_104 = arith.constant 0 : i32
      %dma_start3A_105 = tpu.memref_slice %arg15[%add3A_14, %dma_start3A_104] : memref<10240x32xf32, #tpu.memory_space<vmem_shared>> -> memref<64x32xf32, #tpu.memory_space<vmem_shared>>
      tpu.enqueue_dma source(%arg14 : memref<64x32xf32, #tpu.memory_space<vmem>>) target(%dma_start3A_105 : memref<64x32xf32, #tpu.memory_space<vmem_shared>>) target_semaphore(%run_scoped3A : memref<!tpu.dma_semaphore, #tpu.memory_space<semaphore_mem>>)
      %dma_wait3A_106 = arith.constant 0 : i32
      %dma_wait3A_107 = tpu.memref_slice %arg15[%add3A_14, %dma_wait3A_106] : memref<10240x32xf32, #tpu.memory_space<vmem_shared>> -> memref<64x32xf32, #tpu.memory_space<vmem_shared>>
      %dma_wait3A_108 = arith.constant 0 : i32
      %dma_wait3A_109 = tpu.memref_slice %arg15[%add3A_14, %dma_wait3A_108] : memref<10240x32xf32, #tpu.memory_space<vmem_shared>> -> memref<64x32xf32, #tpu.memory_space<vmem_shared>>
      tpu.wait_dma2 semaphore(%run_scoped3A : memref<!tpu.dma_semaphore, #tpu.memory_space<semaphore_mem>>) src(%arg14 : memref<64x32xf32, #tpu.memory_space<vmem>>) dst(%dma_wait3A_109 : memref<64x32xf32, #tpu.memory_space<vmem_shared>>)
      tpu.yield
    }) : () -> ()
    %mul3A_15 = arith.constant 640 : i32
    %mul3A_16 = arith.muli %arg1, %mul3A_15 : i32
    %add3A_17 = arith.constant 128 : i32
    %add3A_18 = arith.addi %mul3A_16, %add3A_17 : i32
    "tpu.region"() ({
      %run_scoped3A = tpu.sem_alloc : memref<!tpu.dma_semaphore, #tpu.memory_space<semaphore_mem>>
      %dma_start3A_102 = arith.constant 0 : i32
      %dma_start3A_103 = tpu.memref_slice %arg15[%add3A_18, %dma_start3A_102] : memref<10240x32xf32, #tpu.memory_space<vmem_shared>> -> memref<64x32xf32, #tpu.memory_space<vmem_shared>>
      %dma_start3A_104 = arith.constant 0 : i32
      %dma_start3A_105 = tpu.memref_slice %arg15[%add3A_18, %dma_start3A_104] : memref<10240x32xf32, #tpu.memory_space<vmem_shared>> -> memref<64x32xf32, #tpu.memory_space<vmem_shared>>
      tpu.enqueue_dma source(%arg14 : memref<64x32xf32, #tpu.memory_space<vmem>>) target(%dma_start3A_105 : memref<64x32xf32, #tpu.memory_space<vmem_shared>>) target_semaphore(%run_scoped3A : memref<!tpu.dma_semaphore, #tpu.memory_space<semaphore_mem>>)
      %dma_wait3A_106 = arith.constant 0 : i32
      %dma_wait3A_107 = tpu.memref_slice %arg15[%add3A_18, %dma_wait3A_106] : memref<10240x32xf32, #tpu.memory_space<vmem_shared>> -> memref<64x32xf32, #tpu.memory_space<vmem_shared>>
      %dma_wait3A_108 = arith.constant 0 : i32
      %dma_wait3A_109 = tpu.memref_slice %arg15[%add3A_18, %dma_wait3A_108] : memref<10240x32xf32, #tpu.memory_space<vmem_shared>> -> memref<64x32xf32, #tpu.memory_space<vmem_shared>>
      tpu.wait_dma2 semaphore(%run_scoped3A : memref<!tpu.dma_semaphore, #tpu.memory_space<semaphore_mem>>) src(%arg14 : memref<64x32xf32, #tpu.memory_space<vmem>>) dst(%dma_wait3A_109 : memref<64x32xf32, #tpu.memory_space<vmem_shared>>)
      tpu.yield
    }) : () -> ()
    %mul3A_19 = arith.constant 640 : i32
    %mul3A_20 = arith.muli %arg1, %mul3A_19 : i32
    %add3A_21 = arith.constant 192 : i32
    %add3A_22 = arith.addi %mul3A_20, %add3A_21 : i32
    "tpu.region"() ({
      %run_scoped3A = tpu.sem_alloc : memref<!tpu.dma_semaphore, #tpu.memory_space<semaphore_mem>>
      %dma_start3A_102 = arith.constant 0 : i32
      %dma_start3A_103 = tpu.memref_slice %arg15[%add3A_22, %dma_start3A_102] : memref<10240x32xf32, #tpu.memory_space<vmem_shared>> -> memref<64x32xf32, #tpu.memory_space<vmem_shared>>
      %dma_start3A_104 = arith.constant 0 : i32
      %dma_start3A_105 = tpu.memref_slice %arg15[%add3A_22, %dma_start3A_104] : memref<10240x32xf32, #tpu.memory_space<vmem_shared>> -> memref<64x32xf32, #tpu.memory_space<vmem_shared>>
      tpu.enqueue_dma source(%arg14 : memref<64x32xf32, #tpu.memory_space<vmem>>) target(%dma_start3A_105 : memref<64x32xf32, #tpu.memory_space<vmem_shared>>) target_semaphore(%run_scoped3A : memref<!tpu.dma_semaphore, #tpu.memory_space<semaphore_mem>>)
      %dma_wait3A_106 = arith.constant 0 : i32
      %dma_wait3A_107 = tpu.memref_slice %arg15[%add3A_22, %dma_wait3A_106] : memref<10240x32xf32, #tpu.memory_space<vmem_shared>> -> memref<64x32xf32, #tpu.memory_space<vmem_shared>>
      %dma_wait3A_108 = arith.constant 0 : i32
      %dma_wait3A_109 = tpu.memref_slice %arg15[%add3A_22, %dma_wait3A_108] : memref<10240x32xf32, #tpu.memory_space<vmem_shared>> -> memref<64x32xf32, #tpu.memory_space<vmem_shared>>
      tpu.wait_dma2 semaphore(%run_scoped3A : memref<!tpu.dma_semaphore, #tpu.memory_space<semaphore_mem>>) src(%arg14 : memref<64x32xf32, #tpu.memory_space<vmem>>) dst(%dma_wait3A_109 : memref<64x32xf32, #tpu.memory_space<vmem_shared>>)
      tpu.yield
    }) : () -> ()
    %mul3A_23 = arith.constant 640 : i32
    %mul3A_24 = arith.muli %arg1, %mul3A_23 : i32
    %add3A_25 = arith.constant 256 : i32
    %add3A_26 = arith.addi %mul3A_24, %add3A_25 : i32
    "tpu.region"() ({
      %run_scoped3A = tpu.sem_alloc : memref<!tpu.dma_semaphore, #tpu.memory_space<semaphore_mem>>
      %dma_start3A_102 = arith.constant 0 : i32
      %dma_start3A_103 = tpu.memref_slice %arg15[%add3A_26, %dma_start3A_102] : memref<10240x32xf32, #tpu.memory_space<vmem_shared>> -> memref<64x32xf32, #tpu.memory_space<vmem_shared>>
      %dma_start3A_104 = arith.constant 0 : i32
      %dma_start3A_105 = tpu.memref_slice %arg15[%add3A_26, %dma_start3A_104] : memref<10240x32xf32, #tpu.memory_space<vmem_shared>> -> memref<64x32xf32, #tpu.memory_space<vmem_shared>>
      tpu.enqueue_dma source(%arg14 : memref<64x32xf32, #tpu.memory_space<vmem>>) target(%dma_start3A_105 : memref<64x32xf32, #tpu.memory_space<vmem_shared>>) target_semaphore(%run_scoped3A : memref<!tpu.dma_semaphore, #tpu.memory_space<semaphore_mem>>)
      %dma_wait3A_106 = arith.constant 0 : i32
      %dma_wait3A_107 = tpu.memref_slice %arg15[%add3A_26, %dma_wait3A_106] : memref<10240x32xf32, #tpu.memory_space<vmem_shared>> -> memref<64x32xf32, #tpu.memory_space<vmem_shared>>
      %dma_wait3A_108 = arith.constant 0 : i32
      %dma_wait3A_109 = tpu.memref_slice %arg15[%add3A_26, %dma_wait3A_108] : memref<10240x32xf32, #tpu.memory_space<vmem_shared>> -> memref<64x32xf32, #tpu.memory_space<vmem_shared>>
      tpu.wait_dma2 semaphore(%run_scoped3A : memref<!tpu.dma_semaphore, #tpu.memory_space<semaphore_mem>>) src(%arg14 : memref<64x32xf32, #tpu.memory_space<vmem>>) dst(%dma_wait3A_109 : memref<64x32xf32, #tpu.memory_space<vmem_shared>>)
      tpu.yield
    }) : () -> ()
    %mul3A_27 = arith.constant 640 : i32
    %mul3A_28 = arith.muli %arg1, %mul3A_27 : i32
    %add3A_29 = arith.constant 320 : i32
    %add3A_30 = arith.addi %mul3A_28, %add3A_29 : i32
    "tpu.region"() ({
      %run_scoped3A = tpu.sem_alloc : memref<!tpu.dma_semaphore, #tpu.memory_space<semaphore_mem>>
      %dma_start3A_102 = arith.constant 0 : i32
      %dma_start3A_103 = tpu.memref_slice %arg15[%add3A_30, %dma_start3A_102] : memref<10240x32xf32, #tpu.memory_space<vmem_shared>> -> memref<64x32xf32, #tpu.memory_space<vmem_shared>>
      %dma_start3A_104 = arith.constant 0 : i32
      %dma_start3A_105 = tpu.memref_slice %arg15[%add3A_30, %dma_start3A_104] : memref<10240x32xf32, #tpu.memory_space<vmem_shared>> -> memref<64x32xf32, #tpu.memory_space<vmem_shared>>
      tpu.enqueue_dma source(%arg14 : memref<64x32xf32, #tpu.memory_space<vmem>>) target(%dma_start3A_105 : memref<64x32xf32, #tpu.memory_space<vmem_shared>>) target_semaphore(%run_scoped3A : memref<!tpu.dma_semaphore, #tpu.memory_space<semaphore_mem>>)
      %dma_wait3A_106 = arith.constant 0 : i32
      %dma_wait3A_107 = tpu.memref_slice %arg15[%add3A_30, %dma_wait3A_106] : memref<10240x32xf32, #tpu.memory_space<vmem_shared>> -> memref<64x32xf32, #tpu.memory_space<vmem_shared>>
      %dma_wait3A_108 = arith.constant 0 : i32
      %dma_wait3A_109 = tpu.memref_slice %arg15[%add3A_30, %dma_wait3A_108] : memref<10240x32xf32, #tpu.memory_space<vmem_shared>> -> memref<64x32xf32, #tpu.memory_space<vmem_shared>>
      tpu.wait_dma2 semaphore(%run_scoped3A : memref<!tpu.dma_semaphore, #tpu.memory_space<semaphore_mem>>) src(%arg14 : memref<64x32xf32, #tpu.memory_space<vmem>>) dst(%dma_wait3A_109 : memref<64x32xf32, #tpu.memory_space<vmem_shared>>)
      tpu.yield
    }) : () -> ()
    %mul3A_31 = arith.constant 640 : i32
    %mul3A_32 = arith.muli %arg1, %mul3A_31 : i32
    %add3A_33 = arith.constant 384 : i32
    %add3A_34 = arith.addi %mul3A_32, %add3A_33 : i32
    "tpu.region"() ({
      %run_scoped3A = tpu.sem_alloc : memref<!tpu.dma_semaphore, #tpu.memory_space<semaphore_mem>>
      %dma_start3A_102 = arith.constant 0 : i32
      %dma_start3A_103 = tpu.memref_slice %arg15[%add3A_34, %dma_start3A_102] : memref<10240x32xf32, #tpu.memory_space<vmem_shared>> -> memref<64x32xf32, #tpu.memory_space<vmem_shared>>
      %dma_start3A_104 = arith.constant 0 : i32
      %dma_start3A_105 = tpu.memref_slice %arg15[%add3A_34, %dma_start3A_104] : memref<10240x32xf32, #tpu.memory_space<vmem_shared>> -> memref<64x32xf32, #tpu.memory_space<vmem_shared>>
      tpu.enqueue_dma source(%arg14 : memref<64x32xf32, #tpu.memory_space<vmem>>) target(%dma_start3A_105 : memref<64x32xf32, #tpu.memory_space<vmem_shared>>) target_semaphore(%run_scoped3A : memref<!tpu.dma_semaphore, #tpu.memory_space<semaphore_mem>>)
      %dma_wait3A_106 = arith.constant 0 : i32
      %dma_wait3A_107 = tpu.memref_slice %arg15[%add3A_34, %dma_wait3A_106] : memref<10240x32xf32, #tpu.memory_space<vmem_shared>> -> memref<64x32xf32, #tpu.memory_space<vmem_shared>>
      %dma_wait3A_108 = arith.constant 0 : i32
      %dma_wait3A_109 = tpu.memref_slice %arg15[%add3A_34, %dma_wait3A_108] : memref<10240x32xf32, #tpu.memory_space<vmem_shared>> -> memref<64x32xf32, #tpu.memory_space<vmem_shared>>
      tpu.wait_dma2 semaphore(%run_scoped3A : memref<!tpu.dma_semaphore, #tpu.memory_space<semaphore_mem>>) src(%arg14 : memref<64x32xf32, #tpu.memory_space<vmem>>) dst(%dma_wait3A_109 : memref<64x32xf32, #tpu.memory_space<vmem_shared>>)
      tpu.yield
    }) : () -> ()
    %mul3A_35 = arith.constant 640 : i32
    %mul3A_36 = arith.muli %arg1, %mul3A_35 : i32
    %add3A_37 = arith.constant 448 : i32
    %add3A_38 = arith.addi %mul3A_36, %add3A_37 : i32
    "tpu.region"() ({
      %run_scoped3A = tpu.sem_alloc : memref<!tpu.dma_semaphore, #tpu.memory_space<semaphore_mem>>
      %dma_start3A_102 = arith.constant 0 : i32
      %dma_start3A_103 = tpu.memref_slice %arg15[%add3A_38, %dma_start3A_102] : memref<10240x32xf32, #tpu.memory_space<vmem_shared>> -> memref<64x32xf32, #tpu.memory_space<vmem_shared>>
      %dma_start3A_104 = arith.constant 0 : i32
      %dma_start3A_105 = tpu.memref_slice %arg15[%add3A_38, %dma_start3A_104] : memref<10240x32xf32, #tpu.memory_space<vmem_shared>> -> memref<64x32xf32, #tpu.memory_space<vmem_shared>>
      tpu.enqueue_dma source(%arg14 : memref<64x32xf32, #tpu.memory_space<vmem>>) target(%dma_start3A_105 : memref<64x32xf32, #tpu.memory_space<vmem_shared>>) target_semaphore(%run_scoped3A : memref<!tpu.dma_semaphore, #tpu.memory_space<semaphore_mem>>)
      %dma_wait3A_106 = arith.constant 0 : i32
      %dma_wait3A_107 = tpu.memref_slice %arg15[%add3A_38, %dma_wait3A_106] : memref<10240x32xf32, #tpu.memory_space<vmem_shared>> -> memref<64x32xf32, #tpu.memory_space<vmem_shared>>
      %dma_wait3A_108 = arith.constant 0 : i32
      %dma_wait3A_109 = tpu.memref_slice %arg15[%add3A_38, %dma_wait3A_108] : memref<10240x32xf32, #tpu.memory_space<vmem_shared>> -> memref<64x32xf32, #tpu.memory_space<vmem_shared>>
      tpu.wait_dma2 semaphore(%run_scoped3A : memref<!tpu.dma_semaphore, #tpu.memory_space<semaphore_mem>>) src(%arg14 : memref<64x32xf32, #tpu.memory_space<vmem>>) dst(%dma_wait3A_109 : memref<64x32xf32, #tpu.memory_space<vmem_shared>>)
      tpu.yield
    }) : () -> ()
    %mul3A_39 = arith.constant 640 : i32
    %mul3A_40 = arith.muli %arg1, %mul3A_39 : i32
    %add3A_41 = arith.constant 512 : i32
    %add3A_42 = arith.addi %mul3A_40, %add3A_41 : i32
    "tpu.region"() ({
      %run_scoped3A = tpu.sem_alloc : memref<!tpu.dma_semaphore, #tpu.memory_space<semaphore_mem>>
      %dma_start3A_102 = arith.constant 0 : i32
      %dma_start3A_103 = tpu.memref_slice %arg15[%add3A_42, %dma_start3A_102] : memref<10240x32xf32, #tpu.memory_space<vmem_shared>> -> memref<64x32xf32, #tpu.memory_space<vmem_shared>>
      %dma_start3A_104 = arith.constant 0 : i32
      %dma_start3A_105 = tpu.memref_slice %arg15[%add3A_42, %dma_start3A_104] : memref<10240x32xf32, #tpu.memory_space<vmem_shared>> -> memref<64x32xf32, #tpu.memory_space<vmem_shared>>
      tpu.enqueue_dma source(%arg14 : memref<64x32xf32, #tpu.memory_space<vmem>>) target(%dma_start3A_105 : memref<64x32xf32, #tpu.memory_space<vmem_shared>>) target_semaphore(%run_scoped3A : memref<!tpu.dma_semaphore, #tpu.memory_space<semaphore_mem>>)
      %dma_wait3A_106 = arith.constant 0 : i32
      %dma_wait3A_107 = tpu.memref_slice %arg15[%add3A_42, %dma_wait3A_106] : memref<10240x32xf32, #tpu.memory_space<vmem_shared>> -> memref<64x32xf32, #tpu.memory_space<vmem_shared>>
      %dma_wait3A_108 = arith.constant 0 : i32
      %dma_wait3A_109 = tpu.memref_slice %arg15[%add3A_42, %dma_wait3A_108] : memref<10240x32xf32, #tpu.memory_space<vmem_shared>> -> memref<64x32xf32, #tpu.memory_space<vmem_shared>>
      tpu.wait_dma2 semaphore(%run_scoped3A : memref<!tpu.dma_semaphore, #tpu.memory_space<semaphore_mem>>) src(%arg14 : memref<64x32xf32, #tpu.memory_space<vmem>>) dst(%dma_wait3A_109 : memref<64x32xf32, #tpu.memory_space<vmem_shared>>)
      tpu.yield
    }) : () -> ()
    %mul3A_43 = arith.constant 640 : i32
    %mul3A_44 = arith.muli %arg1, %mul3A_43 : i32
    %add3A_45 = arith.constant 576 : i32
    %add3A_46 = arith.addi %mul3A_44, %add3A_45 : i32
    "tpu.region"() ({
      %run_scoped3A = tpu.sem_alloc : memref<!tpu.dma_semaphore, #tpu.memory_space<semaphore_mem>>
      %dma_start3A_102 = arith.constant 0 : i32
      %dma_start3A_103 = tpu.memref_slice %arg15[%add3A_46, %dma_start3A_102] : memref<10240x32xf32, #tpu.memory_space<vmem_shared>> -> memref<64x32xf32, #tpu.memory_space<vmem_shared>>
      %dma_start3A_104 = arith.constant 0 : i32
      %dma_start3A_105 = tpu.memref_slice %arg15[%add3A_46, %dma_start3A_104] : memref<10240x32xf32, #tpu.memory_space<vmem_shared>> -> memref<64x32xf32, #tpu.memory_space<vmem_shared>>
      tpu.enqueue_dma source(%arg14 : memref<64x32xf32, #tpu.memory_space<vmem>>) target(%dma_start3A_105 : memref<64x32xf32, #tpu.memory_space<vmem_shared>>) target_semaphore(%run_scoped3A : memref<!tpu.dma_semaphore, #tpu.memory_space<semaphore_mem>>)
      %dma_wait3A_106 = arith.constant 0 : i32
      %dma_wait3A_107 = tpu.memref_slice %arg15[%add3A_46, %dma_wait3A_106] : memref<10240x32xf32, #tpu.memory_space<vmem_shared>> -> memref<64x32xf32, #tpu.memory_space<vmem_shared>>
      %dma_wait3A_108 = arith.constant 0 : i32
      %dma_wait3A_109 = tpu.memref_slice %arg15[%add3A_46, %dma_wait3A_108] : memref<10240x32xf32, #tpu.memory_space<vmem_shared>> -> memref<64x32xf32, #tpu.memory_space<vmem_shared>>
      tpu.wait_dma2 semaphore(%run_scoped3A : memref<!tpu.dma_semaphore, #tpu.memory_space<semaphore_mem>>) src(%arg14 : memref<64x32xf32, #tpu.memory_space<vmem>>) dst(%dma_wait3A_109 : memref<64x32xf32, #tpu.memory_space<vmem_shared>>)
      tpu.yield
    }) : () -> ()
    %barrier3A = arith.constant 0 : index
    tpu.barrier barrier_id(%barrier3A)
    %iota3A = tpu.iota {dimensions = array<i32: 0>} : vector<16xi32>
    %dma_start3A = arith.constant 0 : i32
    %dma_start3A_47 = arith.constant 0 : i32
    %dma_start3A_48 = tpu.memref_slice %arg2[%add3A, %dma_start3A, %dma_start3A_47] : memref<32x162x64xi32, #tpu.memory_space<hbm>> -> memref<1x1x64xi32, #tpu.memory_space<hbm>>
    %dma_start3A_49 = tpu.memref_squeeze %dma_start3A_48 : memref<1x1x64xi32, #tpu.memory_space<hbm>> -> memref<64xi32, #tpu.memory_space<hbm>>
    %dma_start3A_50 = arith.constant 0 : i32
    %dma_start3A_51 = tpu.memref_slice %arg2[%add3A, %dma_start3A, %dma_start3A_50] : memref<32x162x64xi32, #tpu.memory_space<hbm>> -> memref<1x1x64xi32, #tpu.memory_space<hbm>>
    %dma_start3A_52 = tpu.memref_squeeze %dma_start3A_51 : memref<1x1x64xi32, #tpu.memory_space<hbm>> -> memref<64xi32, #tpu.memory_space<hbm>>
    tpu.enqueue_dma source(%dma_start3A_52 : memref<64xi32, #tpu.memory_space<hbm>>) target(%arg6 : memref<64xi32, #tpu.memory_space<vmem>>) target_semaphore(%arg16 : memref<!tpu.dma_semaphore, #tpu.memory_space<semaphore_mem>>)
    %dma_start3A_53 = arith.constant 0 : i32
    %dma_start3A_54 = arith.constant 0 : i32
    %dma_start3A_55 = tpu.memref_slice %arg3[%add3A, %dma_start3A_53, %dma_start3A_54] : memref<32x162x64xi32, #tpu.memory_space<hbm>> -> memref<1x1x64xi32, #tpu.memory_space<hbm>>
    %dma_start3A_56 = tpu.memref_squeeze %dma_start3A_55 : memref<1x1x64xi32, #tpu.memory_space<hbm>> -> memref<64xi32, #tpu.memory_space<hbm>>
    %dma_start3A_57 = arith.constant 0 : i32
    %dma_start3A_58 = tpu.memref_slice %arg3[%add3A, %dma_start3A_53, %dma_start3A_57] : memref<32x162x64xi32, #tpu.memory_space<hbm>> -> memref<1x1x64xi32, #tpu.memory_space<hbm>>
    %dma_start3A_59 = tpu.memref_squeeze %dma_start3A_58 : memref<1x1x64xi32, #tpu.memory_space<hbm>> -> memref<64xi32, #tpu.memory_space<hbm>>
    tpu.enqueue_dma source(%dma_start3A_59 : memref<64xi32, #tpu.memory_space<hbm>>) target(%arg8 : memref<64xi32, #tpu.memory_space<vmem>>) target_semaphore(%arg16 : memref<!tpu.dma_semaphore, #tpu.memory_space<semaphore_mem>>)
    %dma_wait3A = arith.constant 0 : i32
    %dma_wait3A_60 = arith.constant 0 : i32
    %dma_wait3A_61 = tpu.memref_slice %arg2[%add3A, %dma_wait3A, %dma_wait3A_60] : memref<32x162x64xi32, #tpu.memory_space<hbm>> -> memref<1x1x64xi32, #tpu.memory_space<hbm>>
    %dma_wait3A_62 = tpu.memref_squeeze %dma_wait3A_61 : memref<1x1x64xi32, #tpu.memory_space<hbm>> -> memref<64xi32, #tpu.memory_space<hbm>>
    %dma_wait3A_63 = arith.constant 0 : i32
    %dma_wait3A_64 = tpu.memref_slice %arg2[%add3A, %dma_wait3A, %dma_wait3A_63] : memref<32x162x64xi32, #tpu.memory_space<hbm>> -> memref<1x1x64xi32, #tpu.memory_space<hbm>>
    %dma_wait3A_65 = tpu.memref_squeeze %dma_wait3A_64 : memref<1x1x64xi32, #tpu.memory_space<hbm>> -> memref<64xi32, #tpu.memory_space<hbm>>
    tpu.wait_dma2 semaphore(%arg16 : memref<!tpu.dma_semaphore, #tpu.memory_space<semaphore_mem>>) src(%dma_wait3A_65 : memref<64xi32, #tpu.memory_space<hbm>>) dst(%arg6 : memref<64xi32, #tpu.memory_space<vmem>>)
    %dma_wait3A_66 = arith.constant 0 : i32
    %dma_wait3A_67 = arith.constant 0 : i32
    %dma_wait3A_68 = tpu.memref_slice %arg3[%add3A, %dma_wait3A_66, %dma_wait3A_67] : memref<32x162x64xi32, #tpu.memory_space<hbm>> -> memref<1x1x64xi32, #tpu.memory_space<hbm>>
    %dma_wait3A_69 = tpu.memref_squeeze %dma_wait3A_68 : memref<1x1x64xi32, #tpu.memory_space<hbm>> -> memref<64xi32, #tpu.memory_space<hbm>>
    %dma_wait3A_70 = arith.constant 0 : i32
    %dma_wait3A_71 = tpu.memref_slice %arg3[%add3A, %dma_wait3A_66, %dma_wait3A_70] : memref<32x162x64xi32, #tpu.memory_space<hbm>> -> memref<1x1x64xi32, #tpu.memory_space<hbm>>
    %dma_wait3A_72 = tpu.memref_squeeze %dma_wait3A_71 : memref<1x1x64xi32, #tpu.memory_space<hbm>> -> memref<64xi32, #tpu.memory_space<hbm>>
    tpu.wait_dma2 semaphore(%arg16 : memref<!tpu.dma_semaphore, #tpu.memory_space<semaphore_mem>>) src(%dma_wait3A_72 : memref<64xi32, #tpu.memory_space<hbm>>) dst(%arg8 : memref<64xi32, #tpu.memory_space<vmem>>)
    %dma_start3A_73 = arith.constant 0 : i32
    %dma_start3A_74 = arith.constant 0 : i32
    %dma_start3A_75 = tpu.memref_slice %arg4[%dma_start3A_73, %dma_start3A_74] : memref<10240x128xf32, #tpu.memory_space<hbm>> -> memref<10240x128xf32, #tpu.memory_space<hbm>>
    tpu.enqueue_indirect_dma source(%dma_start3A_75 : memref<10240x128xf32, #tpu.memory_space<hbm>>) target(%arg10 : memref<64x128xf32, #tpu.memory_space<vmem>>) offsets(%arg6 : memref<64xi32, #tpu.memory_space<vmem>>) semaphore(%arg17 : memref<!tpu.dma_semaphore, #tpu.memory_space<semaphore_mem>>)
    %dma_start3A_76 = arith.constant 0 : i32
    %dma_start3A_77 = arith.constant 0 : i32
    %dma_start3A_78 = tpu.memref_slice %arg4[%dma_start3A_76, %dma_start3A_77] : memref<10240x128xf32, #tpu.memory_space<hbm>> -> memref<10240x128xf32, #tpu.memory_space<hbm>>
    tpu.enqueue_indirect_dma source(%dma_start3A_78 : memref<10240x128xf32, #tpu.memory_space<hbm>>) target(%arg12 : memref<64x128xf32, #tpu.memory_space<vmem>>) offsets(%arg8 : memref<64xi32, #tpu.memory_space<vmem>>) semaphore(%arg17 : memref<!tpu.dma_semaphore, #tpu.memory_space<semaphore_mem>>)
    %dma_start3A_79 = arith.constant 1 : i32
    %dma_start3A_80 = arith.constant 0 : i32
    %dma_start3A_81 = tpu.memref_slice %arg2[%add3A, %dma_start3A_79, %dma_start3A_80] : memref<32x162x64xi32, #tpu.memory_space<hbm>> -> memref<1x1x64xi32, #tpu.memory_space<hbm>>
    %dma_start3A_82 = tpu.memref_squeeze %dma_start3A_81 : memref<1x1x64xi32, #tpu.memory_space<hbm>> -> memref<64xi32, #tpu.memory_space<hbm>>
    %dma_start3A_83 = arith.constant 0 : i32
    %dma_start3A_84 = tpu.memref_slice %arg2[%add3A, %dma_start3A_79, %dma_start3A_83] : memref<32x162x64xi32, #tpu.memory_space<hbm>> -> memref<1x1x64xi32, #tpu.memory_space<hbm>>
    %dma_start3A_85 = tpu.memref_squeeze %dma_start3A_84 : memref<1x1x64xi32, #tpu.memory_space<hbm>> -> memref<64xi32, #tpu.memory_space<hbm>>
    tpu.enqueue_dma source(%dma_start3A_85 : memref<64xi32, #tpu.memory_space<hbm>>) target(%arg7 : memref<64xi32, #tpu.memory_space<vmem>>) target_semaphore(%arg16 : memref<!tpu.dma_semaphore, #tpu.memory_space<semaphore_mem>>)
    %dma_start3A_86 = arith.constant 1 : i32
    %dma_start3A_87 = arith.constant 0 : i32
    %dma_start3A_88 = tpu.memref_slice %arg3[%add3A, %dma_start3A_86, %dma_start3A_87] : memref<32x162x64xi32, #tpu.memory_space<hbm>> -> memref<1x1x64xi32, #tpu.memory_space<hbm>>
    %dma_start3A_89 = tpu.memref_squeeze %dma_start3A_88 : memref<1x1x64xi32, #tpu.memory_space<hbm>> -> memref<64xi32, #tpu.memory_space<hbm>>
    %dma_start3A_90 = arith.constant 0 : i32
    %dma_start3A_91 = tpu.memref_slice %arg3[%add3A, %dma_start3A_86, %dma_start3A_90] : memref<32x162x64xi32, #tpu.memory_space<hbm>> -> memref<1x1x64xi32, #tpu.memory_space<hbm>>
    %dma_start3A_92 = tpu.memref_squeeze %dma_start3A_91 : memref<1x1x64xi32, #tpu.memory_space<hbm>> -> memref<64xi32, #tpu.memory_space<hbm>>
    tpu.enqueue_dma source(%dma_start3A_92 : memref<64xi32, #tpu.memory_space<hbm>>) target(%arg9 : memref<64xi32, #tpu.memory_space<vmem>>) target_semaphore(%arg16 : memref<!tpu.dma_semaphore, #tpu.memory_space<semaphore_mem>>)
    %scan3A_93 = arith.constant 0 : i32
    %scan3A_94 = arith.constant 0 : i32
    %scan3A_95 = arith.constant 81 : i32
    %scan3A_96 = arith.addi %scan3A_94, %scan3A_95 : i32
    %scan3A_97 = arith.constant 1 : i32
    scf.for %scan3A_102 = %scan3A_94 to %scan3A_96 step %scan3A_97  : i32 {
      %mul3A_103 = arith.constant 2 : i32
      %mul3A_104 = arith.muli %mul3A_103, %scan3A_102 : i32
      %dma_wait3A_105 = arith.constant 0 : i32
      %dma_wait3A_106 = arith.constant 0 : i32
      %dma_wait3A_107 = tpu.memref_slice %arg4[%dma_wait3A_105, %dma_wait3A_106] : memref<10240x128xf32, #tpu.memory_space<hbm>> -> memref<10240x128xf32, #tpu.memory_space<hbm>>
      tpu.wait_indirect_dma semaphore(%arg17 : memref<!tpu.dma_semaphore, #tpu.memory_space<semaphore_mem>>) src(%dma_wait3A_107 : memref<10240x128xf32, #tpu.memory_space<hbm>>) dst(%arg10 : memref<64x128xf32, #tpu.memory_space<vmem>>)
      %dma_wait3A_108 = arith.constant 0 : i32
      %dma_wait3A_109 = arith.constant 0 : i32
      %dma_wait3A_110 = tpu.memref_slice %arg4[%dma_wait3A_108, %dma_wait3A_109] : memref<10240x128xf32, #tpu.memory_space<hbm>> -> memref<10240x128xf32, #tpu.memory_space<hbm>>
      tpu.wait_indirect_dma semaphore(%arg17 : memref<!tpu.dma_semaphore, #tpu.memory_space<semaphore_mem>>) src(%dma_wait3A_110 : memref<10240x128xf32, #tpu.memory_space<hbm>>) dst(%arg12 : memref<64x128xf32, #tpu.memory_space<vmem>>)
      %scan3A_111 = arith.constant 0 : i32
      %scan3A_112 = arith.constant 0 : i32
      %scan3A_113 = arith.constant 64 : i32
      %scan3A_114 = arith.addi %scan3A_112, %scan3A_113 : i32
      %scan3A_115 = arith.constant 1 : i32
      scf.for %scan3A_167 = %scan3A_112 to %scan3A_114 step %scan3A_115  : i32 {
        %get3A = arith.index_cast %scan3A_167 : i32 to index
        %get3A_168 = arith.constant 16 : index
        %get3A_169 = tpu.vector_load %arg10[%get3A, %get3A_168] {strides = array<i32>} : memref<64x128xf32, #tpu.memory_space<vmem>>, vector<16xf32>,
        %get3A_170 = arith.index_cast %scan3A_167 : i32 to index
        %get3A_171 = arith.constant 16 : index
        %get3A_172 = tpu.vector_load %arg12[%get3A_170, %get3A_171] {strides = array<i32>} : memref<64x128xf32, #tpu.memory_space<vmem>>, vector<16xf32>,
        %mul3A_173 = arith.constant 0 : i32
        %mul3A_174 = vector.broadcast %mul3A_173 : i32 to vector<16xi32>
        %mul3A_175 = arith.muli %iota3A, %mul3A_174 : vector<16xi32>
        %broadcast_in_dim3A_176 = vector.shape_cast %mul3A_175 : vector<16xi32> to vector<16x1xi32>
        %gather3A = vector.shape_cast %broadcast_in_dim3A_176 : vector<16x1xi32> to vector<16xi32>
        %gather3A_177 = tpu.dynamic_gather %get3A_169[%gather3A] in [0] : vector<16xf32>, vector<16xi32> -> vector<16xf32>
        %mul3A_178 = arith.constant 0 : i32
        %mul3A_179 = vector.broadcast %mul3A_178 : i32 to vector<16xi32>
        %mul3A_180 = arith.muli %iota3A, %mul3A_179 : vector<16xi32>
        %add3A_181 = arith.constant 1 : i32
        %add3A_182 = vector.broadcast %add3A_181 : i32 to vector<16xi32>
        %add3A_183 = arith.addi %mul3A_180, %add3A_182 : vector<16xi32>
        %broadcast_in_dim3A_184 = vector.shape_cast %add3A_183 : vector<16xi32> to vector<16x1xi32>
        %gather3A_185 = vector.shape_cast %broadcast_in_dim3A_184 : vector<16x1xi32> to vector<16xi32>
        %gather3A_186 = tpu.dynamic_gather %get3A_172[%gather3A_185] in [0] : vector<16xf32>, vector<16xi32> -> vector<16xf32>
        %add3A_187 = arith.addf %gather3A_177, %gather3A_186 : vector<16xf32>
        %mul3A_188 = arith.constant 2.000000e-01 : f32
        %mul3A_189 = vector.broadcast %mul3A_188 : f32 to vector<16xf32>
        %mul3A_190 = arith.mulf %mul3A_189, %add3A_187 : vector<16xf32>
        %max3A = arith.maximumf %add3A_187, %mul3A_190 : vector<16xf32>
        %exp3A = math.exp %max3A : vector<16xf32>
        %get3A_191 = arith.index_cast %scan3A_167 : i32 to index
        %get3A_192 = arith.constant 0 : index
        %get3A_193 = tpu.vector_load %arg10[%get3A_191, %get3A_192] {strides = array<i32>} : memref<64x128xf32, #tpu.memory_space<vmem>>, vector<16xf32>,
        %mul3A_194 = arith.mulf %get3A_193, %exp3A : vector<16xf32>
        %swap3A = arith.index_cast %scan3A_167 : i32 to index
        %swap3A_195 = arith.constant 0 : index
        %swap3A_196 = tpu.vector_load %arg14[%swap3A, %swap3A_195] {strides = array<i32>} : memref<64x32xf32, #tpu.memory_space<vmem>>, vector<16xf32>,
        tpu.vector_store %arg14[%swap3A, %swap3A_195], %mul3A_194 {strides = array<i32>} : memref<64x32xf32, #tpu.memory_space<vmem>>, vector<16xf32>,
        %lt3A_197 = arith.constant 1 : i32
        %lt3A_198 = vector.broadcast %lt3A_197 : i32 to vector<16xi32>
        %lt3A_199 = arith.cmpi slt, %iota3A, %lt3A_198 : vector<16xi32>
        %jit3A = arith.constant 0.000000e+00 : f32
        %broadcast_in_dim3A_200 = vector.broadcast %jit3A : f32 to vector<16xf32>
        %select_n3A = arith.select %lt3A_199, %exp3A, %broadcast_in_dim3A_200 : vector<16xi1>, vector<16xf32>
        %swap3A_201 = arith.index_cast %scan3A_167 : i32 to index
        %swap3A_202 = arith.constant 16 : index
        %swap3A_203 = tpu.vector_load %arg14[%swap3A_201, %swap3A_202] {strides = array<i32>} : memref<64x32xf32, #tpu.memory_space<vmem>>, vector<16xf32>,
        tpu.vector_store %arg14[%swap3A_201, %swap3A_202], %select_n3A {strides = array<i32>} : memref<64x32xf32, #tpu.memory_space<vmem>>, vector<16xf32>,
      }
      %scan3A_116 = arith.constant 64 : i32
      %dma_wait3A_117 = arith.constant 0 : i32
      %dma_wait3A_118 = arith.constant 0 : i32
      %dma_wait3A_119 = tpu.memref_slice %arg2[%add3A, %dma_wait3A_117, %dma_wait3A_118] : memref<32x162x64xi32, #tpu.memory_space<hbm>> -> memref<1x1x64xi32, #tpu.memory_space<hbm>>
      %dma_wait3A_120 = tpu.memref_squeeze %dma_wait3A_119 : memref<1x1x64xi32, #tpu.memory_space<hbm>> -> memref<64xi32, #tpu.memory_space<hbm>>
      %dma_wait3A_121 = arith.constant 0 : i32
      %dma_wait3A_122 = tpu.memref_slice %arg2[%add3A, %dma_wait3A_117, %dma_wait3A_121] : memref<32x162x64xi32, #tpu.memory_space<hbm>> -> memref<1x1x64xi32, #tpu.memory_space<hbm>>
      %dma_wait3A_123 = tpu.memref_squeeze %dma_wait3A_122 : memref<1x1x64xi32, #tpu.memory_space<hbm>> -> memref<64xi32, #tpu.memory_space<hbm>>
      tpu.wait_dma2 semaphore(%arg16 : memref<!tpu.dma_semaphore, #tpu.memory_space<semaphore_mem>>) src(%dma_wait3A_123 : memref<64xi32, #tpu.memory_space<hbm>>) dst(%arg7 : memref<64xi32, #tpu.memory_space<vmem>>)
      %dma_wait3A_124 = arith.constant 0 : i32
      %dma_wait3A_125 = arith.constant 0 : i32
      %dma_wait3A_126 = tpu.memref_slice %arg3[%add3A, %dma_wait3A_124, %dma_wait3A_125] : memref<32x162x64xi32, #tpu.memory_space<hbm>> -> memref<1x1x64xi32, #tpu.memory_space<hbm>>
      %dma_wait3A_127 = tpu.memref_squeeze %dma_wait3A_126 : memref<1x1x64xi32, #tpu.memory_space<hbm>> -> memref<64xi32, #tpu.memory_space<hbm>>
      %dma_wait3A_128 = arith.constant 0 : i32
      %dma_wait3A_129 = tpu.memref_slice %arg3[%add3A, %dma_wait3A_124, %dma_wait3A_128] : memref<32x162x64xi32, #tpu.memory_space<hbm>> -> memref<1x1x64xi32, #tpu.memory_space<hbm>>
      %dma_wait3A_130 = tpu.memref_squeeze %dma_wait3A_129 : memref<1x1x64xi32, #tpu.memory_space<hbm>> -> memref<64xi32, #tpu.memory_space<hbm>>
      tpu.wait_dma2 semaphore(%arg16 : memref<!tpu.dma_semaphore, #tpu.memory_space<semaphore_mem>>) src(%dma_wait3A_130 : memref<64xi32, #tpu.memory_space<hbm>>) dst(%arg9 : memref<64xi32, #tpu.memory_space<vmem>>)
      %dma_start3A_131 = arith.constant 0 : i32
      %dma_start3A_132 = arith.constant 0 : i32
      %dma_start3A_133 = tpu.memref_slice %arg4[%dma_start3A_131, %dma_start3A_132] : memref<10240x128xf32, #tpu.memory_space<hbm>> -> memref<10240x128xf32, #tpu.memory_space<hbm>>
      tpu.enqueue_indirect_dma source(%dma_start3A_133 : memref<10240x128xf32, #tpu.memory_space<hbm>>) target(%arg11 : memref<64x128xf32, #tpu.memory_space<vmem>>) offsets(%arg7 : memref<64xi32, #tpu.memory_space<vmem>>) semaphore(%arg17 : memref<!tpu.dma_semaphore, #tpu.memory_space<semaphore_mem>>)
      %dma_start3A_134 = arith.constant 0 : i32
      %dma_start3A_135 = arith.constant 0 : i32
      %dma_start3A_136 = tpu.memref_slice %arg4[%dma_start3A_134, %dma_start3A_135] : memref<10240x128xf32, #tpu.memory_space<hbm>> -> memref<10240x128xf32, #tpu.memory_space<hbm>>
      tpu.enqueue_indirect_dma source(%dma_start3A_136 : memref<10240x128xf32, #tpu.memory_space<hbm>>) target(%arg13 : memref<64x128xf32, #tpu.memory_space<vmem>>) offsets(%arg9 : memref<64xi32, #tpu.memory_space<vmem>>) semaphore(%arg17 : memref<!tpu.dma_semaphore, #tpu.memory_space<semaphore_mem>>)
      "tpu.region"() ({
        %run_scoped3A = tpu.sem_alloc : memref<!tpu.dma_semaphore, #tpu.memory_space<semaphore_mem>>
        %dma_start3A_167 = arith.constant 0 : i32
        %dma_start3A_168 = arith.constant 0 : i32
        %dma_start3A_169 = tpu.memref_slice %arg15[%dma_start3A_167, %dma_start3A_168] : memref<10240x32xf32, #tpu.memory_space<vmem_shared>> -> memref<10240x32xf32, #tpu.memory_space<vmem_shared>>
        tpu.enqueue_indirect_dma source(%arg14 : memref<64x32xf32, #tpu.memory_space<vmem>>) target(%dma_start3A_169 : memref<10240x32xf32, #tpu.memory_space<vmem_shared>>) offsets(%arg8 : memref<64xi32, #tpu.memory_space<vmem>>) semaphore(%run_scoped3A : memref<!tpu.dma_semaphore, #tpu.memory_space<semaphore_mem>>) {add = true}
        %dma_wait3A_170 = arith.constant 0 : i32
        %dma_wait3A_171 = arith.constant 0 : i32
        %dma_wait3A_172 = tpu.memref_slice %arg15[%dma_wait3A_170, %dma_wait3A_171] : memref<10240x32xf32, #tpu.memory_space<vmem_shared>> -> memref<10240x32xf32, #tpu.memory_space<vmem_shared>>
        tpu.wait_indirect_dma semaphore(%run_scoped3A : memref<!tpu.dma_semaphore, #tpu.memory_space<semaphore_mem>>) src(%arg14 : memref<64x32xf32, #tpu.memory_space<vmem>>) dst(%dma_wait3A_172 : memref<10240x32xf32, #tpu.memory_space<vmem_shared>>)
        tpu.yield
      }) : () -> ()
      %add3A_137 = arith.constant 2 : i32
      %add3A_138 = arith.addi %mul3A_104, %add3A_137 : i32
      %lt3A = arith.constant 162 : i32
      %lt3A_139 = arith.cmpi slt, %add3A_138, %lt3A : i32
      %convert_element_type3A = arith.extui %lt3A_139 : i1 to i32
      %cond3A = arith.constant 0 : i32
      %cond3A_140 = arith.cmpi ne, %convert_element_type3A, %cond3A : i32
      scf.if %cond3A_140 {
        %add3A_167 = arith.constant 2 : i32
        %add3A_168 = arith.addi %mul3A_104, %add3A_167 : i32
        %dma_start3A_169 = arith.constant 0 : i32
        %dma_start3A_170 = tpu.memref_slice %arg2[%add3A, %add3A_168, %dma_start3A_169] : memref<32x162x64xi32, #tpu.memory_space<hbm>> -> memref<1x1x64xi32, #tpu.memory_space<hbm>>
        %dma_start3A_171 = tpu.memref_squeeze %dma_start3A_170 : memref<1x1x64xi32, #tpu.memory_space<hbm>> -> memref<64xi32, #tpu.memory_space<hbm>>
        %dma_start3A_172 = arith.constant 0 : i32
        %dma_start3A_173 = tpu.memref_slice %arg2[%add3A, %add3A_168, %dma_start3A_172] : memref<32x162x64xi32, #tpu.memory_space<hbm>> -> memref<1x1x64xi32, #tpu.memory_space<hbm>>
        %dma_start3A_174 = tpu.memref_squeeze %dma_start3A_173 : memref<1x1x64xi32, #tpu.memory_space<hbm>> -> memref<64xi32, #tpu.memory_space<hbm>>
        tpu.enqueue_dma source(%dma_start3A_174 : memref<64xi32, #tpu.memory_space<hbm>>) target(%arg6 : memref<64xi32, #tpu.memory_space<vmem>>) target_semaphore(%arg16 : memref<!tpu.dma_semaphore, #tpu.memory_space<semaphore_mem>>)
        %dma_start3A_175 = arith.constant 0 : i32
        %dma_start3A_176 = tpu.memref_slice %arg3[%add3A, %add3A_168, %dma_start3A_175] : memref<32x162x64xi32, #tpu.memory_space<hbm>> -> memref<1x1x64xi32, #tpu.memory_space<hbm>>
        %dma_start3A_177 = tpu.memref_squeeze %dma_start3A_176 : memref<1x1x64xi32, #tpu.memory_space<hbm>> -> memref<64xi32, #tpu.memory_space<hbm>>
        %dma_start3A_178 = arith.constant 0 : i32
        %dma_start3A_179 = tpu.memref_slice %arg3[%add3A, %add3A_168, %dma_start3A_178] : memref<32x162x64xi32, #tpu.memory_space<hbm>> -> memref<1x1x64xi32, #tpu.memory_space<hbm>>
        %dma_start3A_180 = tpu.memref_squeeze %dma_start3A_179 : memref<1x1x64xi32, #tpu.memory_space<hbm>> -> memref<64xi32, #tpu.memory_space<hbm>>
        tpu.enqueue_dma source(%dma_start3A_180 : memref<64xi32, #tpu.memory_space<hbm>>) target(%arg8 : memref<64xi32, #tpu.memory_space<vmem>>) target_semaphore(%arg16 : memref<!tpu.dma_semaphore, #tpu.memory_space<semaphore_mem>>)
      } else {
      }
      %dma_wait3A_141 = arith.constant 0 : i32
      %dma_wait3A_142 = arith.constant 0 : i32
      %dma_wait3A_143 = tpu.memref_slice %arg4[%dma_wait3A_141, %dma_wait3A_142] : memref<10240x128xf32, #tpu.memory_space<hbm>> -> memref<10240x128xf32, #tpu.memory_space<hbm>>
      tpu.wait_indirect_dma semaphore(%arg17 : memref<!tpu.dma_semaphore, #tpu.memory_space<semaphore_mem>>) src(%dma_wait3A_143 : memref<10240x128xf32, #tpu.memory_space<hbm>>) dst(%arg11 : memref<64x128xf32, #tpu.memory_space<vmem>>)
      %dma_wait3A_144 = arith.constant 0 : i32
      %dma_wait3A_145 = arith.constant 0 : i32
      %dma_wait3A_146 = tpu.memref_slice %arg4[%dma_wait3A_144, %dma_wait3A_145] : memref<10240x128xf32, #tpu.memory_space<hbm>> -> memref<10240x128xf32, #tpu.memory_space<hbm>>
      tpu.wait_indirect_dma semaphore(%arg17 : memref<!tpu.dma_semaphore, #tpu.memory_space<semaphore_mem>>) src(%dma_wait3A_146 : memref<10240x128xf32, #tpu.memory_space<hbm>>) dst(%arg13 : memref<64x128xf32, #tpu.memory_space<vmem>>)
      %scan3A_147 = arith.constant 0 : i32
      %scan3A_148 = arith.constant 0 : i32
      %scan3A_149 = arith.constant 64 : i32
      %scan3A_150 = arith.addi %scan3A_148, %scan3A_149 : i32
      %scan3A_151 = arith.constant 1 : i32
      scf.for %scan3A_167 = %scan3A_148 to %scan3A_150 step %scan3A_151  : i32 {
        %get3A = arith.index_cast %scan3A_167 : i32 to index
        %get3A_168 = arith.constant 16 : index
        %get3A_169 = tpu.vector_load %arg11[%get3A, %get3A_168] {strides = array<i32>} : memref<64x128xf32, #tpu.memory_space<vmem>>, vector<16xf32>,
        %get3A_170 = arith.index_cast %scan3A_167 : i32 to index
        %get3A_171 = arith.constant 16 : index
        %get3A_172 = tpu.vector_load %arg13[%get3A_170, %get3A_171] {strides = array<i32>} : memref<64x128xf32, #tpu.memory_space<vmem>>, vector<16xf32>,
        %mul3A_173 = arith.constant 0 : i32
        %mul3A_174 = vector.broadcast %mul3A_173 : i32 to vector<16xi32>
        %mul3A_175 = arith.muli %iota3A, %mul3A_174 : vector<16xi32>
        %broadcast_in_dim3A_176 = vector.shape_cast %mul3A_175 : vector<16xi32> to vector<16x1xi32>
        %gather3A = vector.shape_cast %broadcast_in_dim3A_176 : vector<16x1xi32> to vector<16xi32>
        %gather3A_177 = tpu.dynamic_gather %get3A_169[%gather3A] in [0] : vector<16xf32>, vector<16xi32> -> vector<16xf32>
        %mul3A_178 = arith.constant 0 : i32
        %mul3A_179 = vector.broadcast %mul3A_178 : i32 to vector<16xi32>
        %mul3A_180 = arith.muli %iota3A, %mul3A_179 : vector<16xi32>
        %add3A_181 = arith.constant 1 : i32
        %add3A_182 = vector.broadcast %add3A_181 : i32 to vector<16xi32>
        %add3A_183 = arith.addi %mul3A_180, %add3A_182 : vector<16xi32>
        %broadcast_in_dim3A_184 = vector.shape_cast %add3A_183 : vector<16xi32> to vector<16x1xi32>
        %gather3A_185 = vector.shape_cast %broadcast_in_dim3A_184 : vector<16x1xi32> to vector<16xi32>
        %gather3A_186 = tpu.dynamic_gather %get3A_172[%gather3A_185] in [0] : vector<16xf32>, vector<16xi32> -> vector<16xf32>
        %add3A_187 = arith.addf %gather3A_177, %gather3A_186 : vector<16xf32>
        %mul3A_188 = arith.constant 2.000000e-01 : f32
        %mul3A_189 = vector.broadcast %mul3A_188 : f32 to vector<16xf32>
        %mul3A_190 = arith.mulf %mul3A_189, %add3A_187 : vector<16xf32>
        %max3A = arith.maximumf %add3A_187, %mul3A_190 : vector<16xf32>
        %exp3A = math.exp %max3A : vector<16xf32>
        %get3A_191 = arith.index_cast %scan3A_167 : i32 to index
        %get3A_192 = arith.constant 0 : index
        %get3A_193 = tpu.vector_load %arg11[%get3A_191, %get3A_192] {strides = array<i32>} : memref<64x128xf32, #tpu.memory_space<vmem>>, vector<16xf32>,
        %mul3A_194 = arith.mulf %get3A_193, %exp3A : vector<16xf32>
        %swap3A = arith.index_cast %scan3A_167 : i32 to index
        %swap3A_195 = arith.constant 0 : index
        %swap3A_196 = tpu.vector_load %arg14[%swap3A, %swap3A_195] {strides = array<i32>} : memref<64x32xf32, #tpu.memory_space<vmem>>, vector<16xf32>,
        tpu.vector_store %arg14[%swap3A, %swap3A_195], %mul3A_194 {strides = array<i32>} : memref<64x32xf32, #tpu.memory_space<vmem>>, vector<16xf32>,
        %lt3A_197 = arith.constant 1 : i32
        %lt3A_198 = vector.broadcast %lt3A_197 : i32 to vector<16xi32>
        %lt3A_199 = arith.cmpi slt, %iota3A, %lt3A_198 : vector<16xi32>
        %jit3A = arith.constant 0.000000e+00 : f32
        %broadcast_in_dim3A_200 = vector.broadcast %jit3A : f32 to vector<16xf32>
        %select_n3A = arith.select %lt3A_199, %exp3A, %broadcast_in_dim3A_200 : vector<16xi1>, vector<16xf32>
        %swap3A_201 = arith.index_cast %scan3A_167 : i32 to index
        %swap3A_202 = arith.constant 16 : index
        %swap3A_203 = tpu.vector_load %arg14[%swap3A_201, %swap3A_202] {strides = array<i32>} : memref<64x32xf32, #tpu.memory_space<vmem>>, vector<16xf32>,
        tpu.vector_store %arg14[%swap3A_201, %swap3A_202], %select_n3A {strides = array<i32>} : memref<64x32xf32, #tpu.memory_space<vmem>>, vector<16xf32>,
      }
      %scan3A_152 = arith.constant 64 : i32
      %add3A_153 = arith.constant 2 : i32
      %add3A_154 = arith.addi %mul3A_104, %add3A_153 : i32
      %lt3A_155 = arith.constant 162 : i32
      %lt3A_156 = arith.cmpi slt, %add3A_154, %lt3A_155 : i32
      %convert_element_type3A_157 = arith.extui %lt3A_156 : i1 to i32
      %cond3A_158 = arith.constant 0 : i32
      %cond3A_159 = arith.cmpi ne, %convert_element_type3A_157, %cond3A_158 : i32
      scf.if %cond3A_159 {
        %dma_wait3A_167 = arith.constant 0 : i32
        %dma_wait3A_168 = arith.constant 0 : i32
        %dma_wait3A_169 = tpu.memref_slice %arg2[%add3A, %dma_wait3A_167, %dma_wait3A_168] : memref<32x162x64xi32, #tpu.memory_space<hbm>> -> memref<1x1x64xi32, #tpu.memory_space<hbm>>
        %dma_wait3A_170 = tpu.memref_squeeze %dma_wait3A_169 : memref<1x1x64xi32, #tpu.memory_space<hbm>> -> memref<64xi32, #tpu.memory_space<hbm>>
        %dma_wait3A_171 = arith.constant 0 : i32
        %dma_wait3A_172 = tpu.memref_slice %arg2[%add3A, %dma_wait3A_167, %dma_wait3A_171] : memref<32x162x64xi32, #tpu.memory_space<hbm>> -> memref<1x1x64xi32, #tpu.memory_space<hbm>>
        %dma_wait3A_173 = tpu.memref_squeeze %dma_wait3A_172 : memref<1x1x64xi32, #tpu.memory_space<hbm>> -> memref<64xi32, #tpu.memory_space<hbm>>
        tpu.wait_dma2 semaphore(%arg16 : memref<!tpu.dma_semaphore, #tpu.memory_space<semaphore_mem>>) src(%dma_wait3A_173 : memref<64xi32, #tpu.memory_space<hbm>>) dst(%arg6 : memref<64xi32, #tpu.memory_space<vmem>>)
        %dma_wait3A_174 = arith.constant 0 : i32
        %dma_wait3A_175 = arith.constant 0 : i32
        %dma_wait3A_176 = tpu.memref_slice %arg3[%add3A, %dma_wait3A_174, %dma_wait3A_175] : memref<32x162x64xi32, #tpu.memory_space<hbm>> -> memref<1x1x64xi32, #tpu.memory_space<hbm>>
        %dma_wait3A_177 = tpu.memref_squeeze %dma_wait3A_176 : memref<1x1x64xi32, #tpu.memory_space<hbm>> -> memref<64xi32, #tpu.memory_space<hbm>>
        %dma_wait3A_178 = arith.constant 0 : i32
        %dma_wait3A_179 = tpu.memref_slice %arg3[%add3A, %dma_wait3A_174, %dma_wait3A_178] : memref<32x162x64xi32, #tpu.memory_space<hbm>> -> memref<1x1x64xi32, #tpu.memory_space<hbm>>
        %dma_wait3A_180 = tpu.memref_squeeze %dma_wait3A_179 : memref<1x1x64xi32, #tpu.memory_space<hbm>> -> memref<64xi32, #tpu.memory_space<hbm>>
        tpu.wait_dma2 semaphore(%arg16 : memref<!tpu.dma_semaphore, #tpu.memory_space<semaphore_mem>>) src(%dma_wait3A_180 : memref<64xi32, #tpu.memory_space<hbm>>) dst(%arg8 : memref<64xi32, #tpu.memory_space<vmem>>)
        %dma_start3A_181 = arith.constant 0 : i32
        %dma_start3A_182 = arith.constant 0 : i32
        %dma_start3A_183 = tpu.memref_slice %arg4[%dma_start3A_181, %dma_start3A_182] : memref<10240x128xf32, #tpu.memory_space<hbm>> -> memref<10240x128xf32, #tpu.memory_space<hbm>>
        tpu.enqueue_indirect_dma source(%dma_start3A_183 : memref<10240x128xf32, #tpu.memory_space<hbm>>) target(%arg10 : memref<64x128xf32, #tpu.memory_space<vmem>>) offsets(%arg6 : memref<64xi32, #tpu.memory_space<vmem>>) semaphore(%arg17 : memref<!tpu.dma_semaphore, #tpu.memory_space<semaphore_mem>>)
        %dma_start3A_184 = arith.constant 0 : i32
        %dma_start3A_185 = arith.constant 0 : i32
        %dma_start3A_186 = tpu.memref_slice %arg4[%dma_start3A_184, %dma_start3A_185] : memref<10240x128xf32, #tpu.memory_space<hbm>> -> memref<10240x128xf32, #tpu.memory_space<hbm>>
        tpu.enqueue_indirect_dma source(%dma_start3A_186 : memref<10240x128xf32, #tpu.memory_space<hbm>>) target(%arg12 : memref<64x128xf32, #tpu.memory_space<vmem>>) offsets(%arg8 : memref<64xi32, #tpu.memory_space<vmem>>) semaphore(%arg17 : memref<!tpu.dma_semaphore, #tpu.memory_space<semaphore_mem>>)
      } else {
      }
      "tpu.region"() ({
        %run_scoped3A = tpu.sem_alloc : memref<!tpu.dma_semaphore, #tpu.memory_space<semaphore_mem>>
        %dma_start3A_167 = arith.constant 0 : i32
        %dma_start3A_168 = arith.constant 0 : i32
        %dma_start3A_169 = tpu.memref_slice %arg15[%dma_start3A_167, %dma_start3A_168] : memref<10240x32xf32, #tpu.memory_space<vmem_shared>> -> memref<10240x32xf32, #tpu.memory_space<vmem_shared>>
        tpu.enqueue_indirect_dma source(%arg14 : memref<64x32xf32, #tpu.memory_space<vmem>>) target(%dma_start3A_169 : memref<10240x32xf32, #tpu.memory_space<vmem_shared>>) offsets(%arg9 : memref<64xi32, #tpu.memory_space<vmem>>) semaphore(%run_scoped3A : memref<!tpu.dma_semaphore, #tpu.memory_space<semaphore_mem>>) {add = true}
        %dma_wait3A_170 = arith.constant 0 : i32
        %dma_wait3A_171 = arith.constant 0 : i32
        %dma_wait3A_172 = tpu.memref_slice %arg15[%dma_wait3A_170, %dma_wait3A_171] : memref<10240x32xf32, #tpu.memory_space<vmem_shared>> -> memref<10240x32xf32, #tpu.memory_space<vmem_shared>>
        tpu.wait_indirect_dma semaphore(%run_scoped3A : memref<!tpu.dma_semaphore, #tpu.memory_space<semaphore_mem>>) src(%arg14 : memref<64x32xf32, #tpu.memory_space<vmem>>) dst(%dma_wait3A_172 : memref<10240x32xf32, #tpu.memory_space<vmem_shared>>)
        tpu.yield
      }) : () -> ()
      %add3A_160 = arith.constant 3 : i32
      %add3A_161 = arith.addi %mul3A_104, %add3A_160 : i32
      %lt3A_162 = arith.constant 162 : i32
      %lt3A_163 = arith.cmpi slt, %add3A_161, %lt3A_162 : i32
      %convert_element_type3A_164 = arith.extui %lt3A_163 : i1 to i32
      %cond3A_165 = arith.constant 0 : i32
      %cond3A_166 = arith.cmpi ne, %convert_element_type3A_164, %cond3A_165 : i32
      scf.if %cond3A_166 {
        %add3A_167 = arith.constant 3 : i32
        %add3A_168 = arith.addi %mul3A_104, %add3A_167 : i32
        %dma_start3A_169 = arith.constant 0 : i32
        %dma_start3A_170 = tpu.memref_slice %arg2[%add3A, %add3A_168, %dma_start3A_169] : memref<32x162x64xi32, #tpu.memory_space<hbm>> -> memref<1x1x64xi32, #tpu.memory_space<hbm>>
        %dma_start3A_171 = tpu.memref_squeeze %dma_start3A_170 : memref<1x1x64xi32, #tpu.memory_space<hbm>> -> memref<64xi32, #tpu.memory_space<hbm>>
        %dma_start3A_172 = arith.constant 0 : i32
        %dma_start3A_173 = tpu.memref_slice %arg2[%add3A, %add3A_168, %dma_start3A_172] : memref<32x162x64xi32, #tpu.memory_space<hbm>> -> memref<1x1x64xi32, #tpu.memory_space<hbm>>
        %dma_start3A_174 = tpu.memref_squeeze %dma_start3A_173 : memref<1x1x64xi32, #tpu.memory_space<hbm>> -> memref<64xi32, #tpu.memory_space<hbm>>
        tpu.enqueue_dma source(%dma_start3A_174 : memref<64xi32, #tpu.memory_space<hbm>>) target(%arg7 : memref<64xi32, #tpu.memory_space<vmem>>) target_semaphore(%arg16 : memref<!tpu.dma_semaphore, #tpu.memory_space<semaphore_mem>>)
        %dma_start3A_175 = arith.constant 0 : i32
        %dma_start3A_176 = tpu.memref_slice %arg3[%add3A, %add3A_168, %dma_start3A_175] : memref<32x162x64xi32, #tpu.memory_space<hbm>> -> memref<1x1x64xi32, #tpu.memory_space<hbm>>
        %dma_start3A_177 = tpu.memref_squeeze %dma_start3A_176 : memref<1x1x64xi32, #tpu.memory_space<hbm>> -> memref<64xi32, #tpu.memory_space<hbm>>
        %dma_start3A_178 = arith.constant 0 : i32
        %dma_start3A_179 = tpu.memref_slice %arg3[%add3A, %add3A_168, %dma_start3A_178] : memref<32x162x64xi32, #tpu.memory_space<hbm>> -> memref<1x1x64xi32, #tpu.memory_space<hbm>>
        %dma_start3A_180 = tpu.memref_squeeze %dma_start3A_179 : memref<1x1x64xi32, #tpu.memory_space<hbm>> -> memref<64xi32, #tpu.memory_space<hbm>>
        tpu.enqueue_dma source(%dma_start3A_180 : memref<64xi32, #tpu.memory_space<hbm>>) target(%arg9 : memref<64xi32, #tpu.memory_space<vmem>>) target_semaphore(%arg16 : memref<!tpu.dma_semaphore, #tpu.memory_space<semaphore_mem>>)
      } else {
      }
    }
    %scan3A_98 = arith.constant 81 : i32
    %barrier3A_99 = arith.constant 0 : index
    tpu.barrier barrier_id(%barrier3A_99)
    %mul3A_100 = arith.constant 640 : i32
    %mul3A_101 = arith.muli %arg1, %mul3A_100 : i32
    "tpu.region"() ({
      %run_scoped3A = tpu.sem_alloc : memref<!tpu.dma_semaphore, #tpu.memory_space<semaphore_mem>>
      %dma_start3A_102 = arith.constant 0 : i32
      %dma_start3A_103 = tpu.memref_slice %arg5[%arg0, %mul3A_101, %dma_start3A_102] : memref<2x10240x32xf32, #tpu.memory_space<hbm>> -> memref<1x640x32xf32, #tpu.memory_space<hbm>>
      %dma_start3A_104 = tpu.memref_squeeze %dma_start3A_103 : memref<1x640x32xf32, #tpu.memory_space<hbm>> -> memref<640x32xf32, #tpu.memory_space<hbm>>
      %dma_start3A_105 = arith.constant 0 : i32
      %dma_start3A_106 = tpu.memref_slice %arg15[%mul3A_101, %dma_start3A_105] : memref<10240x32xf32, #tpu.memory_space<vmem_shared>> -> memref<640x32xf32, #tpu.memory_space<vmem_shared>>
      tpu.enqueue_dma source(%dma_start3A_106 : memref<640x32xf32, #tpu.memory_space<vmem_shared>>) target(%dma_start3A_104 : memref<640x32xf32, #tpu.memory_space<hbm>>) target_semaphore(%run_scoped3A : memref<!tpu.dma_semaphore, #tpu.memory_space<semaphore_mem>>)
      %dma_wait3A_107 = arith.constant 0 : i32
      %dma_wait3A_108 = tpu.memref_slice %arg5[%arg0, %mul3A_101, %dma_wait3A_107] : memref<2x10240x32xf32, #tpu.memory_space<hbm>> -> memref<1x640x32xf32, #tpu.memory_space<hbm>>
      %dma_wait3A_109 = tpu.memref_squeeze %dma_wait3A_108 : memref<1x640x32xf32, #tpu.memory_space<hbm>> -> memref<640x32xf32, #tpu.memory_space<hbm>>
      %dma_wait3A_110 = arith.constant 0 : i32
      %dma_wait3A_111 = tpu.memref_slice %arg15[%mul3A_101, %dma_wait3A_110] : memref<10240x32xf32, #tpu.memory_space<vmem_shared>> -> memref<640x32xf32, #tpu.memory_space<vmem_shared>>
      tpu.wait_dma2 semaphore(%run_scoped3A : memref<!tpu.dma_semaphore, #tpu.memory_space<semaphore_mem>>) src(%dma_wait3A_111 : memref<640x32xf32, #tpu.memory_space<vmem_shared>>) dst(%dma_wait3A_109 : memref<640x32xf32, #tpu.memory_space<hbm>>)
      tpu.yield
    }) : () -> ()
    return
  }
}

module attributes {stable_mosaic.version = 14 : i64} {
  func.func @_tc1_body(%arg0: i32, %arg1: memref<512x128xf32, #tpu.memory_space<vmem>>, %arg2: memref<128x64xf32, #tpu.memory_space<vmem>>, %arg3: memref<64x16xf32, #tpu.memory_space<vmem>>, %arg4: memref<512x128xf32, #tpu.memory_space<vmem>>) attributes {dimension_semantics = [#tpu.dimension_semantics<arbitrary>], iteration_bounds = array<i64: 20>, scalar_prefetch = 0 : i64, scratch_operands = 0 : i64, tpu.core_type = #tpu.core_type<tc>, window_params = [{transform_indices = @transform_0, window_bounds = array<i64: 512, 128>}, {pipeline_mode = #tpu.pipeline_mode<synchronous>, transform_indices = @transform_1, window_bounds = array<i64: 128, 64>}, {pipeline_mode = #tpu.pipeline_mode<synchronous>, transform_indices = @transform_2, window_bounds = array<i64: 64, 16>}, {transform_indices = @transform_3, window_bounds = array<i64: 512, 128>}]} {
    %get3A = arith.constant 0 : index
    %get3A_0 = arith.constant 0 : index
    %get3A_1 = vector.load %arg1[%get3A, %get3A_0] : memref<512x128xf32, #tpu.memory_space<vmem>>, vector<512x128xf32>
    %get3A_2 = arith.constant 0 : index
    %get3A_3 = arith.constant 0 : index
    %get3A_4 = vector.load %arg2[%get3A_2, %get3A_3] : memref<128x64xf32, #tpu.memory_space<vmem>>, vector<128x64xf32>
    %dot_general3A = arith.constant dense<0.000000e+00> : vector<512x64xf32>
    %dot_general3A_5 = tpu.matmul %get3A_1, %get3A_4, %dot_general3A {dimension_numbers = #tpu.dot_dimension_numbers<[1], [0], [0], [1], [0, 0, 1, 1], [], []>, transpose_lhs_hint = false} : vector<512x128xf32>, vector<128x64xf32>, vector<512x64xf32> -> vector<512x64xf32>
    %get3A_6 = arith.constant 0 : index
    %get3A_7 = arith.constant 0 : index
    %get3A_8 = vector.load %arg3[%get3A_6, %get3A_7] : memref<64x16xf32, #tpu.memory_space<vmem>>, vector<64x16xf32>
    %dot_general3A_9 = arith.constant dense<0.000000e+00> : vector<512x16xf32>
    %dot_general3A_10 = tpu.matmul %dot_general3A_5, %get3A_8, %dot_general3A_9 {dimension_numbers = #tpu.dot_dimension_numbers<[1], [0], [0], [1], [0, 0, 1, 1], [], []>, transpose_lhs_hint = false} : vector<512x64xf32>, vector<64x16xf32>, vector<512x16xf32> -> vector<512x16xf32>
    %broadcast_in_dim3A = arith.constant 0.000000e+00 : f32
    %broadcast_in_dim3A_11 = vector.broadcast %broadcast_in_dim3A : f32 to vector<512x48xf32>
    %concatenate3A = tpu.concatenate %dot_general3A_5, %dot_general3A_10, %broadcast_in_dim3A_11 in 1 : vector<512x64xf32>, vector<512x16xf32>, vector<512x48xf32> -> vector<512x128xf32>
    %swap3A = arith.constant 0 : index
    %swap3A_12 = arith.constant 0 : index
    %swap3A_13 = vector.load %arg4[%swap3A, %swap3A_12] : memref<512x128xf32, #tpu.memory_space<vmem>>, vector<512x128xf32>
    tpu.vector_store %arg4[%swap3A, %swap3A_12], %concatenate3A {strides = array<i32>} : memref<512x128xf32, #tpu.memory_space<vmem>>, vector<512x128xf32>,
    return
  }
  func.func @transform_0(%arg0: i32) -> (i32, i32) {
    %c0_i32 = arith.constant 0 : i32
    %c0_i32_0 = arith.constant 0 : i32
    return %arg0, %c0_i32 : i32, i32
  }
  func.func @transform_1(%arg0: i32) -> (i32, i32) {
    %c0_i32 = arith.constant 0 : i32
    %c0_i32_0 = arith.constant 0 : i32
    %c0_i32_1 = arith.constant 0 : i32
    return %c0_i32, %c0_i32_0 : i32, i32
  }
  func.func @transform_2(%arg0: i32) -> (i32, i32) {
    %c0_i32 = arith.constant 0 : i32
    %c0_i32_0 = arith.constant 0 : i32
    %c0_i32_1 = arith.constant 0 : i32
    return %c0_i32, %c0_i32_0 : i32, i32
  }
  func.func @transform_3(%arg0: i32) -> (i32, i32) {
    %c0_i32 = arith.constant 0 : i32
    %c0_i32_0 = arith.constant 0 : i32
    return %arg0, %c0_i32 : i32, i32
  }
}

module attributes {stable_mosaic.version = 14 : i64} {
  func.func @_tc2_body(%arg0: i32, %arg1: memref<512x80xf32, #tpu.memory_space<vmem>>, %arg2: memref<512x80xf32, #tpu.memory_space<vmem>>, %arg3: memref<8x64xf32, #tpu.memory_space<vmem>>, %arg4: memref<1x64xf32, #tpu.memory_space<vmem>>, %arg5: memref<64x16xf32, #tpu.memory_space<vmem>>, %arg6: memref<16x2xf32, #tpu.memory_space<vmem>>, %arg7: memref<512x128xf32, #tpu.memory_space<vmem>>) attributes {dimension_semantics = [#tpu.dimension_semantics<arbitrary>], iteration_bounds = array<i64: 20>, scalar_prefetch = 0 : i64, scratch_operands = 0 : i64, tpu.core_type = #tpu.core_type<tc>, window_params = [{transform_indices = @transform_0, window_bounds = array<i64: 512, 80>}, {transform_indices = @transform_1, window_bounds = array<i64: 512, 80>}, {pipeline_mode = #tpu.pipeline_mode<synchronous>, transform_indices = @transform_2, window_bounds = array<i64: 8, 64>}, {pipeline_mode = #tpu.pipeline_mode<synchronous>, transform_indices = @transform_3, window_bounds = array<i64: 1, 64>}, {pipeline_mode = #tpu.pipeline_mode<synchronous>, transform_indices = @transform_4, window_bounds = array<i64: 64, 16>}, {pipeline_mode = #tpu.pipeline_mode<synchronous>, transform_indices = @transform_5, window_bounds = array<i64: 16, 2>}, {transform_indices = @transform_6, window_bounds = array<i64: 512, 128>}]} {
    %get3A = arith.constant 0 : index
    %get3A_0 = arith.constant 0 : index
    %get3A_1 = vector.load %arg1[%get3A, %get3A_0] : memref<512x80xf32, #tpu.memory_space<vmem>>, vector<512x80xf32>
    %get3A_2 = arith.constant 0 : index
    %get3A_3 = arith.constant 0 : index
    %get3A_4 = vector.load %arg2[%get3A_2, %get3A_3] : memref<512x80xf32, #tpu.memory_space<vmem>>, vector<512x80xf32>
    %slice3A = vector.extract_strided_slice %get3A_1 {offsets = [0, 0], sizes = [512, 64], strides = [1, 1]} : vector<512x80xf32> to vector<512x64xf32>
    %slice3A_5 = vector.extract_strided_slice %get3A_4 {offsets = [0, 0], sizes = [512, 64], strides = [1, 1]} : vector<512x80xf32> to vector<512x64xf32>
    %add3A = arith.addf %slice3A, %slice3A_5 : vector<512x64xf32>
    %slice3A_6 = vector.extract_strided_slice %get3A_1 {offsets = [0, 64], sizes = [512, 8], strides = [1, 1]} : vector<512x80xf32> to vector<512x8xf32>
    %slice3A_7 = vector.extract_strided_slice %get3A_4 {offsets = [0, 64], sizes = [512, 8], strides = [1, 1]} : vector<512x80xf32> to vector<512x8xf32>
    %add3A_8 = arith.addf %slice3A_6, %slice3A_7 : vector<512x8xf32>
    %get3A_9 = arith.constant 0 : index
    %get3A_10 = arith.constant 0 : index
    %get3A_11 = vector.load %arg3[%get3A_9, %get3A_10] : memref<8x64xf32, #tpu.memory_space<vmem>>, vector<8x64xf32>
    %dot_general3A = arith.constant dense<0.000000e+00> : vector<512x64xf32>
    %dot_general3A_12 = tpu.matmul %add3A_8, %get3A_11, %dot_general3A {dimension_numbers = #tpu.dot_dimension_numbers<[1], [0], [0], [1], [0, 0, 1, 1], [], []>, transpose_lhs_hint = false} : vector<512x8xf32>, vector<8x64xf32>, vector<512x64xf32> -> vector<512x64xf32>
    %div3A = arith.divf %add3A, %dot_general3A_12 : vector<512x64xf32>
    %get3A_13 = arith.constant 0 : index
    %get3A_14 = arith.constant 0 : index
    %get3A_15 = vector.load %arg4[%get3A_13, %get3A_14] : memref<1x64xf32, #tpu.memory_space<vmem>>, vector<1x64xf32>
    %add3A_16 = vector.broadcast %get3A_15 : vector<1x64xf32> to vector<512x64xf32>
    %add3A_17 = arith.addf %div3A, %add3A_16 : vector<512x64xf32>
    %gt3A = arith.constant 0.000000e+00 : f32
    %gt3A_18 = vector.broadcast %gt3A : f32 to vector<512x64xf32>
    %gt3A_19 = arith.cmpf ogt, %add3A_17, %gt3A_18 : vector<512x64xf32>
    %min3A = arith.constant 0.000000e+00 : f32
    %min3A_20 = vector.broadcast %min3A : f32 to vector<512x64xf32>
    %min3A_21 = arith.minimumf %add3A_17, %min3A_20 : vector<512x64xf32>
    %exp3A = math.exp %min3A_21 : vector<512x64xf32>
    %sub3A = arith.constant 1.000000e+00 : f32
    %sub3A_22 = vector.broadcast %sub3A : f32 to vector<512x64xf32>
    %sub3A_23 = arith.subf %exp3A, %sub3A_22 : vector<512x64xf32>
    %select_n3A = arith.select %gt3A_19, %add3A_17, %sub3A_23 : vector<512x64xi1>, vector<512x64xf32>
    %get3A_24 = arith.constant 0 : index
    %get3A_25 = arith.constant 0 : index
    %get3A_26 = vector.load %arg5[%get3A_24, %get3A_25] : memref<64x16xf32, #tpu.memory_space<vmem>>, vector<64x16xf32>
    %dot_general3A_27 = arith.constant dense<0.000000e+00> : vector<512x16xf32>
    %dot_general3A_28 = tpu.matmul %select_n3A, %get3A_26, %dot_general3A_27 {dimension_numbers = #tpu.dot_dimension_numbers<[1], [0], [0], [1], [0, 0, 1, 1], [], []>, transpose_lhs_hint = false} : vector<512x64xf32>, vector<64x16xf32>, vector<512x16xf32> -> vector<512x16xf32>
    %get3A_29 = arith.constant 0 : index
    %get3A_30 = arith.constant 0 : index
    %get3A_31 = vector.load %arg6[%get3A_29, %get3A_30] : memref<16x2xf32, #tpu.memory_space<vmem>>, vector<16x2xf32>
    %dot_general3A_32 = arith.constant dense<0.000000e+00> : vector<512x2xf32>
    %dot_general3A_33 = tpu.matmul %dot_general3A_28, %get3A_31, %dot_general3A_32 {dimension_numbers = #tpu.dot_dimension_numbers<[1], [0], [0], [1], [0, 0, 1, 1], [], []>, transpose_lhs_hint = false} : vector<512x16xf32>, vector<16x2xf32>, vector<512x2xf32> -> vector<512x2xf32>
    %broadcast_in_dim3A = arith.constant 0.000000e+00 : f32
    %broadcast_in_dim3A_34 = vector.broadcast %broadcast_in_dim3A : f32 to vector<512x110xf32>
    %concatenate3A = tpu.concatenate %dot_general3A_28, %dot_general3A_33, %broadcast_in_dim3A_34 in 1 : vector<512x16xf32>, vector<512x2xf32>, vector<512x110xf32> -> vector<512x128xf32>
    %swap3A = arith.constant 0 : index
    %swap3A_35 = arith.constant 0 : index
    %swap3A_36 = vector.load %arg7[%swap3A, %swap3A_35] : memref<512x128xf32, #tpu.memory_space<vmem>>, vector<512x128xf32>
    tpu.vector_store %arg7[%swap3A, %swap3A_35], %concatenate3A {strides = array<i32>} : memref<512x128xf32, #tpu.memory_space<vmem>>, vector<512x128xf32>,
    return
  }
  func.func @transform_0(%arg0: i32) -> (i32, i32) {
    %c0_i32 = arith.constant 0 : i32
    %c0_i32_0 = arith.constant 0 : i32
    return %arg0, %c0_i32 : i32, i32
  }
  func.func @transform_1(%arg0: i32) -> (i32, i32) {
    %c0_i32 = arith.constant 0 : i32
    %c0_i32_0 = arith.constant 0 : i32
    return %arg0, %c0_i32 : i32, i32
  }
  func.func @transform_2(%arg0: i32) -> (i32, i32) {
    %c0_i32 = arith.constant 0 : i32
    %c0_i32_0 = arith.constant 0 : i32
    %c0_i32_1 = arith.constant 0 : i32
    return %c0_i32, %c0_i32_0 : i32, i32
  }
  func.func @transform_3(%arg0: i32) -> (i32, i32) {
    %c0_i32 = arith.constant 0 : i32
    %c0_i32_0 = arith.constant 0 : i32
    %c0_i32_1 = arith.constant 0 : i32
    return %c0_i32, %c0_i32_0 : i32, i32
  }
  func.func @transform_4(%arg0: i32) -> (i32, i32) {
    %c0_i32 = arith.constant 0 : i32
    %c0_i32_0 = arith.constant 0 : i32
    %c0_i32_1 = arith.constant 0 : i32
    return %c0_i32, %c0_i32_0 : i32, i32
  }
  func.func @transform_5(%arg0: i32) -> (i32, i32) {
    %c0_i32 = arith.constant 0 : i32
    %c0_i32_0 = arith.constant 0 : i32
    %c0_i32_1 = arith.constant 0 : i32
    return %c0_i32, %c0_i32_0 : i32, i32
  }
  func.func @transform_6(%arg0: i32) -> (i32, i32) {
    %c0_i32 = arith.constant 0 : i32
    %c0_i32_0 = arith.constant 0 : i32
    return %arg0, %c0_i32 : i32, i32
  }
}

module attributes {stable_mosaic.version = 14 : i64} {
  func.func @_tc3_body(%arg0: i32, %arg1: memref<512x32xf32, #tpu.memory_space<vmem>>, %arg2: memref<512x32xf32, #tpu.memory_space<vmem>>, %arg3: memref<1x16xf32, #tpu.memory_space<vmem>>, %arg4: memref<512x16xf32, #tpu.memory_space<vmem>>) attributes {dimension_semantics = [#tpu.dimension_semantics<arbitrary>], iteration_bounds = array<i64: 20>, scalar_prefetch = 0 : i64, scratch_operands = 0 : i64, tpu.core_type = #tpu.core_type<tc>, window_params = [{transform_indices = @transform_0, window_bounds = array<i64: 512, 32>}, {transform_indices = @transform_1, window_bounds = array<i64: 512, 32>}, {pipeline_mode = #tpu.pipeline_mode<synchronous>, transform_indices = @transform_2, window_bounds = array<i64: 1, 16>}, {transform_indices = @transform_3, window_bounds = array<i64: 512, 16>}]} {
    %get3A = arith.constant 0 : index
    %get3A_0 = arith.constant 0 : index
    %get3A_1 = vector.load %arg1[%get3A, %get3A_0] : memref<512x32xf32, #tpu.memory_space<vmem>>, vector<512x32xf32>
    %get3A_2 = arith.constant 0 : index
    %get3A_3 = arith.constant 0 : index
    %get3A_4 = vector.load %arg2[%get3A_2, %get3A_3] : memref<512x32xf32, #tpu.memory_space<vmem>>, vector<512x32xf32>
    %slice3A = vector.extract_strided_slice %get3A_1 {offsets = [0, 0], sizes = [512, 16], strides = [1, 1]} : vector<512x32xf32> to vector<512x16xf32>
    %slice3A_5 = vector.extract_strided_slice %get3A_4 {offsets = [0, 0], sizes = [512, 16], strides = [1, 1]} : vector<512x32xf32> to vector<512x16xf32>
    %add3A = arith.addf %slice3A, %slice3A_5 : vector<512x16xf32>
    %slice3A_6 = vector.extract_strided_slice %get3A_1 {offsets = [0, 16], sizes = [512, 1], strides = [1, 1]} : vector<512x32xf32> to vector<512x1xf32>
    %slice3A_7 = vector.extract_strided_slice %get3A_4 {offsets = [0, 16], sizes = [512, 1], strides = [1, 1]} : vector<512x32xf32> to vector<512x1xf32>
    %add3A_8 = arith.addf %slice3A_6, %slice3A_7 : vector<512x1xf32>
    %broadcast_in_dim3A = vector.shape_cast %add3A_8 : vector<512x1xf32> to vector<512x1xf32>
    %broadcast_in_dim3A_9 = vector.broadcast %broadcast_in_dim3A : vector<512x1xf32> to vector<512x16xf32>
    %div3A = arith.divf %add3A, %broadcast_in_dim3A_9 : vector<512x16xf32>
    %get3A_10 = arith.constant 0 : index
    %get3A_11 = arith.constant 0 : index
    %get3A_12 = vector.load %arg3[%get3A_10, %get3A_11] : memref<1x16xf32, #tpu.memory_space<vmem>>, vector<1x16xf32>
    %add3A_13 = vector.broadcast %get3A_12 : vector<1x16xf32> to vector<512x16xf32>
    %add3A_14 = arith.addf %div3A, %add3A_13 : vector<512x16xf32>
    %gt3A = arith.constant 0.000000e+00 : f32
    %gt3A_15 = vector.broadcast %gt3A : f32 to vector<512x16xf32>
    %gt3A_16 = arith.cmpf ogt, %add3A_14, %gt3A_15 : vector<512x16xf32>
    %min3A = arith.constant 0.000000e+00 : f32
    %min3A_17 = vector.broadcast %min3A : f32 to vector<512x16xf32>
    %min3A_18 = arith.minimumf %add3A_14, %min3A_17 : vector<512x16xf32>
    %exp3A = math.exp %min3A_18 : vector<512x16xf32>
    %sub3A = arith.constant 1.000000e+00 : f32
    %sub3A_19 = vector.broadcast %sub3A : f32 to vector<512x16xf32>
    %sub3A_20 = arith.subf %exp3A, %sub3A_19 : vector<512x16xf32>
    %select_n3A = arith.select %gt3A_16, %add3A_14, %sub3A_20 : vector<512x16xi1>, vector<512x16xf32>
    %swap3A = arith.constant 0 : index
    %swap3A_21 = arith.constant 0 : index
    %swap3A_22 = vector.load %arg4[%swap3A, %swap3A_21] : memref<512x16xf32, #tpu.memory_space<vmem>>, vector<512x16xf32>
    tpu.vector_store %arg4[%swap3A, %swap3A_21], %select_n3A {strides = array<i32>} : memref<512x16xf32, #tpu.memory_space<vmem>>, vector<512x16xf32>,
    return
  }
  func.func @transform_0(%arg0: i32) -> (i32, i32) {
    %c0_i32 = arith.constant 0 : i32
    %c0_i32_0 = arith.constant 0 : i32
    return %arg0, %c0_i32 : i32, i32
  }
  func.func @transform_1(%arg0: i32) -> (i32, i32) {
    %c0_i32 = arith.constant 0 : i32
    %c0_i32_0 = arith.constant 0 : i32
    return %arg0, %c0_i32 : i32, i32
  }
  func.func @transform_2(%arg0: i32) -> (i32, i32) {
    %c0_i32 = arith.constant 0 : i32
    %c0_i32_0 = arith.constant 0 : i32
    %c0_i32_1 = arith.constant 0 : i32
    return %c0_i32, %c0_i32_0 : i32, i32
  }
  func.func @transform_3(%arg0: i32) -> (i32, i32) {
    %c0_i32 = arith.constant 0 : i32
    %c0_i32_0 = arith.constant 0 : i32
    return %arg0, %c0_i32 : i32, i32
  }
}

</mosaic_0001>

<sc_bundles>
// kernel: kernel.10.cloned.1.call-start
scs
__scs_entry_jumppad:
0x0: {  	(pc) =	sbr.rel $0x88, $3  }
0x1: {  	(tag) =	ssettag $0x0;
	lr =	simm.s32 $0x1  }
0x2: {  	[smem:$0x3F97] =	sst lr;
	_ =	strace $0xD0000000  }
0x3: {  	_ = 	snop  }
0x4: {  	_ = 	snop  }
0x5: {  	_ = 	snop  }
0x6: {  	_ = 	snop  }
0x7: {  	_ = 	snop  }
__scs_overlays_trampoline_lowered:
0x8: {  	[smem:$0x3FA6] =	sst s0  }
0x9: {  	[smem:$0x3FA7] =	sst s1  }
0xa: {  	[smem:$0x3FA8] =	sst s2  }
0xb: {  	[smem:$0x3FA9] =	sst s3  }
0xc: {  	[smem:$0x3FAA] =	sst s4  }
0xd: {  	[smem:$0x3FAB] =	sst s5  }
0xe: {  	[smem:$0x3FAC] =	sst s6  }
0xf: {  	[smem:$0x3FAD] =	sst s7  }
0x10: {  	[smem:$0x3FAE] =	sst s8  }
0x11: {  	[smem:$0x3FAF] =	sst s9;
	s0 =	simm.s32 @!p0 $0x0  }
0x12: {  	s1 =	sld [smem:$0x3F95];
	s0 =	simm.s32 @p0 $0x1  }
0x13: {  	[smem:$0x3FB0] =	sst s0;
	s0 =	simm.s32 @!p1 $0x0  }
0x14: {  	s2 =	sld [smem:$0x3F94];
	s0 =	simm.s32 @p1 $0x1  }
0x15: {  	[smem:$0x3FB1] =	sst s0;
	s0 =	simm.s32 @!p2 $0x0  }
0x16: {  	s3 =	sld [smem:$0x3FDB];
	s0 =	simm.s32 @p2 $0x1  }
0x17: {  	s4 =	simm.s32 $0x1BF5;
	[smem:$0x3FB3] =	sst s0  }
0x18: {  	s0 =	sld [smem:$0x3F96];
	_ =	swait.ge [sflag:s4], $0x0  }
0x19: {  	s7 =	sld [smem:$0x3F97]  }
0x1a: {  	s8 =	sadd.s32 $0xFFFFE003, lr  }
0x1b: {  	s9 =	sadd.s32 $0xFFFFFEF7, lr;
	s5 =	simm.s32 $0xFFFFFFFF;
	p2 =	slt.u32 s8, $0xFFFFF086  }
0x1c: {  	p1 =	slt.u32 s9, $0xF7A;
	s5 =	simm.s32 @!p2 $0x0  }
0x1d: {  	s5 =	simm.s32 @p1 $0x1;
	p0 =	seq.s32 s7, s2  }
0x1e: {  	s7 =	smul.u32 @!p0 $0xF7A, s2;
	p2 =	seq.s32 @!p0 s5, $0x0  }
0x1f: {  	s9 =	smul.u32 $0xF7A, s1;
	s8 =	simm.s32 @!p0 $0x1BF5;
	p2 =	por !p2, p0  }
0x20: {  	[sflag:s8] =	ssyncset.s32 @!p0 $0xFFFFF086;
	s6 =	sadd.s32 @!p0 s3, s7;
	s7 =	simm.s32 @!p0 $0x108  }
0x21: {  	s3 =	sadd.s32 s3, s9;
	s6 =	sadd.s32 @!p0 $0x88, s6;
	s7 =	simm.s32 @p2 $0x1082  }
0x22: {  	[simem:s7], [sflag:s8] =	dma.local @!p0 [hbm:s6], $0xF7A  }
0x23: {  	s9 =	sor.u32 $0xD0000000, s2;
	s6 =	simm.s32 $0x108;
	_ =	swait.ge @!p0 [sflag:s8], $0x0  }
0x24: {  	s3 =	sadd.s32 $0x88, s3;
	s6 =	simm.s32 @!p1 $0x1082;
	[sflag:s4] =	ssyncset.s32 $0xFFFFF086  }
0x25: {  	[simem:s6], [sflag:s4] =	dma.local [hbm:s3], $0xF7A  }
0x26: {  	[smem:$0x3F97] =	sst s1;
	(tag) =	ssettag s2;
	_ =	strace s9  }
0x27: {  	s1 =	sld [smem:$0x3FA7]  }
0x28: {  	s2 =	sld [smem:$0x3FA8]  }
0x29: {  	s4 =	sld [smem:$0x3FAA]  }
0x2a: {  	p0 =	seq.s32 s5, $0x0;
	s5 =	sld [smem:$0x3FAB]  }
0x2b: {  	s6 =	sld [smem:$0x3FAC]  }
0x2c: {  	s7 =	sld [smem:$0x3FAD]  }
0x2d: {  	s3 =	simm.s32 $0x108;
	s8 =	sld [smem:$0x3FAE]  }
0x2e: {  	s3 =	simm.s32 @!p0 $0x1082;
	s9 =	sld [smem:$0x3FAF]  }
0x2f: {  	lr =	sadd.s32 s0, s3;
	s0 =	sld [smem:$0x3FA6]  }
0x30: {  	s3 =	sld [smem:$0x3FA9]  }
0x31: {  	[smem:$0x3FB2] =	sst s10  }
0x32: {  	s10 =	sld [smem:$0x3FB0];
	_ =	sdelay $0x3  }
0x33: {  	p0 =	seq.s32 s10, $0x1;
	s10 =	sld [smem:$0x3FB2];
	_ =	sdelay $0x3  }
0x34: {  	[smem:$0x3FB2] =	sst s10  }
0x35: {  	s10 =	sld [smem:$0x3FB1];
	_ =	sdelay $0x3  }
0x36: {  	p1 =	seq.s32 s10, $0x1;
	s10 =	sld [smem:$0x3FB2];
	_ =	sdelay $0x3  }
0x37: {  	[smem:$0x3FB2] =	sst s10  }
0x38: {  	s10 =	sld [smem:$0x3FB3]  }
0x39: {  	_ = 	snop;
	(pc) =	sbr.ind lr, $3  }
0x3a: {  	_ = 	snop  }
0x3b: {  	_ = 	snop  }
0x3c: {  	p2 =	seq.s32 s10, $0x1;
	s10 =	sld [smem:$0x3FB2]  }
0x3d: {  	_ =	shalt  }
0x3e: {  	_ =	shalt  }
0x3f: {  	_ =	shalt  }
0x40: {  	_ =	shalt  }
0x41: {  	_ =	shalt  }
0x42: {  	_ =	shalt  }
0x43: {  	_ =	shalt  }
0x44: {  	_ =	shalt  }
0x45: {  	_ =	shalt  }
0x46: {  	_ =	shalt  }
0x47: {  	_ =	shalt  }
0x48: {  	_ =	shalt  }
0x49: {  	_ =	shalt  }
0x4a: {  	_ =	shalt  }
0x4b: {  	_ =	shalt  }
0x4c: {  	_ =	shalt  }
0x4d: {  	_ =	shalt  }
0x4e: {  	_ =	shalt  }
0x4f: {  	_ =	shalt  }
0x50: {  	_ =	shalt  }
0x51: {  	_ =	shalt  }
0x52: {  	_ =	shalt  }
0x53: {  	_ =	shalt  }
0x54: {  	_ =	shalt  }
0x55: {  	_ =	shalt  }
0x56: {  	_ =	shalt  }
0x57: {  	_ =	shalt  }
0x58: {  	_ =	shalt  }
0x59: {  	_ =	shalt  }
0x5a: {  	_ =	shalt  }
0x5b: {  	_ =	shalt  }
0x5c: {  	_ =	shalt  }
0x5d: {  	_ =	shalt  }
0x5e: {  	_ =	shalt  }
0x5f: {  	_ =	shalt  }
0x60: {  	_ =	shalt  }
0x61: {  	_ =	shalt  }
0x62: {  	_ =	shalt  }
0x63: {  	_ =	shalt  }
0x64: {  	_ =	shalt  }
0x65: {  	_ =	shalt  }
0x66: {  	_ =	shalt  }
0x67: {  	_ =	shalt  }
0x68: {  	_ =	shalt  }
0x69: {  	_ =	shalt  }
0x6a: {  	_ =	shalt  }
0x6b: {  	_ =	shalt  }
0x6c: {  	_ =	shalt  }
0x6d: {  	_ =	shalt  }
0x6e: {  	_ =	shalt  }
0x6f: {  	_ =	shalt  }
0x70: {  	_ =	shalt  }
0x71: {  	_ =	shalt  }
0x72: {  	_ =	shalt  }
0x73: {  	_ =	shalt  }
0x74: {  	_ =	shalt  }
0x75: {  	_ =	shalt  }
0x76: {  	_ =	shalt  }
0x77: {  	_ =	shalt  }
0x78: {  	_ =	shalt  }
0x79: {  	_ =	shalt  }
0x7a: {  	_ =	shalt  }
0x7b: {  	_ =	shalt  }
0x7c: {  	_ =	shalt  }
0x7d: {  	_ =	shalt  }
0x7e: {  	_ =	shalt  }
0x7f: {  	_ =	shalt  }
0x80: {  	_ =	shalt  }
0x81: {  	_ =	shalt  }
0x82: {  	_ =	shalt  }
0x83: {  	_ =	shalt  }
0x84: {  	_ =	shalt  }
0x85: {  	_ =	shalt  }
0x86: {  	_ =	shalt  }
0x87: {  	_ =	shalt  }
.Lfunc_end0:
.L_simem_size_0:
called_computation.1_lowered:
.L_overlay_start_0:
0x88: {  	s2 =	sld [smem:$0x3FD9]  }
0x89: {  	s3 =	sld [smem:$0x3FFE];
	_ =	sdelay $0x1  }
0x8a: {  	s1 =	srdreg.scid  }
0x8b: {  	s0 =	sand.u32 $0x1, s1  }
0x8c: {  	s16 =	sshll.u32 s0, $0xA;
	s2 =	sadd.s32 s3, s2  }
0x8d: {  	s2 =	sadd.s32 s2, s16  }
0x8e: {  	[smem:$0x3FBE] =	sst s2  }
0x8f: {  	_ = 	snop  }
0x90: {  	(tm) =	ssettm $0x1  }
0x91: {  	s17 =	sld [smem:$0x3FFB];
	_ =	sdelay $0x3  }
0x92: {  	_ =	strace s17  }
0x93: {  	s2 =	sld [smem:$0x3FFC];
	_ =	sdelay $0x3  }
0x94: {  	_ =	strace s2  }
0x95: {  	s2 =	sld [smem:$0x3FFD];
	_ =	sdelay $0x3  }
0x96: {  	_ =	strace s2  }
0x97: {  	_ =	strace $0x8FFFFFFF  }
0x98: {  	s18 =	sld [smem:$0x3FDB];
	_ =	sdelay $0x1  }
0x99: {  	s19 =	simm.s32 $_scs_section_size  }
0x9a: {  	s4 =	simm.s32 $_size__tile_overlayer_lowered;
	s5 =	simm.s32 $_tile_overlayer_lowered  }
0x9b: {  	s22 =	simm.s32 $0x1BFF;
	s21 =	sshll.u32 s5, $0x1;
	s2 =	sadd.s32 s19, s18  }
0x9c: {  	s6 =	simm.s32 $0x0;
	s20 =	sshll.u32 s4, $0x1;
	s4 =	sadd.s32 s21, s2  }
0x9d: {  	[timem:s6], [sflag:s22] =	dma.local [hbm:s4], s20  }
0x9e: {  	_ =	swait.ge [sflag:s22], s20  }
0x9f: {  	s3 =	ssub.s32 $0x0, s20;
	[sflag:s22] =	ssyncset.done $0x0  }
0xa0: {  	[sflag:s22] =	ssyncadd.s32 s3;
	_ =	sdelay $0x1  }
0xa1: {  	s23 =	simm.s32 $0x1B8B  }
0xa2: {  	_ =	swait.ge [sflag:s23], $0x1  }
0xa3: {  	[sflag:s23] =	ssyncset.done $0x0  }
0xa4: {  	s25 =	simm.s32 $0x1B8E;
	s24 =	sld [smem:$0x3FFE];
	[sflag:s23] =	ssyncadd.s32 $0xFFFFFFFF  }
0xa5: {  	s26 =	simm.s32 $execute0_lowered;
	[smem:$0x3FD2] =	sst s25  }
0xa6: {  	s4 =	sshll.u32 s26, $0x1;
	_ =	strace $0x80000049;
	[dreg:$0x1] =	wrdreg $0xFFFFFFFF  }
0xa7: {  	s28 =	simm.s32 $_size_execute0_lowered;
	s2 =	sadd.s32 s2, s4;
	[dreg:$0x0] =	wrdreg $0x0  }
0xa8: {  	s4 =	sshll.u32 s28, $0x1;
	[dreg:$0x2] =	wrdreg s2  }
0xa9: {  	[dreg:$0x3] =	wrdreg s4  }
0xaa: {  	[dreg:$0x4] =	wrdreg $0xC0  }
0xab: {  	_ =	task [dreg:s6], $0x5FFFF  }
0xac: {  	[dreg:$0x1] =	wrdreg $0xFFFFFFFF  }
0xad: {  	[dreg:$0x0] =	wrdreg $0x60  }
0xae: {  	[dreg:$0x2] =	wrdreg s24  }
0xaf: {  	[dreg:$0x3] =	wrdreg $0xA2000  }
0xb0: {  	[dreg:$0x4] =	wrdreg $0x9  }
0xb1: {  	_ =	task.clear_ibuf [dreg:s6], $0x5FFFF;
	_ =	strace $0x90000049  }
0xb2: {  	s29 =	simm.s32 $0x9;
	_ =	strace $0x8000004B  }
0xb3: {  	_ =	swait.ge [sflag:s29], $0x1  }
0xb4: {  	[sflag:s29] =	ssyncadd.s32 $0xFFFFFFFF  }
0xb5: {  	_ =	strace $0x9000004B  }
0xb6: {  	_ =	sfence  }
0xb7: {  	s30 =	sld [smem:$0x0];
	_ =	sdelay $0x2  }
0xb8: {  	s31 =	sshll.u32 s1, $0xD;
	s1 =	sshrl.u32 s1, $0x2  }
0xb9: {  	s3 =	sand.u32 $0x4000, s31;
	s1 =	sadd.s32 s1, s30  }
0xba: {  	s0 =	sor.u32 s3, s0;
	s1 =	sshll.u32 s1, $0x11  }
0xbb: {  	s0 =	sor.u32 s1, s0  }
0xbc: {  	s0 =	sadd.s32 $0x8F2B, s0  }
0xbd: {  	[sflag:s0] =	ssyncadd.remote.s32 $0x1  }
0xbe: {  	_ =	sfence.sel $0xFFFF  }
0xbf: {  	[dreg:$0x0] =	wrdreg $0xFFFFFFFF;
	(pc) =	sbr.abs _section_cstart, $3  }
0xc0: {  	[dreg:$0x1] =	wrdreg $0xFFFFFFFF  }
0xc1: {  	_ =	task.clear_ibuf [dreg:s6], $0x2FFFF;
	_ =	strace $0x9FFFFFFF  }
0xc2: {  	(tm) =	ssettm $0x7FFFFFFF  }
0xc3: {  	_ =	shalt  }
tec
execute0_lowered:
.L_overlay_start_1:
0x0: {  	(tag) =	ssettag $0x1  }
0x1: {  	s0 =	rddreg [dreg:$0x0]  }
0x2: {  	s1 =	rddreg [dreg:$0x1]  }
0x3: {  	s2 =	srdreg.scid;
	s3 =	simm.s32 $0x0;
	s10 =	stileid.u32  }
0x4: {  	s28 =	simm.s32 $0x1;
	s2 =	sand.u32 $0x1, s2;
	s6 =	smul.u32 $0x14000, s10  }
0x5: {  	s29 =	simm.s32 $0x40;
	s30 =	simm.s32 $0x200;
	s5 =	smul.u32 $0x140000, s2  }
0x6: {  	s31 =	simm.s32 $0x4200;
	[smem:$0x7FF] =	sst s3;
	s8 =	smul.u32 $0x50000, s10  }
0x7: {  	s4 =	sadd.s32 $0x1A00, s0;
	_ =	strace $0x8000004A;
	s7 =	sadd.s32 s6, s5  }
0x8: {  	s12 =	sshrl.u32 s8, $0x2;
	s5 =	sadd.s32 $0x16A00, s0;
	s7 =	sshrl.u32 s7, $0x3  }
0x9: {  	s6 =	sadd.s32 $0x2BA00, s0;
	s0 =	sadd.s32 s7, s0;
	s7 =	sadd.s32 s12, s1  }
0xa: {  	s9 =	ssub.s32 $0x2, s2;
	s2 =	sshll.u32 s2, $0x4;
	s14 =	sadd.s32 $0x2000, s7  }
0xb: {  	s13 =	sshrl.u32 s9, $0x1;
	s15 =	sadd.s32 $0x4000, s7;
	[dreg:$0x3] =	wrdreg s14  }
0xc: {  	s2 =	sor.u32 s10, s2;
	s16 =	sadd.s32 $0x6000, s7;
	[dreg:$0x4] =	wrdreg s15  }
0xd: {  	s10 =	simm.s32 $0x6200;
	s17 =	sadd.s32 $0x8000, s7;
	[dreg:$0x5] =	wrdreg s16  }
0xe: {  	s8 =	ssub.s32 s9, s13;
	s18 =	sadd.s32 $0xA000, s7;
	[dreg:$0x6] =	wrdreg s17  }
0xf: {  	s11 =	smul.u32 $0x5400, s2;
	s19 =	sadd.s32 $0xC000, s7;
	[dreg:$0x7] =	wrdreg s18  }
0x10: {  	s9 =	simm.s32 $0x2200;
	s20 =	sadd.s32 $0xE000, s7;
	[dreg:$0x8] =	wrdreg s19  }
0x11: {  	s22 =	sshrl.u32 s11, $0x3;
	s21 =	sadd.s32 $0x10000, s7;
	[dreg:$0x9] =	wrdreg s20  }
0x12: {  	s12 =	simm.s32 $0x0;
	s23 =	sadd.s32 $0x12000, s7;
	[dreg:$0xa] =	wrdreg s21  }
0x13: {  	s24 =	sadd.s32 s4, s22;
	s25 =	sor.u32 $0x10, s22;
	[dreg:$0xb] =	wrdreg s23  }
.Ltmp0:
0x14: {  	s2 =	sadd.s32 s5, s22;
	[dreg:$0xc] =	wrdreg s24;
	(pc) =	sbr.rel .LBB2_1-.Ltmp0, $4  }
0x15: {  	s22 =	sadd.s32 $0x53A00, s0;
	s0 =	simm.s32 $0x80;
	[dreg:$0xd] =	wrdreg s2  }
0x16: {  	s26 =	sadd.s32 s4, s25;
	s21 =	sadd.s32 s5, s25;
	s23 =	smax.u32 s8, $0x1  }
0x17: {  	v0 =	vimm.f32 $0.0e+00;
	s24 =	simm.s32 $0x8200;
	s25 =	simm.s32 $0x3;
	s2 =	simm.s32 $0x180  }
0x18: {  	v1 =	vimm.s32 $0x0;
	v2 =	vimm.s32 $0x1;
	vm0 =	vmmov $0x1;
	s8 =	simm.s32 $0x2;
	[dreg:$0xe] =	wrdreg s26;
	s26 =	simm.s32 $0x100  }
.LBB2_10:
0x19: {  	[spmem:s1] =	stream.indirect.scatter.add.f32 [tilespmem:s24], [sflag:$0x3], $0x20, s2, s29, $0xb8;
	[tilespmem:$0xF200] =	vst v63  }
0x1a: {  	s13 =	stileid.u32;
	_ =	swait.ge [sflag:s25], $0x800  }
0x1b: {  	s14 =	sshrl.u32 s7, $0x3;
	s12 =	sadd.s32 $0x1, s12;
	[sflag:s25] =	ssyncset.done $0x0  }
0x1c: {  	s13 =	sshll.u32 s13, $0x6;
	p0 =	sne.s32 s12, s23;
	[sflag:s25] =	ssyncadd.s32 $0xFFFFF800  }
.Ltmp1:
0x1d: {  	s13 =	sor.u32 $0x1C03, s13;
	[bflag:$0x0] =	sbarrier.arrive $0xFFFF;
	(pc) =	sbr.rel @!p0 .LBB2_11-.Ltmp1, $4  }
0x1e: {  	[hbm:s22], [sflag:s13] =	dma.local [spmem:s14], $0x2800  }
0x1f: {  	_ =	swait.ge [sflag:s25], $0x2800  }
0x20: {  	[sflag:s25] =	ssyncset.done $0x0  }
0x21: {  	[sflag:s25] =	ssyncadd.s32 $0xFFFFD800  }
.LBB2_1:
0x22: {  	s13 =	simm.s32 $0x200;
	s14 =	simm.s32 $0x0  }
.LBB2_2:
0x23: {  	p0 =	sne.s32 s13, $0x7E00;
	[tilespmem:s14+$0x8200] =	vst v0;
	s15 =	smov.u32 s13;
	s13 =	sadd.s32 $0x200, s13  }
.Ltmp2:
0x24: {  	[tilespmem:s14+$0x8210] =	vst v0;
	(pc) =	sbr.rel @p0 .LBB2_2-.Ltmp2, $2  }
0x25: {  	_ =	sdelay $0x2  }
0x26: {  	s14 =	sshra.s32 s15, $0x2  }
0x27: {  	[tilespmem:s14+$0x8200] =	vst v0  }
0x28: {  	[tilespmem:s14+$0x8210] =	vst v0  }
0x29: {  	[spmem:s7] =	stream.linear.scatter [tilespmem:s24], [sflag:$0x3], $0x2000, $0x38;
	[tilespmem:$0xF200] =	vst v63  }
0x2a: {  	_ =	swait.ge [sflag:s25], $0x2000  }
0x2b: {  	[sflag:s25] =	ssyncset.done $0x0  }
0x2c: {  	s13 =	rddreg [dreg:$0x3];
	[sflag:s25] =	ssyncadd.s32 $0xFFFFE000  }
0x2d: {  	[spmem:s13] =	stream.linear.scatter [tilespmem:s24], [sflag:$0x3], $0x2000, $0x38;
	[tilespmem:$0xF200] =	vst v63  }
0x2e: {  	_ =	swait.ge [sflag:s25], $0x2000  }
0x2f: {  	[sflag:s25] =	ssyncset.done $0x0  }
0x30: {  	s17 =	rddreg [dreg:$0x4];
	[sflag:s25] =	ssyncadd.s32 $0xFFFFE000  }
0x31: {  	[spmem:s17] =	stream.linear.scatter [tilespmem:s24], [sflag:$0x3], $0x2000, $0x38;
	[tilespmem:$0xF200] =	vst v63  }
0x32: {  	_ =	swait.ge [sflag:s25], $0x2000  }
0x33: {  	[sflag:s25] =	ssyncset.done $0x0  }
0x34: {  	s18 =	rddreg [dreg:$0x5];
	[sflag:s25] =	ssyncadd.s32 $0xFFFFE000  }
0x35: {  	[spmem:s18] =	stream.linear.scatter [tilespmem:s24], [sflag:$0x3], $0x2000, $0x38;
	[tilespmem:$0xF200] =	vst v63  }
0x36: {  	_ =	swait.ge [sflag:s25], $0x2000  }
0x37: {  	[sflag:s25] =	ssyncset.done $0x0  }
0x38: {  	s19 =	rddreg [dreg:$0x6];
	[sflag:s25] =	ssyncadd.s32 $0xFFFFE000  }
0x39: {  	[spmem:s19] =	stream.linear.scatter [tilespmem:s24], [sflag:$0x3], $0x2000, $0x38;
	[tilespmem:$0xF200] =	vst v63  }
0x3a: {  	_ =	swait.ge [sflag:s25], $0x2000  }
0x3b: {  	[sflag:s25] =	ssyncset.done $0x0  }
0x3c: {  	s20 =	rddreg [dreg:$0x7];
	[sflag:s25] =	ssyncadd.s32 $0xFFFFE000  }
0x3d: {  	[spmem:s20] =	stream.linear.scatter [tilespmem:s24], [sflag:$0x3], $0x2000, $0x38;
	[tilespmem:$0xF200] =	vst v63  }
0x3e: {  	_ =	swait.ge [sflag:s25], $0x2000  }
0x3f: {  	[sflag:s25] =	ssyncset.done $0x0  }
0x40: {  	s14 =	rddreg [dreg:$0x8];
	[sflag:s25] =	ssyncadd.s32 $0xFFFFE000  }
0x41: {  	[spmem:s14] =	stream.linear.scatter [tilespmem:s24], [sflag:$0x3], $0x2000, $0x38;
	[tilespmem:$0xF200] =	vst v63  }
0x42: {  	_ =	swait.ge [sflag:s25], $0x2000  }
0x43: {  	[sflag:s25] =	ssyncset.done $0x0  }
0x44: {  	s15 =	rddreg [dreg:$0x9];
	[sflag:s25] =	ssyncadd.s32 $0xFFFFE000  }
0x45: {  	[spmem:s15] =	stream.linear.scatter [tilespmem:s24], [sflag:$0x3], $0x2000, $0x38;
	[tilespmem:$0xF200] =	vst v63  }
0x46: {  	_ =	swait.ge [sflag:s25], $0x2000  }
0x47: {  	[sflag:s25] =	ssyncset.done $0x0  }
0x48: {  	s16 =	rddreg [dreg:$0xa];
	[sflag:s25] =	ssyncadd.s32 $0xFFFFE000  }
0x49: {  	[spmem:s16] =	stream.linear.scatter [tilespmem:s24], [sflag:$0x3], $0x2000, $0x38;
	[tilespmem:$0xF200] =	vst v63  }
0x4a: {  	_ =	swait.ge [sflag:s25], $0x2000  }
0x4b: {  	[sflag:s25] =	ssyncset.done $0x0  }
0x4c: {  	s17 =	rddreg [dreg:$0xb];
	[sflag:s25] =	ssyncadd.s32 $0xFFFFE000  }
0x4d: {  	[spmem:s17] =	stream.linear.scatter [tilespmem:s24], [sflag:$0x3], $0x2000, $0x38;
	[tilespmem:$0xF200] =	vst v63  }
0x4e: {  	_ =	swait.ge [sflag:s25], $0x2000  }
0x4f: {  	[sflag:s25] =	ssyncset.done $0x0  }
0x50: {  	[sflag:s25] =	ssyncadd.s32 $0xFFFFE000  }
0x51: {  	[bflag:$0x0] =	sbarrier.arrive $0xFFFF  }
0x52: {  	s13 =	simm.s32 $0x0;
	s18 =	rddreg [dreg:$0xc]  }
0x53: {  	[tilespmem:s13], [sflag:$0x1] =	stream.linear.gather [hbm4b:s18+s13], $0x80, $0x38;
	[tilespmem:$0xF200] =	vst v63  }
0x54: {  	s19 =	rddreg [dreg:$0xd]  }
0x55: {  	[tilespmem:s26], [sflag:$0x1] =	stream.linear.gather [hbm4b:s19+s13], $0x80, $0x38;
	[tilespmem:$0xF200] =	vst v63  }
0x56: {  	_ =	swait.ge [sflag:s28], $0x80  }
0x57: {  	[sflag:s28] =	ssyncset.done $0x0  }
0x58: {  	[sflag:s28] =	ssyncadd.s32 $0xFFFFFF80  }
0x59: {  	_ =	swait.ge [sflag:s28], $0x80  }
0x5a: {  	[sflag:s28] =	ssyncset.done $0x0  }
0x5b: {  	[sflag:s28] =	ssyncadd.s32 $0xFFFFFF80  }
0x5c: {  	[tilespmem:s30], [sflag:$0x2] =	stream.indirect.gather [hbm4b:s6+s29], $0x80, s13, s29, $0xb8;
	[tilespmem:$0xF200] =	vst v63  }
0x5d: {  	_ = 	snop  }
0x5e: {  	[tilespmem:s31], [sflag:$0x2] =	stream.indirect.gather [hbm4b:s6+s29], $0x80, s26, s29, $0xb8;
	[tilespmem:$0xF200] =	vst v63  }
0x5f: {  	s20 =	rddreg [dreg:$0xe]  }
0x60: {  	[tilespmem:s0], [sflag:$0x1] =	stream.linear.gather [hbm4b:s20+s13], $0x80, $0x38;
	[tilespmem:$0xF200] =	vst v63  }
0x61: {  	_ = 	snop  }
0x62: {  	[tilespmem:s2], [sflag:$0x1] =	stream.linear.gather [hbm4b:s21+s13], $0x80, $0x38;
	[tilespmem:$0xF200] =	vst v63  }
.LBB2_4:
0x63: {  	_ =	swait.ge [sflag:s8], $0x2000  }
0x64: {  	[sflag:s8] =	ssyncset.done $0x0  }
0x65: {  	[sflag:s8] =	ssyncadd.s32 $0xFFFFE000  }
0x66: {  	_ =	swait.ge [sflag:s8], $0x2000  }
0x67: {  	[sflag:s8] =	ssyncset.done $0x0  }
0x68: {  	s16 =	simm.s32 $0x0;
	[sflag:s8] =	ssyncadd.s32 $0xFFFFE000  }
0x69: {  	v3 =	vld [tilespmem:s16+$0x210]  }
0x6a: {  	s15 =	simm.s32 $0x80;
	v4 =	vld [tilespmem:s16+$0x4210]  }
0x6b: {  	v5 =	vld [tilespmem:s15+$0x210]  }
0x6c: {  	v6 =	vld [tilespmem:s15+$0x4210];
	_ =	sdelay $0x2  }
0x6d: {  	v3 =	vperm.xlane v3, v1;
	v4 =	vperm.xlane v4, v2;
	_ =	sdelay $0x1  }
0x6e: {  	v5 =	vperm.xlane v5, v1;
	v6 =	vperm.xlane v6, v2;
	v3 =	vadd.f32 v4, v3;
	_ =	sdelay $0x1  }
0x6f: {  	s14 =	simm.s32 $0x100;
	v4 =	vadd.f32 v6, v5;
	v5 =	vmul.f32 $2.000000030e-01, v3  }
0x70: {  	v7 =	vld [tilespmem:s14+$0x210]  }
0x71: {  	v8 =	vld [tilespmem:s14+$0x4210];
	v3 =	vmax.f32 v3, v5  }
0x72: {  	v3 =	vmul.f32 $1.442695020e+00, v3  }
0x73: {  	v6 =	vmul.f32 $2.000000030e-01, v4  }
0x74: {  	(erf) = vpow2.f32 v3  }
0x75: {  	v5 =	vperm.xlane v7, v1;
	v6 =	vmax.f32 v4, v6  }
0x76: {  	s17 =	simm.s32 $0x180;
	v7 =	vperm.xlane v8, v2;
	v8 =	vmul.f32 $1.442695020e+00, v6  }
0x77: {  	v4 =	vld [tilespmem:s17+$0x210]  }
0x78: {  	v6 =	vadd.f32 v7, v5;
	v5 =	vld [tilespmem:s17+$0x4210];
	(erf) = vpow2.f32 v8  }
0x79: {  	v3 =	vld [tilespmem:s16+$0x200];
	_ =	sdelay $0x1  }
0x7a: {  	s18 =	simm.s32 $0x800;
	v7 =	vmul.f32 $2.000000030e-01, v6  }
.LBB2_5:
0x7b: {  	s19 =	sshra.s32 s18, $0x2;
	p0 =	sne.s32 s18, $0x7E00  }
.Ltmp3:
0x7c: {  	s18 =	sadd.s32 $0x200, s18;
	v8 =	vperm.xlane v4, v1;
	v4 =	vld [tilespmem:s19+$0x210];
	v9 =	vperm.xlane v5, v2;
	v6 =	vmax.f32 v6, v7;
	v7 =	vpop (erf);
	(pc) =	sbr.rel @p0 .LBB2_5-.Ltmp3, $4  }
0x7d: {  	v5 =	vld [tilespmem:s19+$0x4210];
	v10 =	vmul.f32 $1.442695020e+00, v6;
	v11 =	vmul.f32 v7, v3;
	v7 =	vnsel vm0, $0x0, v7  }
0x7e: {  	v6 =	vadd.f32 v9, v8;
	v3 =	vld [tilespmem:s15+$0x200];
	[tilespmem:s16+$0x8210] =	vst v7  }
0x7f: {  	(erf) = vpow2.f32 v10;
	[tilespmem:s16+$0x8200] =	vst v11;
	s16 =	smov.u32 s15;
	s15 =	smov.u32 s14;
	s14 =	smov.u32 s17  }
0x80: {  	s17 =	smov.u32 s19;
	v7 =	vmul.f32 $2.000000030e-01, v6  }
0x81: {  	_ = 	snop  }
0x82: {  	v4 =	vperm.xlane v4, v1;
	v5 =	vperm.xlane v5, v2;
	_ =	sdelay $0x1  }
0x83: {  	v4 =	vadd.f32 v5, v4;
	_ =	sdelay $0x1  }
0x84: {  	v5 =	vmax.f32 v6, v7;
	v6 =	vmul.f32 $2.000000030e-01, v4;
	_ =	sdelay $0x1  }
0x85: {  	v5 =	vmul.f32 $1.442695020e+00, v5;
	_ =	sdelay $0x1  }
0x86: {  	v4 =	vmax.f32 v4, v6;
	v6 =	vpop (erf);
	(erf) = vpow2.f32 v5  }
0x87: {  	v7 =	vld [tilespmem:s15+$0x200];
	v4 =	vmul.f32 $1.442695020e+00, v4  }
0x88: {  	v3 =	vmul.f32 v6, v3;
	v5 =	vnsel vm0, $0x0, v6  }
0x89: {  	[tilespmem:s16+$0x8210] =	vst v5  }
0x8a: {  	(erf) = vpow2.f32 v4;
	[tilespmem:s16+$0x8200] =	vst v3  }
0x8b: {  	v4 =	vpop (erf);
	v5 =	vld [tilespmem:s14+$0x200]  }
0x8c: {  	v3 =	vmul.f32 v4, v7;
	v4 =	vnsel vm0, $0x0, v4  }
0x8d: {  	[tilespmem:s15+$0x8210] =	vst v4  }
0x8e: {  	[tilespmem:s15+$0x8200] =	vst v3  }
0x8f: {  	v3 =	vld [tilespmem:s17+$0x200];
	v4 =	vpop (erf)  }
0x90: {  	v5 =	vmul.f32 v4, v5;
	v4 =	vnsel vm0, $0x0, v4;
	_ =	sdelay $0x2  }
0x91: {  	[tilespmem:s14+$0x8210] =	vst v4;
	v4 =	vpop (erf)  }
0x92: {  	[tilespmem:s14+$0x8200] =	vst v5;
	v3 =	vmul.f32 v4, v3;
	v4 =	vnsel vm0, $0x0, v4  }
0x93: {  	[tilespmem:s17+$0x8210] =	vst v4  }
0x94: {  	[tilespmem:s17+$0x8200] =	vst v3  }
0x95: {  	_ =	swait.ge [sflag:s28], $0x80  }
0x96: {  	[sflag:s28] =	ssyncset.done $0x0  }
0x97: {  	[sflag:s28] =	ssyncadd.s32 $0xFFFFFF80  }
0x98: {  	_ =	swait.ge [sflag:s28], $0x80  }
0x99: {  	p0 =	seq.s32 s13, $0x50;
	s14 =	sshll.u32 s13, $0x8;
	[sflag:s28] =	ssyncset.done $0x0  }
0x9a: {  	s15 =	sadd.s32 @!p0 $0x100, s14;
	[sflag:s28] =	ssyncadd.s32 $0xFFFFFF80  }
0x9b: {  	[tilespmem:s9], [sflag:$0x2] =	stream.indirect.gather [hbm4b:s6+s29], $0x80, s0, s29, $0xb8;
	[tilespmem:$0xF200] =	vst v63  }
0x9c: {  	s16 =	sand.u32 @!p0 $0xFC00, s15  }
0x9d: {  	[tilespmem:s10], [sflag:$0x2] =	stream.indirect.gather [hbm4b:s6+s29], $0x80, s2, s29, $0xb8;
	[tilespmem:$0xF200] =	vst v63  }
0x9e: {  	s15 =	sand.u32 @!p0 $0x300, s15;
	s16 =	sadd.s32 @!p0 s11, s16  }
0x9f: {  	[spmem:s1] =	stream.indirect.scatter.add.f32 [tilespmem:s24], [sflag:$0x3], $0x20, s26, s29, $0xb8;
	[tilespmem:$0xF200] =	vst v63  }
0xa0: {  	s15 =	sor.u32 @!p0 s15, s16;
	_ =	swait.ge [sflag:s25], $0x800  }
0xa1: {  	s15 =	sshrl.u32 @!p0 s15, $0x3;
	[sflag:s25] =	ssyncset.done $0x0  }
0xa2: {  	s17 =	simm.s32 @!p0 $0x0;
	s16 =	sadd.s32 @!p0 s4, s15;
	[sflag:s25] =	ssyncadd.s32 $0xFFFFF800  }
0xa3: {  	[tilespmem:s17], [sflag:$0x1] =	stream.linear.gather @!p0 [hbm4b:s16+s17], $0x80, $0x38;
	[tilespmem:$0xF200] =	vst v63  }
0xa4: {  	s15 =	sadd.s32 @!p0 s5, s15;
	s16 =	simm.s32 @!p0 $0x100  }
0xa5: {  	[tilespmem:s16], [sflag:$0x1] =	stream.linear.gather @!p0 [hbm4b:s15+s17], $0x80, $0x38;
	[tilespmem:$0xF200] =	vst v63  }
0xa6: {  	_ =	swait.ge [sflag:s8], $0x2000  }
0xa7: {  	[sflag:s8] =	ssyncset.done $0x0  }
0xa8: {  	[sflag:s8] =	ssyncadd.s32 $0xFFFFE000  }
0xa9: {  	_ =	swait.ge [sflag:s8], $0x2000  }
0xaa: {  	[sflag:s8] =	ssyncset.done $0x0  }
0xab: {  	s17 =	simm.s32 $0x0;
	[sflag:s8] =	ssyncadd.s32 $0xFFFFE000  }
0xac: {  	v3 =	vld [tilespmem:s17+$0x2210]  }
0xad: {  	s16 =	simm.s32 $0x80;
	v4 =	vld [tilespmem:s17+$0x6210]  }
0xae: {  	v5 =	vld [tilespmem:s16+$0x2210]  }
0xaf: {  	v6 =	vld [tilespmem:s16+$0x6210];
	_ =	sdelay $0x2  }
0xb0: {  	v3 =	vperm.xlane v3, v1;
	v4 =	vperm.xlane v4, v2;
	_ =	sdelay $0x1  }
0xb1: {  	v5 =	vperm.xlane v5, v1;
	v6 =	vperm.xlane v6, v2;
	v3 =	vadd.f32 v4, v3;
	_ =	sdelay $0x1  }
0xb2: {  	s15 =	simm.s32 $0x100;
	v4 =	vadd.f32 v6, v5;
	v5 =	vmul.f32 $2.000000030e-01, v3  }
0xb3: {  	v7 =	vld [tilespmem:s15+$0x2210]  }
0xb4: {  	v8 =	vld [tilespmem:s15+$0x6210];
	v3 =	vmax.f32 v3, v5  }
0xb5: {  	v3 =	vmul.f32 $1.442695020e+00, v3  }
0xb6: {  	v6 =	vmul.f32 $2.000000030e-01, v4  }
0xb7: {  	(erf) = vpow2.f32 v3  }
0xb8: {  	v5 =	vperm.xlane v7, v1;
	v6 =	vmax.f32 v4, v6  }
0xb9: {  	s18 =	simm.s32 $0x180;
	v7 =	vperm.xlane v8, v2;
	v8 =	vmul.f32 $1.442695020e+00, v6  }
0xba: {  	v4 =	vld [tilespmem:s18+$0x2210]  }
0xbb: {  	v6 =	vadd.f32 v7, v5;
	v5 =	vld [tilespmem:s18+$0x6210];
	(erf) = vpow2.f32 v8  }
0xbc: {  	v3 =	vld [tilespmem:s17+$0x2200];
	_ =	sdelay $0x1  }
0xbd: {  	s19 =	simm.s32 $0x800;
	v7 =	vmul.f32 $2.000000030e-01, v6  }
.LBB2_7:
0xbe: {  	s20 =	sshra.s32 s19, $0x2;
	p1 =	sne.s32 s19, $0x7E00  }
.Ltmp4:
0xbf: {  	s19 =	sadd.s32 $0x200, s19;
	v8 =	vperm.xlane v4, v1;
	v4 =	vld [tilespmem:s20+$0x2210];
	v9 =	vperm.xlane v5, v2;
	v6 =	vmax.f32 v6, v7;
	v7 =	vpop (erf);
	(pc) =	sbr.rel @p1 .LBB2_7-.Ltmp4, $4  }
0xc0: {  	v5 =	vld [tilespmem:s20+$0x6210];
	v10 =	vmul.f32 $1.442695020e+00, v6;
	v11 =	vmul.f32 v7, v3;
	v7 =	vnsel vm0, $0x0, v7  }
0xc1: {  	v6 =	vadd.f32 v9, v8;
	v3 =	vld [tilespmem:s16+$0x2200];
	[tilespmem:s17+$0x8210] =	vst v7  }
0xc2: {  	(erf) = vpow2.f32 v10;
	[tilespmem:s17+$0x8200] =	vst v11;
	s17 =	smov.u32 s16;
	s16 =	smov.u32 s15;
	s15 =	smov.u32 s18  }
0xc3: {  	s18 =	smov.u32 s20;
	v7 =	vmul.f32 $2.000000030e-01, v6  }
0xc4: {  	_ = 	snop  }
0xc5: {  	v4 =	vperm.xlane v4, v1;
	v5 =	vperm.xlane v5, v2;
	_ =	sdelay $0x1  }
0xc6: {  	v4 =	vadd.f32 v5, v4;
	_ =	sdelay $0x1  }
0xc7: {  	v56 =	vmax.f32 v6, v7;
	v57 =	vmul.f32 $2.000000030e-01, v4  }
0xc8: {  	v58 =	vld [tilespmem:s16+$0x2200];
	v5 =	vmul.f32 $1.442695020e+00, v56  }
0xc9: {  	v4 =	vmax.f32 v4, v57  }
0xca: {  	v59 =	vpop (erf);
	(erf) = vpow2.f32 v5;
	v4 =	vmul.f32 $1.442695020e+00, v4  }
0xcb: {  	v3 =	vmul.f32 v59, v3  }
0xcc: {  	v61 =	vpop (erf);
	(erf) = vpow2.f32 v4  }
0xcd: {  	v60 =	vnsel vm0, $0x0, v59;
	[tilespmem:s17+$0x8200] =	vst v3;
	v3 =	vmul.f32 v61, v58  }
0xce: {  	[tilespmem:s17+$0x8210] =	vst v60  }
0xcf: {  	v5 =	vld [tilespmem:s15+$0x2200];
	v4 =	vnsel vm0, $0x0, v61;
	[tilespmem:s16+$0x8200] =	vst v3  }
0xd0: {  	[tilespmem:s16+$0x8210] =	vst v4  }
0xd1: {  	v3 =	vld [tilespmem:s18+$0x2200];
	_ =	sdelay $0x1  }
0xd2: {  	v62 =	vpop (erf)  }
.Ltmp5:
0xd3: {  	v5 =	vmul.f32 v62, v5;
	v4 =	vnsel vm0, $0x0, v62;
	(pc) =	sbr.rel @p0 .LBB2_10-.Ltmp5, $4  }
0xd4: {  	[tilespmem:s15+$0x8210] =	vst v4;
	v63 =	vpop (erf)  }
0xd5: {  	[tilespmem:s15+$0x8200] =	vst v5;
	v3 =	vmul.f32 v63, v3;
	v4 =	vnsel vm0, $0x0, v63  }
0xd6: {  	[tilespmem:s18+$0x8210] =	vst v4  }
0xd7: {  	[tilespmem:s18+$0x8200] =	vst v3  }
0xd8: {  	_ =	swait.ge [sflag:s28], $0x80  }
0xd9: {  	[sflag:s28] =	ssyncset.done $0x0  }
0xda: {  	[sflag:s28] =	ssyncadd.s32 $0xFFFFFF80  }
0xdb: {  	_ =	swait.ge [sflag:s28], $0x80  }
0xdc: {  	[sflag:s28] =	ssyncset.done $0x0  }
0xdd: {  	s14 =	sadd.s32 $0x180, s14;
	[sflag:s28] =	ssyncadd.s32 $0xFFFFFF80  }
0xde: {  	[tilespmem:s30], [sflag:$0x2] =	stream.indirect.gather [hbm4b:s6+s29], $0x80, s3, s29, $0xb8;
	[tilespmem:$0xF200] =	vst v63  }
0xdf: {  	s15 =	sand.u32 $0xFC00, s14  }
0xe0: {  	[tilespmem:s31], [sflag:$0x2] =	stream.indirect.gather [hbm4b:s6+s29], $0x80, s26, s29, $0xb8;
	[tilespmem:$0xF200] =	vst v63  }
0xe1: {  	s14 =	sand.u32 $0x380, s14;
	s15 =	sadd.s32 s11, s15  }
0xe2: {  	[spmem:s1] =	stream.indirect.scatter.add.f32 [tilespmem:s24], [sflag:$0x3], $0x20, s2, s29, $0xb8;
	[tilespmem:$0xF200] =	vst v63  }
0xe3: {  	s14 =	sor.u32 s14, s15;
	_ =	swait.ge [sflag:s25], $0x800  }
.Ltmp6:
0xe4: {  	s14 =	sshrl.u32 s14, $0x3;
	[sflag:s25] =	ssyncset.done $0x0;
	(pc) =	sbr.rel .LBB2_4-.Ltmp6, $4  }
0xe5: {  	s20 =	sadd.s32 s4, s14;
	[sflag:s25] =	ssyncadd.s32 $0xFFFFF800  }
0xe6: {  	[tilespmem:s0], [sflag:$0x1] =	stream.linear.gather [hbm4b:s20+s3], $0x80, $0x38;
	[tilespmem:$0xF200] =	vst v63  }
0xe7: {  	s13 =	sadd.s32 $0x1, s13;
	s14 =	sadd.s32 s5, s14  }
0xe8: {  	[tilespmem:s2], [sflag:$0x1] =	stream.linear.gather [hbm4b:s14+s3], $0x80, $0x38;
	[tilespmem:$0xF200] =	vst v63  }
.LBB2_11:
0xe9: {  	_ =	sfence.sel $0x180000  }
0xea: {  	[bflag:$0x0] =	sbarrier.arrive $0xFFFF  }
0xeb: {  	_ =	strace $0x9000004A  }
0xec: {  	s0 =	stileid.u32;
	[bflag:$0x2] =	sbarrier.arrive $0xFFFF  }
0xed: {  	p0 =	sne.s32 s0, $0x0;
	s0 =	rddreg [dreg:$0x2]  }
0xee: {  	s0 =	sadd.s32 @!p0 $0x100000, s0  }
0xef: {  	[sflag:s0] =	ssyncadd.tile.s32 @!p0 $0x1;
	_ =	shalt  }
.Lfunc_end2:
_tile_overlayer_lowered:
.L_overlay_start_2:
0xf0: {  	(tag) =	ssettag $0x2  }
0xf1: {  	s0 =	rddreg [dreg:$0x0];
	s2 =	stileid.u32  }
0xf2: {  	s1 =	rddreg [dreg:$0x1];
	p0 =	sne.s32 s2, $0x0  }
0xf3: {  	s3 =	rddreg [dreg:$0x2];
	[bflag:$0x3] =	sbarrier.arrive $0xFFFF;
	s2 =	simm.s32 @!p0 $0x1C03  }
0xf4: {  	[timem:s3], [sflag:s2] =	dma.local @!p0 [hbm:s0], s1  }
0xf5: {  	s0 =	simm.s32 @!p0 $0x3  }
0xf6: {  	_ =	swait.ge @!p0 [sflag:s0], s1  }
0xf7: {  	s1 =	ssub.s32 @!p0 $0x0, s1;
	[sflag:s0] =	ssyncset.done @!p0 $0x0  }
0xf8: {  	[sflag:s0] =	ssyncadd.s32 @!p0 s1  }
0xf9: {  	[bflag:$0x3] =	sbarrier.arrive $0xFFFF  }
0xfa: {  	_ =	shalt  }

// kernel: kernel.7.cloned.1.call-start
scs
__scs_entry_jumppad:
0x0: {  	(pc) =	sbr.rel $0x88, $3  }
0x1: {  	(tag) =	ssettag $0x0;
	lr =	simm.s32 $0x1  }
0x2: {  	[smem:$0x3F97] =	sst lr;
	_ =	strace $0xD0000000  }
0x3: {  	_ = 	snop  }
0x4: {  	_ = 	snop  }
0x5: {  	_ = 	snop  }
0x6: {  	_ = 	snop  }
0x7: {  	_ = 	snop  }
__scs_overlays_trampoline_lowered:
0x8: {  	[smem:$0x3FA6] =	sst s0  }
0x9: {  	[smem:$0x3FA7] =	sst s1  }
0xa: {  	[smem:$0x3FA8] =	sst s2  }
0xb: {  	[smem:$0x3FA9] =	sst s3  }
0xc: {  	[smem:$0x3FAA] =	sst s4  }
0xd: {  	[smem:$0x3FAB] =	sst s5  }
0xe: {  	[smem:$0x3FAC] =	sst s6  }
0xf: {  	[smem:$0x3FAD] =	sst s7  }
0x10: {  	[smem:$0x3FAE] =	sst s8  }
0x11: {  	[smem:$0x3FAF] =	sst s9;
	s0 =	simm.s32 @!p0 $0x0  }
0x12: {  	s1 =	sld [smem:$0x3F95];
	s0 =	simm.s32 @p0 $0x1  }
0x13: {  	[smem:$0x3FB0] =	sst s0;
	s0 =	simm.s32 @!p1 $0x0  }
0x14: {  	s2 =	sld [smem:$0x3F94];
	s0 =	simm.s32 @p1 $0x1  }
0x15: {  	[smem:$0x3FB1] =	sst s0;
	s0 =	simm.s32 @!p2 $0x0  }
0x16: {  	s3 =	sld [smem:$0x3FDB];
	s0 =	simm.s32 @p2 $0x1  }
0x17: {  	s4 =	simm.s32 $0x1BF5;
	[smem:$0x3FB3] =	sst s0  }
0x18: {  	s0 =	sld [smem:$0x3F96];
	_ =	swait.ge [sflag:s4], $0x0  }
0x19: {  	s7 =	sld [smem:$0x3F97]  }
0x1a: {  	s8 =	sadd.s32 $0xFFFFE003, lr  }
0x1b: {  	s9 =	sadd.s32 $0xFFFFFEF7, lr;
	s5 =	simm.s32 $0xFFFFFFFF;
	p2 =	slt.u32 s8, $0xFFFFF086  }
0x1c: {  	p1 =	slt.u32 s9, $0xF7A;
	s5 =	simm.s32 @!p2 $0x0  }
0x1d: {  	s5 =	simm.s32 @p1 $0x1;
	p0 =	seq.s32 s7, s2  }
0x1e: {  	s7 =	smul.u32 @!p0 $0xF7A, s2;
	p2 =	seq.s32 @!p0 s5, $0x0  }
0x1f: {  	s9 =	smul.u32 $0xF7A, s1;
	s8 =	simm.s32 @!p0 $0x1BF5;
	p2 =	por !p2, p0  }
0x20: {  	[sflag:s8] =	ssyncset.s32 @!p0 $0xFFFFF086;
	s6 =	sadd.s32 @!p0 s3, s7;
	s7 =	simm.s32 @!p0 $0x108  }
0x21: {  	s3 =	sadd.s32 s3, s9;
	s6 =	sadd.s32 @!p0 $0x88, s6;
	s7 =	simm.s32 @p2 $0x1082  }
0x22: {  	[simem:s7], [sflag:s8] =	dma.local @!p0 [hbm:s6], $0xF7A  }
0x23: {  	s9 =	sor.u32 $0xD0000000, s2;
	s6 =	simm.s32 $0x108;
	_ =	swait.ge @!p0 [sflag:s8], $0x0  }
0x24: {  	s3 =	sadd.s32 $0x88, s3;
	s6 =	simm.s32 @!p1 $0x1082;
	[sflag:s4] =	ssyncset.s32 $0xFFFFF086  }
0x25: {  	[simem:s6], [sflag:s4] =	dma.local [hbm:s3], $0xF7A  }
0x26: {  	[smem:$0x3F97] =	sst s1;
	(tag) =	ssettag s2;
	_ =	strace s9  }
0x27: {  	s1 =	sld [smem:$0x3FA7]  }
0x28: {  	s2 =	sld [smem:$0x3FA8]  }
0x29: {  	s4 =	sld [smem:$0x3FAA]  }
0x2a: {  	p0 =	seq.s32 s5, $0x0;
	s5 =	sld [smem:$0x3FAB]  }
0x2b: {  	s6 =	sld [smem:$0x3FAC]  }
0x2c: {  	s7 =	sld [smem:$0x3FAD]  }
0x2d: {  	s3 =	simm.s32 $0x108;
	s8 =	sld [smem:$0x3FAE]  }
0x2e: {  	s3 =	simm.s32 @!p0 $0x1082;
	s9 =	sld [smem:$0x3FAF]  }
0x2f: {  	lr =	sadd.s32 s0, s3;
	s0 =	sld [smem:$0x3FA6]  }
0x30: {  	s3 =	sld [smem:$0x3FA9]  }
0x31: {  	[smem:$0x3FB2] =	sst s10  }
0x32: {  	s10 =	sld [smem:$0x3FB0];
	_ =	sdelay $0x3  }
0x33: {  	p0 =	seq.s32 s10, $0x1;
	s10 =	sld [smem:$0x3FB2];
	_ =	sdelay $0x3  }
0x34: {  	[smem:$0x3FB2] =	sst s10  }
0x35: {  	s10 =	sld [smem:$0x3FB1];
	_ =	sdelay $0x3  }
0x36: {  	p1 =	seq.s32 s10, $0x1;
	s10 =	sld [smem:$0x3FB2];
	_ =	sdelay $0x3  }
0x37: {  	[smem:$0x3FB2] =	sst s10  }
0x38: {  	s10 =	sld [smem:$0x3FB3]  }
0x39: {  	_ = 	snop;
	(pc) =	sbr.ind lr, $3  }
0x3a: {  	_ = 	snop  }
0x3b: {  	_ = 	snop  }
0x3c: {  	p2 =	seq.s32 s10, $0x1;
	s10 =	sld [smem:$0x3FB2]  }
0x3d: {  	_ =	shalt  }
0x3e: {  	_ =	shalt  }
0x3f: {  	_ =	shalt  }
0x40: {  	_ =	shalt  }
0x41: {  	_ =	shalt  }
0x42: {  	_ =	shalt  }
0x43: {  	_ =	shalt  }
0x44: {  	_ =	shalt  }
0x45: {  	_ =	shalt  }
0x46: {  	_ =	shalt  }
0x47: {  	_ =	shalt  }
0x48: {  	_ =	shalt  }
0x49: {  	_ =	shalt  }
0x4a: {  	_ =	shalt  }
0x4b: {  	_ =	shalt  }
0x4c: {  	_ =	shalt  }
0x4d: {  	_ =	shalt  }
0x4e: {  	_ =	shalt  }
0x4f: {  	_ =	shalt  }
0x50: {  	_ =	shalt  }
0x51: {  	_ =	shalt  }
0x52: {  	_ =	shalt  }
0x53: {  	_ =	shalt  }
0x54: {  	_ =	shalt  }
0x55: {  	_ =	shalt  }
0x56: {  	_ =	shalt  }
0x57: {  	_ =	shalt  }
0x58: {  	_ =	shalt  }
0x59: {  	_ =	shalt  }
0x5a: {  	_ =	shalt  }
0x5b: {  	_ =	shalt  }
0x5c: {  	_ =	shalt  }
0x5d: {  	_ =	shalt  }
0x5e: {  	_ =	shalt  }
0x5f: {  	_ =	shalt  }
0x60: {  	_ =	shalt  }
0x61: {  	_ =	shalt  }
0x62: {  	_ =	shalt  }
0x63: {  	_ =	shalt  }
0x64: {  	_ =	shalt  }
0x65: {  	_ =	shalt  }
0x66: {  	_ =	shalt  }
0x67: {  	_ =	shalt  }
0x68: {  	_ =	shalt  }
0x69: {  	_ =	shalt  }
0x6a: {  	_ =	shalt  }
0x6b: {  	_ =	shalt  }
0x6c: {  	_ =	shalt  }
0x6d: {  	_ =	shalt  }
0x6e: {  	_ =	shalt  }
0x6f: {  	_ =	shalt  }
0x70: {  	_ =	shalt  }
0x71: {  	_ =	shalt  }
0x72: {  	_ =	shalt  }
0x73: {  	_ =	shalt  }
0x74: {  	_ =	shalt  }
0x75: {  	_ =	shalt  }
0x76: {  	_ =	shalt  }
0x77: {  	_ =	shalt  }
0x78: {  	_ =	shalt  }
0x79: {  	_ =	shalt  }
0x7a: {  	_ =	shalt  }
0x7b: {  	_ =	shalt  }
0x7c: {  	_ =	shalt  }
0x7d: {  	_ =	shalt  }
0x7e: {  	_ =	shalt  }
0x7f: {  	_ =	shalt  }
0x80: {  	_ =	shalt  }
0x81: {  	_ =	shalt  }
0x82: {  	_ =	shalt  }
0x83: {  	_ =	shalt  }
0x84: {  	_ =	shalt  }
0x85: {  	_ =	shalt  }
0x86: {  	_ =	shalt  }
0x87: {  	_ =	shalt  }
.Lfunc_end0:
.L_simem_size_0:
called_computation_lowered:
.L_overlay_start_0:
0x88: {  	s2 =	sld [smem:$0x3FD9]  }
0x89: {  	s3 =	sld [smem:$0x3FFE];
	_ =	sdelay $0x1  }
0x8a: {  	s1 =	srdreg.scid  }
0x8b: {  	s0 =	sand.u32 $0x1, s1  }
0x8c: {  	s16 =	sshll.u32 s0, $0xA;
	s2 =	sadd.s32 s3, s2  }
0x8d: {  	s2 =	sadd.s32 s2, s16  }
0x8e: {  	[smem:$0x3FBE] =	sst s2  }
0x8f: {  	_ = 	snop  }
0x90: {  	(tm) =	ssettm $0x1  }
0x91: {  	s17 =	sld [smem:$0x3FFB];
	_ =	sdelay $0x3  }
0x92: {  	_ =	strace s17  }
0x93: {  	s2 =	sld [smem:$0x3FFC];
	_ =	sdelay $0x3  }
0x94: {  	_ =	strace s2  }
0x95: {  	s2 =	sld [smem:$0x3FFD];
	_ =	sdelay $0x3  }
0x96: {  	_ =	strace s2  }
0x97: {  	_ =	strace $0x8FFFFFFF  }
0x98: {  	s18 =	sld [smem:$0x3FDB];
	_ =	sdelay $0x1  }
0x99: {  	s19 =	simm.s32 $_scs_section_size  }
0x9a: {  	s4 =	simm.s32 $_size__tile_overlayer_lowered;
	s5 =	simm.s32 $_tile_overlayer_lowered  }
0x9b: {  	s22 =	simm.s32 $0x1BFF;
	s21 =	sshll.u32 s5, $0x1;
	s2 =	sadd.s32 s19, s18  }
0x9c: {  	s6 =	simm.s32 $0x0;
	s20 =	sshll.u32 s4, $0x1;
	s4 =	sadd.s32 s21, s2  }
0x9d: {  	[timem:s6], [sflag:s22] =	dma.local [hbm:s4], s20  }
0x9e: {  	_ =	swait.ge [sflag:s22], s20  }
0x9f: {  	s3 =	ssub.s32 $0x0, s20;
	[sflag:s22] =	ssyncset.done $0x0  }
0xa0: {  	[sflag:s22] =	ssyncadd.s32 s3;
	_ =	sdelay $0x1  }
0xa1: {  	s23 =	simm.s32 $0x1B8B  }
0xa2: {  	_ =	swait.ge [sflag:s23], $0x1  }
0xa3: {  	[sflag:s23] =	ssyncset.done $0x0  }
0xa4: {  	s25 =	simm.s32 $0x1B8E;
	s24 =	sld [smem:$0x3FFE];
	[sflag:s23] =	ssyncadd.s32 $0xFFFFFFFF  }
0xa5: {  	s26 =	simm.s32 $execute0_lowered;
	[smem:$0x3FD2] =	sst s25  }
0xa6: {  	s4 =	sshll.u32 s26, $0x1;
	_ =	strace $0x80000046;
	[dreg:$0x1] =	wrdreg $0xFFFFFFFF  }
0xa7: {  	s28 =	simm.s32 $_size_execute0_lowered;
	s2 =	sadd.s32 s2, s4;
	[dreg:$0x0] =	wrdreg $0x0  }
0xa8: {  	s4 =	sshll.u32 s28, $0x1;
	[dreg:$0x2] =	wrdreg s2  }
0xa9: {  	[dreg:$0x3] =	wrdreg s4  }
0xaa: {  	[dreg:$0x4] =	wrdreg $0xC0  }
0xab: {  	_ =	task [dreg:s6], $0x5FFFF  }
0xac: {  	[dreg:$0x1] =	wrdreg $0xFFFFFFFF  }
0xad: {  	[dreg:$0x0] =	wrdreg $0x60  }
0xae: {  	[dreg:$0x2] =	wrdreg s24  }
0xaf: {  	[dreg:$0x3] =	wrdreg $0xA2000  }
0xb0: {  	[dreg:$0x4] =	wrdreg $0x9  }
0xb1: {  	_ =	task.clear_ibuf [dreg:s6], $0x5FFFF;
	_ =	strace $0x90000046  }
0xb2: {  	s29 =	simm.s32 $0x9;
	_ =	strace $0x80000048  }
0xb3: {  	_ =	swait.ge [sflag:s29], $0x1  }
0xb4: {  	[sflag:s29] =	ssyncadd.s32 $0xFFFFFFFF  }
0xb5: {  	_ =	strace $0x90000048  }
0xb6: {  	_ =	sfence  }
0xb7: {  	s30 =	sld [smem:$0x0];
	_ =	sdelay $0x2  }
0xb8: {  	s31 =	sshll.u32 s1, $0xD;
	s1 =	sshrl.u32 s1, $0x2  }
0xb9: {  	s3 =	sand.u32 $0x4000, s31;
	s1 =	sadd.s32 s1, s30  }
0xba: {  	s0 =	sor.u32 s3, s0;
	s1 =	sshll.u32 s1, $0x11  }
0xbb: {  	s0 =	sor.u32 s1, s0  }
0xbc: {  	s0 =	sadd.s32 $0x8F2B, s0  }
0xbd: {  	[sflag:s0] =	ssyncadd.remote.s32 $0x1  }
0xbe: {  	_ =	sfence.sel $0xFFFF  }
0xbf: {  	[dreg:$0x0] =	wrdreg $0xFFFFFFFF;
	(pc) =	sbr.abs _section_cstart, $3  }
0xc0: {  	[dreg:$0x1] =	wrdreg $0xFFFFFFFF  }
0xc1: {  	_ =	task.clear_ibuf [dreg:s6], $0x2FFFF;
	_ =	strace $0x9FFFFFFF  }
0xc2: {  	(tm) =	ssettm $0x7FFFFFFF  }
0xc3: {  	_ =	shalt  }
tec
execute0_lowered:
.L_overlay_start_1:
0x0: {  	(tag) =	ssettag $0x1  }
0x1: {  	s0 =	rddreg [dreg:$0x0]  }
0x2: {  	s1 =	rddreg [dreg:$0x1]  }
0x3: {  	s2 =	srdreg.scid;
	s3 =	simm.s32 $0x0;
	s10 =	stileid.u32  }
0x4: {  	s28 =	simm.s32 $0x1;
	s2 =	sand.u32 $0x1, s2;
	s6 =	smul.u32 $0x14000, s10  }
0x5: {  	s29 =	simm.s32 $0x40;
	s30 =	simm.s32 $0x200;
	s5 =	smul.u32 $0x140000, s2  }
0x6: {  	s31 =	simm.s32 $0x4200;
	[smem:$0x7FF] =	sst s3;
	s8 =	smul.u32 $0x50000, s10  }
0x7: {  	s4 =	sadd.s32 $0x1A00, s0;
	_ =	strace $0x80000047;
	s7 =	sadd.s32 s6, s5  }
0x8: {  	s12 =	sshrl.u32 s8, $0x2;
	s5 =	sadd.s32 $0x16A00, s0;
	s7 =	sshrl.u32 s7, $0x3  }
0x9: {  	s6 =	sadd.s32 $0x2BA00, s0;
	s0 =	sadd.s32 s7, s0;
	s7 =	sadd.s32 s12, s1  }
0xa: {  	s9 =	ssub.s32 $0x2, s2;
	s2 =	sshll.u32 s2, $0x4;
	s14 =	sadd.s32 $0x2000, s7  }
0xb: {  	s13 =	sshrl.u32 s9, $0x1;
	s15 =	sadd.s32 $0x4000, s7;
	[dreg:$0x3] =	wrdreg s14  }
0xc: {  	s2 =	sor.u32 s10, s2;
	s16 =	sadd.s32 $0x6000, s7;
	[dreg:$0x4] =	wrdreg s15  }
0xd: {  	s10 =	simm.s32 $0x6200;
	s17 =	sadd.s32 $0x8000, s7;
	[dreg:$0x5] =	wrdreg s16  }
0xe: {  	s8 =	ssub.s32 s9, s13;
	s18 =	sadd.s32 $0xA000, s7;
	[dreg:$0x6] =	wrdreg s17  }
0xf: {  	s11 =	smul.u32 $0x5400, s2;
	s19 =	sadd.s32 $0xC000, s7;
	[dreg:$0x7] =	wrdreg s18  }
0x10: {  	s9 =	simm.s32 $0x2200;
	s20 =	sadd.s32 $0xE000, s7;
	[dreg:$0x8] =	wrdreg s19  }
0x11: {  	s22 =	sshrl.u32 s11, $0x3;
	s21 =	sadd.s32 $0x10000, s7;
	[dreg:$0x9] =	wrdreg s20  }
0x12: {  	s12 =	simm.s32 $0x0;
	s23 =	sadd.s32 $0x12000, s7;
	[dreg:$0xa] =	wrdreg s21  }
0x13: {  	v0 =	vimm.s32 $0xFEDCBA98;
	s24 =	sadd.s32 s4, s22;
	s25 =	sor.u32 $0x10, s22;
	[dreg:$0xb] =	wrdreg s23  }
.Ltmp0:
0x14: {  	v0 =	vunpack.c.l.s4.s8 v0;
	s2 =	sadd.s32 s5, s22;
	[dreg:$0xc] =	wrdreg s24;
	(pc) =	sbr.rel .LBB2_1-.Ltmp0, $4  }
0x15: {  	v2 =	vlaneseq.u32;
	s22 =	sadd.s32 $0x53A00, s0;
	s0 =	simm.s32 $0x80;
	[dreg:$0xd] =	wrdreg s2  }
0x16: {  	vm0 =	vcmask $0x1F00;
	v2 =	vshrl.u32 v2, $0x3;
	v1 =	vunpack.c.0.s8.s32 v0;
	s26 =	sadd.s32 s4, s25;
	s21 =	sadd.s32 s5, s25;
	s23 =	smax.u32 s8, $0x1  }
0x17: {  	v3 =	vor.u32 $0x2, v2;
	v4 =	vor.u32 $0x4, v2;
	v5 =	vor.u32 $0x6, v2;
	s24 =	simm.s32 $0x8200;
	s25 =	simm.s32 $0x3;
	s2 =	simm.s32 $0x180  }
0x18: {  	v0 =	vimm.f32 $0.0e+00;
	v1 =	vnsel vm0, $0xF, v1;
	vm0 =	vmmov $0xff;
	s8 =	simm.s32 $0x2;
	[dreg:$0xe] =	wrdreg s26;
	s26 =	simm.s32 $0x100  }
.LBB2_10:
0x19: {  	[spmem:s1] =	stream.indirect.scatter.add.f32 [tilespmem:s24], [sflag:$0x3], $0x50, s2, s29, $0xb8;
	[tilespmem:$0x16A00] =	vst v63  }
0x1a: {  	s13 =	stileid.u32;
	_ =	swait.ge [sflag:s25], $0x1400  }
0x1b: {  	s14 =	sshrl.u32 s7, $0x3;
	s12 =	sadd.s32 $0x1, s12;
	[sflag:s25] =	ssyncset.done $0x0  }
0x1c: {  	s13 =	sshll.u32 s13, $0x6;
	p0 =	sne.s32 s12, s23;
	[sflag:s25] =	ssyncadd.s32 $0xFFFFEC00  }
.Ltmp1:
0x1d: {  	s13 =	sor.u32 $0x1C03, s13;
	[bflag:$0x0] =	sbarrier.arrive $0xFFFF;
	(pc) =	sbr.rel @!p0 .LBB2_11-.Ltmp1, $4  }
0x1e: {  	[hbm:s22], [sflag:s13] =	dma.local [spmem:s14], $0x2800  }
0x1f: {  	_ =	swait.ge [sflag:s25], $0x2800  }
0x20: {  	[sflag:s25] =	ssyncset.done $0x0  }
0x21: {  	[sflag:s25] =	ssyncadd.s32 $0xFFFFD800  }
.LBB2_1:
0x22: {  	s14 =	simm.s32 $0x200;
	s13 =	simm.s32 $0x0  }
.LBB2_2:
0x23: {  	p0 =	sne.s32 s14, $0x7E00;
	[tilespmem:s13+$0x8240] =	vst v0;
	s15 =	smov.u32 s14;
	s14 =	sadd.s32 $0x200, s14  }
.Ltmp2:
0x24: {  	[tilespmem:s13+$0x8230] =	vst v0;
	(pc) =	sbr.rel @p0 .LBB2_2-.Ltmp2, $4  }
0x25: {  	[tilespmem:s13+$0x8220] =	vst v0  }
0x26: {  	[tilespmem:s13+$0x8200] =	vst v0  }
0x27: {  	[tilespmem:s13+$0x8210] =	vst v0  }
0x28: {  	s13 =	sshra.s32 s15, $0x2  }
0x29: {  	[tilespmem:s13+$0x8240] =	vst v0  }
0x2a: {  	[tilespmem:s13+$0x8230] =	vst v0  }
0x2b: {  	[tilespmem:s13+$0x8220] =	vst v0  }
0x2c: {  	[tilespmem:s13+$0x8200] =	vst v0  }
0x2d: {  	[tilespmem:s13+$0x8210] =	vst v0  }
0x2e: {  	[spmem:s7] =	stream.linear.scatter [tilespmem:s24], [sflag:$0x3], $0x2000, $0x38;
	[tilespmem:$0x16A00] =	vst v63  }
0x2f: {  	_ =	swait.ge [sflag:s25], $0x2000  }
0x30: {  	[sflag:s25] =	ssyncset.done $0x0  }
0x31: {  	s17 =	rddreg [dreg:$0x3];
	[sflag:s25] =	ssyncadd.s32 $0xFFFFE000  }
0x32: {  	[spmem:s17] =	stream.linear.scatter [tilespmem:s24], [sflag:$0x3], $0x2000, $0x38;
	[tilespmem:$0x16A00] =	vst v63  }
0x33: {  	_ =	swait.ge [sflag:s25], $0x2000  }
0x34: {  	[sflag:s25] =	ssyncset.done $0x0  }
0x35: {  	s18 =	rddreg [dreg:$0x4];
	[sflag:s25] =	ssyncadd.s32 $0xFFFFE000  }
0x36: {  	[spmem:s18] =	stream.linear.scatter [tilespmem:s24], [sflag:$0x3], $0x2000, $0x38;
	[tilespmem:$0x16A00] =	vst v63  }
0x37: {  	_ =	swait.ge [sflag:s25], $0x2000  }
0x38: {  	[sflag:s25] =	ssyncset.done $0x0  }
0x39: {  	s19 =	rddreg [dreg:$0x5];
	[sflag:s25] =	ssyncadd.s32 $0xFFFFE000  }
0x3a: {  	[spmem:s19] =	stream.linear.scatter [tilespmem:s24], [sflag:$0x3], $0x2000, $0x38;
	[tilespmem:$0x16A00] =	vst v63  }
0x3b: {  	_ =	swait.ge [sflag:s25], $0x2000  }
0x3c: {  	[sflag:s25] =	ssyncset.done $0x0  }
0x3d: {  	s20 =	rddreg [dreg:$0x6];
	[sflag:s25] =	ssyncadd.s32 $0xFFFFE000  }
0x3e: {  	[spmem:s20] =	stream.linear.scatter [tilespmem:s24], [sflag:$0x3], $0x2000, $0x38;
	[tilespmem:$0x16A00] =	vst v63  }
0x3f: {  	_ =	swait.ge [sflag:s25], $0x2000  }
0x40: {  	[sflag:s25] =	ssyncset.done $0x0  }
0x41: {  	s14 =	rddreg [dreg:$0x7];
	[sflag:s25] =	ssyncadd.s32 $0xFFFFE000  }
0x42: {  	[spmem:s14] =	stream.linear.scatter [tilespmem:s24], [sflag:$0x3], $0x2000, $0x38;
	[tilespmem:$0x16A00] =	vst v63  }
0x43: {  	_ =	swait.ge [sflag:s25], $0x2000  }
0x44: {  	[sflag:s25] =	ssyncset.done $0x0  }
0x45: {  	s15 =	rddreg [dreg:$0x8];
	[sflag:s25] =	ssyncadd.s32 $0xFFFFE000  }
0x46: {  	[spmem:s15] =	stream.linear.scatter [tilespmem:s24], [sflag:$0x3], $0x2000, $0x38;
	[tilespmem:$0x16A00] =	vst v63  }
0x47: {  	_ =	swait.ge [sflag:s25], $0x2000  }
0x48: {  	[sflag:s25] =	ssyncset.done $0x0  }
0x49: {  	s16 =	rddreg [dreg:$0x9];
	[sflag:s25] =	ssyncadd.s32 $0xFFFFE000  }
0x4a: {  	[spmem:s16] =	stream.linear.scatter [tilespmem:s24], [sflag:$0x3], $0x2000, $0x38;
	[tilespmem:$0x16A00] =	vst v63  }
0x4b: {  	_ =	swait.ge [sflag:s25], $0x2000  }
0x4c: {  	[sflag:s25] =	ssyncset.done $0x0  }
0x4d: {  	s17 =	rddreg [dreg:$0xa];
	[sflag:s25] =	ssyncadd.s32 $0xFFFFE000  }
0x4e: {  	[spmem:s17] =	stream.linear.scatter [tilespmem:s24], [sflag:$0x3], $0x2000, $0x38;
	[tilespmem:$0x16A00] =	vst v63  }
0x4f: {  	_ =	swait.ge [sflag:s25], $0x2000  }
0x50: {  	[sflag:s25] =	ssyncset.done $0x0  }
0x51: {  	s18 =	rddreg [dreg:$0xb];
	[sflag:s25] =	ssyncadd.s32 $0xFFFFE000  }
0x52: {  	[spmem:s18] =	stream.linear.scatter [tilespmem:s24], [sflag:$0x3], $0x2000, $0x38;
	[tilespmem:$0x16A00] =	vst v63  }
0x53: {  	_ =	swait.ge [sflag:s25], $0x2000  }
0x54: {  	[sflag:s25] =	ssyncset.done $0x0  }
0x55: {  	[sflag:s25] =	ssyncadd.s32 $0xFFFFE000  }
0x56: {  	[bflag:$0x0] =	sbarrier.arrive $0xFFFF  }
0x57: {  	s13 =	simm.s32 $0x0;
	s14 =	rddreg [dreg:$0xc]  }
0x58: {  	[tilespmem:s13], [sflag:$0x1] =	stream.linear.gather [hbm4b:s14+s13], $0x80, $0x38;
	[tilespmem:$0x16A00] =	vst v63  }
0x59: {  	s19 =	rddreg [dreg:$0xd]  }
0x5a: {  	[tilespmem:s26], [sflag:$0x1] =	stream.linear.gather [hbm4b:s19+s13], $0x80, $0x38;
	[tilespmem:$0x16A00] =	vst v63  }
0x5b: {  	_ =	swait.ge [sflag:s28], $0x80  }
0x5c: {  	[sflag:s28] =	ssyncset.done $0x0  }
0x5d: {  	[sflag:s28] =	ssyncadd.s32 $0xFFFFFF80  }
0x5e: {  	_ =	swait.ge [sflag:s28], $0x80  }
0x5f: {  	[sflag:s28] =	ssyncset.done $0x0  }
0x60: {  	[sflag:s28] =	ssyncadd.s32 $0xFFFFFF80  }
0x61: {  	[tilespmem:s30], [sflag:$0x2] =	stream.indirect.gather [hbm4b:s6+s29], $0x80, s13, s29, $0xb8;
	[tilespmem:$0x16A00] =	vst v63  }
0x62: {  	_ = 	snop  }
0x63: {  	[tilespmem:s31], [sflag:$0x2] =	stream.indirect.gather [hbm4b:s6+s29], $0x80, s26, s29, $0xb8;
	[tilespmem:$0x16A00] =	vst v63  }
0x64: {  	s20 =	rddreg [dreg:$0xe]  }
0x65: {  	[tilespmem:s0], [sflag:$0x1] =	stream.linear.gather [hbm4b:s20+s13], $0x80, $0x38;
	[tilespmem:$0x16A00] =	vst v63  }
0x66: {  	_ = 	snop  }
0x67: {  	[tilespmem:s2], [sflag:$0x1] =	stream.linear.gather [hbm4b:s21+s13], $0x80, $0x38;
	[tilespmem:$0x16A00] =	vst v63  }
.LBB2_4:
0x68: {  	_ =	swait.ge [sflag:s8], $0x2000  }
0x69: {  	[sflag:s8] =	ssyncset.done $0x0  }
0x6a: {  	[sflag:s8] =	ssyncadd.s32 $0xFFFFE000  }
0x6b: {  	_ =	swait.ge [sflag:s8], $0x2000  }
0x6c: {  	[sflag:s8] =	ssyncset.done $0x0  }
0x6d: {  	s18 =	simm.s32 $0x0;
	[sflag:s8] =	ssyncadd.s32 $0xFFFFE000  }
0x6e: {  	v6 =	vld [tilespmem:s18+$0x4240];
	_ =	sdelay $0x1  }
0x6f: {  	v7 =	vld [tilespmem:s18+$0x240];
	_ =	sdelay $0x2  }
0x70: {  	v6 =	vperm.xlane v6, v1  }
0x71: {  	s17 =	simm.s32 $0x80  }
0x72: {  	v6 =	vadd.f32 v6, v7;
	v7 =	vld [tilespmem:s17+$0x4240];
	_ =	sdelay $0x1  }
0x73: {  	v9 =	vld [tilespmem:s17+$0x240];
	v8 =	vmul.f32 $2.000000030e-01, v6  }
0x74: {  	v22 =	vld [tilespmem:s18+$0x200]  }
0x75: {  	v15 =	vld [tilespmem:s18+$0x210];
	v6 =	vmax.f32 v6, v8  }
0x76: {  	s14 =	simm.s32 $0x100;
	v16 =	vld [tilespmem:s18+$0x220];
	v6 =	vmul.f32 $1.442695020e+00, v6;
	v7 =	vperm.xlane v7, v1  }
0x77: {  	v10 =	vld [tilespmem:s14+$0x4240]  }
0x78: {  	v14 =	vld [tilespmem:s17+$0x200];
	(erf) = vpow2.f32 v6;
	v6 =	vadd.f32 v7, v9  }
0x79: {  	v11 =	vld [tilespmem:s14+$0x240]  }
0x7a: {  	v13 =	vld [tilespmem:s17+$0x210];
	v17 =	vmul.f32 $2.000000030e-01, v6  }
0x7b: {  	s15 =	simm.s32 $0x180;
	v12 =	vld [tilespmem:s17+$0x220]  }
0x7c: {  	v18 =	vld [tilespmem:s15+$0x4240];
	v10 =	vperm.xlane v10, v1;
	v6 =	vmax.f32 v6, v17  }
0x7d: {  	v23 =	vld [tilespmem:s18+$0x230];
	v17 =	vmul.f32 $1.442695020e+00, v6  }
0x7e: {  	v20 =	vadd.f32 v10, v11;
	v10 =	vld [tilespmem:s15+$0x210]  }
0x7f: {  	v11 =	vld [tilespmem:s15+$0x220];
	(erf) = vpow2.f32 v17  }
0x80: {  	v21 =	vmul.f32 $2.000000030e-01, v20;
	v7 =	vld [tilespmem:s14+$0x210]  }
0x81: {  	v17 =	vld [tilespmem:s15+$0x240];
	v25 =	vpop (erf)  }
0x82: {  	v19 =	vperm.xlane v18, v1;
	v18 =	vmax.f32 v20, v21;
	v9 =	vld [tilespmem:s14+$0x220];
	v27 =	vperm.xlane v25, v5  }
0x83: {  	v8 =	vld [tilespmem:s14+$0x200];
	v21 =	vmul.f32 $1.442695020e+00, v18;
	v24 =	vnsel vm0, $0x0, v25;
	v26 =	vperm.xlane v25, v2  }
0x84: {  	s16 =	simm.s32 $0x200;
	v6 =	vld [tilespmem:s15+$0x200];
	v20 =	vperm.xlane v25, v3;
	[tilespmem:s18+$0x8240] =	vst v24;
	v23 =	vmul.f32 v23, v27  }
0x85: {  	s19 =	simm.s32 $0xA00;
	v18 =	vld [tilespmem:s16+$0x4240];
	v24 =	vmul.f32 v22, v26;
	v22 =	vperm.xlane v25, v4  }
.LBB2_5:
0x86: {  	p0 =	sne.s32 s19, $0x7E00;
	v25 =	vadd.f32 v19, v17;
	(erf) = vpow2.f32 v21;
	v26 =	vld [tilespmem:s17+$0x230];
	v19 =	vmul.f32 v15, v20;
	[tilespmem:s18+$0x8230] =	vst v23;
	v15 =	vmovc v13  }
0x87: {  	v13 =	vmovc v7;
	v27 =	vld [tilespmem:s16+$0x200];
	[tilespmem:s18+$0x8200] =	vst v24;
	v20 =	vmul.f32 v16, v22;
	v7 =	vmovc v10;
	v16 =	vmov v12;
	v12 =	vmov v9  }
.Ltmp3:
0x88: {  	v17 =	vld [tilespmem:s16+$0x240];
	v21 =	vmul.f32 $2.000000030e-01, v25;
	v22 =	vpop (erf);
	[tilespmem:s18+$0x8210] =	vst v19;
	v9 =	vmov v11;
	(pc) =	sbr.rel @p0 .LBB2_5-.Ltmp3, $4  }
0x89: {  	v10 =	vld [tilespmem:s16+$0x210];
	v23 =	vnsel vm0, $0x0, v22;
	v24 =	vperm.xlane v22, v2;
	v28 =	vperm.xlane v22, v5;
	[tilespmem:s18+$0x8220] =	vst v20;
	s18 =	smov.u32 s17;
	s17 =	smov.u32 s14;
	s14 =	smov.u32 s15  }
0x8a: {  	v20 =	vperm.xlane v22, v3;
	s15 =	smov.u32 s16;
	v19 =	vperm.xlane v18, v1;
	v11 =	vld [tilespmem:s16+$0x220];
	v18 =	vmax.f32 v25, v21;
	[tilespmem:s18+$0x8240] =	vst v23  }
0x8b: {  	s16 =	sshra.s32 s19, $0x2;
	v21 =	vmul.f32 $1.442695020e+00, v18;
	v23 =	vmul.f32 v26, v28  }
0x8c: {  	v22 =	vperm.xlane v22, v4;
	s19 =	sadd.s32 $0x200, s19;
	v24 =	vmul.f32 v14, v24;
	v14 =	vmovc v8;
	v8 =	vmovc v6;
	v18 =	vld [tilespmem:s16+$0x4240];
	v6 =	vmov v27  }
0x8d: {  	v25 =	vld [tilespmem:s17+$0x230];
	[tilespmem:s18+$0x8230] =	vst v23  }
0x8e: {  	v23 =	vld [tilespmem:s16+$0x200];
	[tilespmem:s18+$0x8200] =	vst v24  }
0x8f: {  	v17 =	vadd.f32 v19, v17;
	(erf) = vpow2.f32 v21;
	v19 =	vld [tilespmem:s16+$0x240]  }
0x90: {  	v15 =	vmul.f32 v15, v20  }
0x91: {  	v16 =	vmul.f32 v16, v22;
	v20 =	vmul.f32 $2.000000030e-01, v17;
	v21 =	vpop (erf)  }
0x92: {  	[tilespmem:s18+$0x8210] =	vst v15;
	v26 =	vperm.xlane v21, v2;
	v18 =	vperm.xlane v18, v1  }
0x93: {  	v15 =	vld [tilespmem:s16+$0x210];
	v22 =	vnsel vm0, $0x0, v21;
	v24 =	vperm.xlane v21, v5;
	[tilespmem:s18+$0x8220] =	vst v16;
	v16 =	vmax.f32 v17, v20  }
0x94: {  	v16 =	vmul.f32 $1.442695020e+00, v16;
	v14 =	vmul.f32 v14, v26;
	v18 =	vadd.f32 v18, v19  }
0x95: {  	v17 =	vperm.xlane v21, v3;
	v20 =	vld [tilespmem:s16+$0x220];
	[tilespmem:s17+$0x8240] =	vst v22;
	v19 =	vperm.xlane v21, v4  }
0x96: {  	(erf) = vpow2.f32 v16;
	v16 =	vld [tilespmem:s14+$0x230];
	v21 =	vmul.f32 $2.000000030e-01, v18  }
0x97: {  	v13 =	vmul.f32 v13, v17  }
0x98: {  	v24 =	vmul.f32 v25, v24;
	[tilespmem:s17+$0x8200] =	vst v14;
	v12 =	vmul.f32 v12, v19;
	v14 =	vpop (erf);
	v17 =	vmax.f32 v18, v21  }
0x99: {  	[tilespmem:s17+$0x8210] =	vst v13;
	v13 =	vperm.xlane v14, v5;
	v17 =	vmul.f32 $1.442695020e+00, v17  }
0x9a: {  	v19 =	vperm.xlane v14, v2;
	[tilespmem:s17+$0x8220] =	vst v12;
	v12 =	vperm.xlane v14, v3  }
0x9b: {  	[tilespmem:s17+$0x8230] =	vst v24;
	v18 =	vnsel vm0, $0x0, v14;
	v13 =	vmul.f32 v16, v13;
	(erf) = vpow2.f32 v17  }
0x9c: {  	v14 =	vperm.xlane v14, v4;
	[tilespmem:s14+$0x8240] =	vst v18;
	v8 =	vmul.f32 v8, v19  }
0x9d: {  	v16 =	vld [tilespmem:s15+$0x230];
	v7 =	vmul.f32 v7, v12;
	[tilespmem:s14+$0x8230] =	vst v13  }
0x9e: {  	[tilespmem:s14+$0x8200] =	vst v8;
	v8 =	vmul.f32 v9, v14  }
0x9f: {  	[tilespmem:s14+$0x8210] =	vst v7;
	v9 =	vpop (erf)  }
0xa0: {  	[tilespmem:s14+$0x8220] =	vst v8;
	v7 =	vnsel vm0, $0x0, v9;
	v12 =	vperm.xlane v9, v5  }
0xa1: {  	v8 =	vperm.xlane v9, v2;
	[tilespmem:s15+$0x8240] =	vst v7  }
0xa2: {  	v7 =	vperm.xlane v9, v3;
	v12 =	vmul.f32 v16, v12;
	v13 =	vld [tilespmem:s16+$0x230]  }
0xa3: {  	v6 =	vmul.f32 v6, v8;
	v8 =	vperm.xlane v9, v4  }
0xa4: {  	v7 =	vmul.f32 v10, v7;
	[tilespmem:s15+$0x8230] =	vst v12;
	v9 =	vpop (erf)  }
0xa5: {  	[tilespmem:s15+$0x8200] =	vst v6;
	v6 =	vmul.f32 v11, v8;
	v8 =	vperm.xlane v9, v5  }
0xa6: {  	[tilespmem:s15+$0x8210] =	vst v7;
	v7 =	vperm.xlane v9, v2  }
0xa7: {  	[tilespmem:s15+$0x8220] =	vst v6;
	v10 =	vnsel vm0, $0x0, v9;
	v6 =	vperm.xlane v9, v3;
	v8 =	vmul.f32 v13, v8  }
0xa8: {  	v9 =	vperm.xlane v9, v4;
	[tilespmem:s16+$0x8240] =	vst v10;
	v7 =	vmul.f32 v23, v7  }
0xa9: {  	v6 =	vmul.f32 v15, v6;
	[tilespmem:s16+$0x8230] =	vst v8  }
0xaa: {  	[tilespmem:s16+$0x8200] =	vst v7;
	v7 =	vmul.f32 v20, v9  }
0xab: {  	[tilespmem:s16+$0x8210] =	vst v6  }
0xac: {  	[tilespmem:s16+$0x8220] =	vst v7  }
0xad: {  	_ =	swait.ge [sflag:s28], $0x80  }
0xae: {  	[sflag:s28] =	ssyncset.done $0x0  }
0xaf: {  	[sflag:s28] =	ssyncadd.s32 $0xFFFFFF80  }
0xb0: {  	_ =	swait.ge [sflag:s28], $0x80  }
0xb1: {  	p0 =	seq.s32 s13, $0x50;
	s14 =	sshll.u32 s13, $0x8;
	[sflag:s28] =	ssyncset.done $0x0  }
0xb2: {  	s15 =	sadd.s32 @!p0 $0x100, s14;
	[sflag:s28] =	ssyncadd.s32 $0xFFFFFF80  }
0xb3: {  	[tilespmem:s9], [sflag:$0x2] =	stream.indirect.gather [hbm4b:s6+s29], $0x80, s0, s29, $0xb8;
	[tilespmem:$0x16A00] =	vst v63  }
0xb4: {  	s16 =	sand.u32 @!p0 $0xFC00, s15  }
0xb5: {  	[tilespmem:s10], [sflag:$0x2] =	stream.indirect.gather [hbm4b:s6+s29], $0x80, s2, s29, $0xb8;
	[tilespmem:$0x16A00] =	vst v63  }
0xb6: {  	s15 =	sand.u32 @!p0 $0x300, s15;
	s16 =	sadd.s32 @!p0 s11, s16  }
0xb7: {  	[spmem:s1] =	stream.indirect.scatter.add.f32 [tilespmem:s24], [sflag:$0x3], $0x50, s26, s29, $0xb8;
	[tilespmem:$0x16A00] =	vst v63  }
0xb8: {  	s15 =	sor.u32 @!p0 s15, s16;
	_ =	swait.ge [sflag:s25], $0x1400  }
0xb9: {  	s15 =	sshrl.u32 @!p0 s15, $0x3;
	[sflag:s25] =	ssyncset.done $0x0  }
0xba: {  	s17 =	simm.s32 @!p0 $0x0;
	s16 =	sadd.s32 @!p0 s4, s15;
	[sflag:s25] =	ssyncadd.s32 $0xFFFFEC00  }
0xbb: {  	[tilespmem:s17], [sflag:$0x1] =	stream.linear.gather @!p0 [hbm4b:s16+s17], $0x80, $0x38;
	[tilespmem:$0x16A00] =	vst v63  }
0xbc: {  	s15 =	sadd.s32 @!p0 s5, s15;
	s16 =	simm.s32 @!p0 $0x100  }
0xbd: {  	[tilespmem:s16], [sflag:$0x1] =	stream.linear.gather @!p0 [hbm4b:s15+s17], $0x80, $0x38;
	[tilespmem:$0x16A00] =	vst v63  }
0xbe: {  	_ =	swait.ge [sflag:s8], $0x2000  }
0xbf: {  	[sflag:s8] =	ssyncset.done $0x0  }
0xc0: {  	[sflag:s8] =	ssyncadd.s32 $0xFFFFE000  }
0xc1: {  	_ =	swait.ge [sflag:s8], $0x2000  }
0xc2: {  	[sflag:s8] =	ssyncset.done $0x0  }
0xc3: {  	s19 =	simm.s32 $0x0;
	[sflag:s8] =	ssyncadd.s32 $0xFFFFE000  }
0xc4: {  	v6 =	vld [tilespmem:s19+$0x6240];
	_ =	sdelay $0x1  }
0xc5: {  	v7 =	vld [tilespmem:s19+$0x2240];
	_ =	sdelay $0x2  }
0xc6: {  	v6 =	vperm.xlane v6, v1  }
0xc7: {  	s18 =	simm.s32 $0x80  }
0xc8: {  	v6 =	vadd.f32 v6, v7;
	v7 =	vld [tilespmem:s18+$0x6240];
	_ =	sdelay $0x1  }
0xc9: {  	v9 =	vld [tilespmem:s18+$0x2240];
	v8 =	vmul.f32 $2.000000030e-01, v6  }
0xca: {  	v22 =	vld [tilespmem:s19+$0x2200]  }
0xcb: {  	v15 =	vld [tilespmem:s19+$0x2210];
	v6 =	vmax.f32 v6, v8  }
0xcc: {  	s15 =	simm.s32 $0x100;
	v16 =	vld [tilespmem:s19+$0x2220];
	v6 =	vmul.f32 $1.442695020e+00, v6;
	v7 =	vperm.xlane v7, v1  }
0xcd: {  	v10 =	vld [tilespmem:s15+$0x6240]  }
0xce: {  	v14 =	vld [tilespmem:s18+$0x2200];
	(erf) = vpow2.f32 v6;
	v6 =	vadd.f32 v7, v9  }
0xcf: {  	v11 =	vld [tilespmem:s15+$0x2240]  }
0xd0: {  	v13 =	vld [tilespmem:s18+$0x2210];
	v17 =	vmul.f32 $2.000000030e-01, v6  }
0xd1: {  	s16 =	simm.s32 $0x180;
	v12 =	vld [tilespmem:s18+$0x2220]  }
0xd2: {  	v18 =	vld [tilespmem:s16+$0x6240];
	v10 =	vperm.xlane v10, v1;
	v6 =	vmax.f32 v6, v17  }
0xd3: {  	v23 =	vld [tilespmem:s19+$0x2230];
	v17 =	vmul.f32 $1.442695020e+00, v6  }
0xd4: {  	v20 =	vadd.f32 v10, v11;
	v10 =	vld [tilespmem:s16+$0x2210]  }
0xd5: {  	v11 =	vld [tilespmem:s16+$0x2220];
	(erf) = vpow2.f32 v17  }
0xd6: {  	v21 =	vmul.f32 $2.000000030e-01, v20;
	v7 =	vld [tilespmem:s15+$0x2210]  }
0xd7: {  	v17 =	vld [tilespmem:s16+$0x2240];
	v25 =	vpop (erf)  }
0xd8: {  	v19 =	vperm.xlane v18, v1;
	v18 =	vmax.f32 v20, v21;
	v9 =	vld [tilespmem:s15+$0x2220];
	v27 =	vperm.xlane v25, v5  }
0xd9: {  	v8 =	vld [tilespmem:s15+$0x2200];
	v21 =	vmul.f32 $1.442695020e+00, v18;
	v24 =	vnsel vm0, $0x0, v25;
	v26 =	vperm.xlane v25, v2  }
0xda: {  	s17 =	simm.s32 $0x200;
	v6 =	vld [tilespmem:s16+$0x2200];
	v20 =	vperm.xlane v25, v3;
	[tilespmem:s19+$0x8240] =	vst v24;
	v23 =	vmul.f32 v23, v27  }
0xdb: {  	s20 =	simm.s32 $0xA00;
	v18 =	vld [tilespmem:s17+$0x6240];
	v24 =	vmul.f32 v22, v26;
	v22 =	vperm.xlane v25, v4  }
.LBB2_7:
0xdc: {  	p1 =	sne.s32 s20, $0x7E00;
	v25 =	vadd.f32 v19, v17;
	(erf) = vpow2.f32 v21;
	v26 =	vld [tilespmem:s18+$0x2230];
	v19 =	vmul.f32 v15, v20;
	[tilespmem:s19+$0x8230] =	vst v23;
	v15 =	vmovc v13  }
0xdd: {  	v13 =	vmovc v7;
	v27 =	vld [tilespmem:s17+$0x2200];
	[tilespmem:s19+$0x8200] =	vst v24;
	v20 =	vmul.f32 v16, v22;
	v7 =	vmovc v10;
	v16 =	vmov v12;
	v12 =	vmov v9  }
.Ltmp4:
0xde: {  	v17 =	vld [tilespmem:s17+$0x2240];
	v21 =	vmul.f32 $2.000000030e-01, v25;
	v22 =	vpop (erf);
	[tilespmem:s19+$0x8210] =	vst v19;
	v9 =	vmov v11;
	(pc) =	sbr.rel @p1 .LBB2_7-.Ltmp4, $4  }
0xdf: {  	v10 =	vld [tilespmem:s17+$0x2210];
	v23 =	vnsel vm0, $0x0, v22;
	v24 =	vperm.xlane v22, v2;
	v28 =	vperm.xlane v22, v5;
	[tilespmem:s19+$0x8220] =	vst v20;
	s19 =	smov.u32 s18;
	s18 =	smov.u32 s15;
	s15 =	smov.u32 s16  }
0xe0: {  	v20 =	vperm.xlane v22, v3;
	s16 =	smov.u32 s17;
	v19 =	vperm.xlane v18, v1;
	v11 =	vld [tilespmem:s17+$0x2220];
	v18 =	vmax.f32 v25, v21;
	[tilespmem:s19+$0x8240] =	vst v23  }
0xe1: {  	s17 =	sshra.s32 s20, $0x2;
	v21 =	vmul.f32 $1.442695020e+00, v18;
	v23 =	vmul.f32 v26, v28  }
0xe2: {  	v22 =	vperm.xlane v22, v4;
	s20 =	sadd.s32 $0x200, s20;
	v24 =	vmul.f32 v14, v24;
	v14 =	vmovc v8;
	v8 =	vmovc v6;
	v18 =	vld [tilespmem:s17+$0x6240];
	v6 =	vmov v27  }
0xe3: {  	v25 =	vld [tilespmem:s18+$0x2230];
	[tilespmem:s19+$0x8230] =	vst v23  }
0xe4: {  	v23 =	vld [tilespmem:s17+$0x2200];
	[tilespmem:s19+$0x8200] =	vst v24  }
0xe5: {  	v17 =	vadd.f32 v19, v17;
	(erf) = vpow2.f32 v21;
	v38 =	vld [tilespmem:s17+$0x2240];
	_ =	sdelay $0x1  }
0xe6: {  	v15 =	vmul.f32 v15, v20;
	v39 =	vmul.f32 $2.000000030e-01, v17;
	v40 =	vpop (erf)  }
0xe7: {  	v16 =	vmul.f32 v16, v22;
	v41 =	vnsel vm0, $0x0, v40;
	v18 =	vperm.xlane v18, v1  }
0xe8: {  	[tilespmem:s19+$0x8210] =	vst v15;
	v42 =	vperm.xlane v40, v5;
	v26 =	vperm.xlane v40, v2;
	v43 =	vmax.f32 v17, v39  }
0xe9: {  	v15 =	vld [tilespmem:s17+$0x2210];
	[tilespmem:s19+$0x8220] =	vst v16;
	v44 =	vperm.xlane v40, v3;
	v16 =	vmul.f32 $1.442695020e+00, v43;
	v18 =	vadd.f32 v18, v38  }
0xea: {  	v46 =	vperm.xlane v40, v4;
	v45 =	vld [tilespmem:s17+$0x2220];
	[tilespmem:s18+$0x8240] =	vst v41;
	v24 =	vmul.f32 v25, v42  }
0xeb: {  	v47 =	vld [tilespmem:s15+$0x2230];
	(erf) = vpow2.f32 v16;
	v48 =	vmul.f32 $2.000000030e-01, v18  }
0xec: {  	v14 =	vmul.f32 v14, v26  }
0xed: {  	v13 =	vmul.f32 v13, v44;
	v12 =	vmul.f32 v12, v46;
	[tilespmem:s18+$0x8230] =	vst v24;
	v49 =	vpop (erf);
	v50 =	vmax.f32 v18, v48  }
0xee: {  	[tilespmem:s18+$0x8200] =	vst v14;
	v51 =	vperm.xlane v49, v5;
	v17 =	vmul.f32 $1.442695020e+00, v50  }
0xef: {  	[tilespmem:s18+$0x8210] =	vst v13;
	v53 =	vperm.xlane v49, v2;
	v54 =	vperm.xlane v49, v3  }
0xf0: {  	[tilespmem:s18+$0x8220] =	vst v12;
	v52 =	vnsel vm0, $0x0, v49;
	v13 =	vmul.f32 v47, v51;
	(erf) = vpow2.f32 v17  }
0xf1: {  	v14 =	vperm.xlane v49, v4;
	[tilespmem:s15+$0x8240] =	vst v52;
	v8 =	vmul.f32 v8, v53  }
0xf2: {  	v55 =	vld [tilespmem:s16+$0x2230];
	v7 =	vmul.f32 v7, v54;
	[tilespmem:s15+$0x8230] =	vst v13  }
0xf3: {  	v56 =	vmul.f32 v9, v14;
	[tilespmem:s15+$0x8200] =	vst v8  }
0xf4: {  	[tilespmem:s15+$0x8210] =	vst v7;
	v57 =	vpop (erf)  }
0xf5: {  	[tilespmem:s15+$0x8220] =	vst v56;
	v7 =	vnsel vm0, $0x0, v57;
	v58 =	vperm.xlane v57, v5  }
0xf6: {  	v59 =	vperm.xlane v57, v2;
	[tilespmem:s16+$0x8240] =	vst v7  }
0xf7: {  	v7 =	vperm.xlane v57, v3;
	v12 =	vmul.f32 v55, v58;
	v13 =	vld [tilespmem:s17+$0x2230]  }
0xf8: {  	v60 =	vperm.xlane v57, v4;
	v6 =	vmul.f32 v6, v59  }
0xf9: {  	v7 =	vmul.f32 v10, v7;
	[tilespmem:s16+$0x8230] =	vst v12;
	v61 =	vpop (erf)  }
0xfa: {  	[tilespmem:s16+$0x8200] =	vst v6;
	v6 =	vmul.f32 v11, v60;
	v62 =	vperm.xlane v61, v5  }
0xfb: {  	[tilespmem:s16+$0x8210] =	vst v7;
	v7 =	vperm.xlane v61, v2  }
0xfc: {  	[tilespmem:s16+$0x8220] =	vst v6;
	v63 =	vnsel vm0, $0x0, v61;
	v6 =	vperm.xlane v61, v3;
	v8 =	vmul.f32 v13, v62  }
.Ltmp5:
0xfd: {  	v9 =	vperm.xlane v61, v4;
	[tilespmem:s17+$0x8240] =	vst v63;
	v7 =	vmul.f32 v23, v7;
	(pc) =	sbr.rel @p0 .LBB2_10-.Ltmp5, $4  }
0xfe: {  	v6 =	vmul.f32 v15, v6;
	[tilespmem:s17+$0x8230] =	vst v8  }
0xff: {  	[tilespmem:s17+$0x8200] =	vst v7;
	v7 =	vmul.f32 v45, v9  }
0x100: {  	[tilespmem:s17+$0x8210] =	vst v6  }
0x101: {  	[tilespmem:s17+$0x8220] =	vst v7  }
0x102: {  	_ =	swait.ge [sflag:s28], $0x80  }
0x103: {  	[sflag:s28] =	ssyncset.done $0x0  }
0x104: {  	[sflag:s28] =	ssyncadd.s32 $0xFFFFFF80  }
0x105: {  	_ =	swait.ge [sflag:s28], $0x80  }
0x106: {  	[sflag:s28] =	ssyncset.done $0x0  }
0x107: {  	s14 =	sadd.s32 $0x180, s14;
	[sflag:s28] =	ssyncadd.s32 $0xFFFFFF80  }
0x108: {  	[tilespmem:s30], [sflag:$0x2] =	stream.indirect.gather [hbm4b:s6+s29], $0x80, s3, s29, $0xb8;
	[tilespmem:$0x16A00] =	vst v63  }
0x109: {  	s15 =	sand.u32 $0xFC00, s14  }
0x10a: {  	[tilespmem:s31], [sflag:$0x2] =	stream.indirect.gather [hbm4b:s6+s29], $0x80, s26, s29, $0xb8;
	[tilespmem:$0x16A00] =	vst v63  }
0x10b: {  	s14 =	sand.u32 $0x380, s14;
	s15 =	sadd.s32 s11, s15  }
0x10c: {  	[spmem:s1] =	stream.indirect.scatter.add.f32 [tilespmem:s24], [sflag:$0x3], $0x50, s2, s29, $0xb8;
	[tilespmem:$0x16A00] =	vst v63  }
0x10d: {  	s14 =	sor.u32 s14, s15;
	_ =	swait.ge [sflag:s25], $0x1400  }
.Ltmp6:
0x10e: {  	s14 =	sshrl.u32 s14, $0x3;
	[sflag:s25] =	ssyncset.done $0x0;
	(pc) =	sbr.rel .LBB2_4-.Ltmp6, $4  }
0x10f: {  	s20 =	sadd.s32 s4, s14;
	[sflag:s25] =	ssyncadd.s32 $0xFFFFEC00  }
0x110: {  	[tilespmem:s0], [sflag:$0x1] =	stream.linear.gather [hbm4b:s20+s3], $0x80, $0x38;
	[tilespmem:$0x16A00] =	vst v63  }
0x111: {  	s13 =	sadd.s32 $0x1, s13;
	s14 =	sadd.s32 s5, s14  }
0x112: {  	[tilespmem:s2], [sflag:$0x1] =	stream.linear.gather [hbm4b:s14+s3], $0x80, $0x38;
	[tilespmem:$0x16A00] =	vst v63  }
.LBB2_11:
0x113: {  	_ =	sfence.sel $0x180000  }
0x114: {  	[bflag:$0x0] =	sbarrier.arrive $0xFFFF  }
0x115: {  	_ =	strace $0x90000047  }
0x116: {  	s0 =	stileid.u32;
	[bflag:$0x2] =	sbarrier.arrive $0xFFFF  }
0x117: {  	p0 =	sne.s32 s0, $0x0;
	s0 =	rddreg [dreg:$0x2]  }
0x118: {  	s0 =	sadd.s32 @!p0 $0x100000, s0  }
0x119: {  	[sflag:s0] =	ssyncadd.tile.s32 @!p0 $0x1;
	_ =	shalt  }
.Lfunc_end2:
_tile_overlayer_lowered:
.L_overlay_start_2:
0x11a: {  	(tag) =	ssettag $0x2  }
0x11b: {  	s0 =	rddreg [dreg:$0x0];
	s2 =	stileid.u32  }
0x11c: {  	s1 =	rddreg [dreg:$0x1];
	p0 =	sne.s32 s2, $0x0  }
0x11d: {  	s3 =	rddreg [dreg:$0x2];
	[bflag:$0x3] =	sbarrier.arrive $0xFFFF;
	s2 =	simm.s32 @!p0 $0x1C03  }
0x11e: {  	[timem:s3], [sflag:s2] =	dma.local @!p0 [hbm:s0], s1  }
0x11f: {  	s0 =	simm.s32 @!p0 $0x3  }
0x120: {  	_ =	swait.ge @!p0 [sflag:s0], s1  }
0x121: {  	s1 =	ssub.s32 @!p0 $0x0, s1;
	[sflag:s0] =	ssyncset.done @!p0 $0x0  }
0x122: {  	[sflag:s0] =	ssyncadd.s32 @!p0 s1  }
0x123: {  	[bflag:$0x3] =	sbarrier.arrive $0xFFFF  }
0x124: {  	_ =	shalt  }

</sc_bundles>
